<compile_context>
chip_gen: v7x
topology: tpu7x:2x2x1
jax: 0.10.2.dev20260603
libtpu: 0.0.44.dev20260713+nightly
codegen_flags: <defaults>
</compile_context>

<pallas_src>
import functools

import jax
import jax.numpy as jnp
from jax import lax
from jax.experimental import pallas as pl
from jax.experimental.pallas import tpu as pltpu
from jax.experimental.pallas import tpu_sc as plsc

N = 50000
HALF = 25000
HID, HEADS = 32, 2
F = HEADS * HID

E_RAW = 800000
ET = E_RAW + N
CH = 384
NWORK = 32
CHUNKS = 2240
ET_PAD = CHUNKS * CH
PAD = ET_PAD - ET
IPW = CHUNKS // NWORK
MW = 72
CH_S = 192
CPS = ET_PAD // CH_S // 16
NH = 25088
RPS = NH // 16

BN = 2000
BE = 8192
GB = ET_PAD // BE


@functools.lru_cache(maxsize=None)
def _sc_gather_build():
    mesh = plsc.VectorSubcoreMesh(core_axis_name="c", subcore_axis_name="s",
                                  num_cores=2, num_subcores=16)
    return functools.partial(
        pl.kernel,
        mesh=mesh,
        out_type=jax.ShapeDtypeStruct((2 * ET_PAD, F), jnp.float32),
        scratch_types=[
            pltpu.VMEM((2 * CH,), jnp.int32),
            pltpu.VMEM((2 * CH,), jnp.int32),
            pltpu.VMEM((2 * CH, F), jnp.float32),
            pltpu.VMEM((2 * CH, F), jnp.float32),
            pltpu.SemaphoreType.DMA,
            pltpu.SemaphoreType.DMA,
            pltpu.SemaphoreType.DMA,
            pltpu.SemaphoreType.DMA,
            pltpu.SemaphoreType.DMA,
            pltpu.SemaphoreType.DMA,
        ],
        compiler_params=pltpu.CompilerParams(use_tc_tiling_on_sc=False),
    )(_sc_gather_body)


def _sc_gather(x2, idx2):
    return _sc_gather_build()(x2, idx2)


def _sc_gather_body(x2_hbm, idx2_hbm, sr_out,
                    idx_a, idx_b, sr_a, sr_b,
                    sem_ia, sem_ib, sem_ga, sem_gb, sem_wa, sem_wb):
    wid = lax.axis_index("s") * 2 + lax.axis_index("c")
    bufs = [(idx_a, sr_a, sem_ia, sem_ga, sem_wa),
            (idx_b, sr_b, sem_ib, sem_gb, sem_wb)]

    def base_of(g):
        return (wid * IPW + g) * (2 * CH)

    def start_idx(g, p):
        idx_v, _, sem_i, _, _ = bufs[p]
        pltpu.make_async_copy(
            idx2_hbm.at[pl.ds(base_of(g), 2 * CH)], idx_v, sem_i).start()

    def step(g, p, wait_w, wait_prev, start_next):
        idx_v, sr_v, sem_i, sem_g, sem_w = bufs[p]
        q = 1 - p
        idx_q, sr_q, _, sem_gq, sem_wq = bufs[q]
        pltpu.make_async_copy(
            idx2_hbm.at[pl.ds(0, 2 * CH)], idx_v, sem_i).wait()
        if wait_w:
            pltpu.make_async_copy(
                sr_v, sr_out.at[pl.ds(0, 2 * CH)], sem_w).wait()
        pltpu.make_async_copy(x2_hbm.at[idx_v], sr_v, sem_g).start()
        if wait_prev:
            pltpu.make_async_copy(x2_hbm.at[idx_q], sr_q, sem_gq).wait()
            pltpu.make_async_copy(
                sr_q, sr_out.at[pl.ds(base_of(g - 1), 2 * CH)], sem_wq).start()
        if start_next:
            start_idx(g + 1, q)

    start_idx(0, 0)
    step(0, 0, False, False, True)
    step(1, 1, False, True, True)

    def body(t, carry):
        g = 2 * t
        step(g, 0, True, True, True)
        step(g + 1, 1, True, True, True)
        return carry

    lax.fori_loop(1, IPW // 2 - 1, body, 0)
    step(IPW - 2, 0, True, True, True)
    step(IPW - 1, 1, True, True, False)
    pltpu.make_async_copy(x2_hbm.at[bufs[1][0]], bufs[1][1], bufs[1][3]).wait()
    pltpu.make_async_copy(
        bufs[1][1], sr_out.at[pl.ds(base_of(IPW - 1), 2 * CH)],
        bufs[1][4]).start()
    pltpu.make_async_copy(
        bufs[0][1], sr_out.at[pl.ds(0, 2 * CH)], bufs[0][4]).wait()
    pltpu.make_async_copy(
        bufs[1][1], sr_out.at[pl.ds(0, 2 * CH)], bufs[1][4]).wait()


@functools.lru_cache(maxsize=None)
def _sc_scatter_build():
    mesh = plsc.VectorSubcoreMesh(core_axis_name="c", subcore_axis_name="s",
                                  num_cores=2, num_subcores=16)
    return functools.partial(
        pl.kernel,
        mesh=mesh,
        out_type=jax.ShapeDtypeStruct((2 * NH, MW), jnp.float32),
        scratch_types=[
            pltpu.VMEM_SHARED((NH, MW), jnp.float32),
            pltpu.VMEM((CH_S,), jnp.int32),
            pltpu.VMEM((CH_S,), jnp.int32),
            pltpu.VMEM((CH_S, MW), jnp.float32),
        ],
        compiler_params=pltpu.CompilerParams(use_tc_tiling_on_sc=False),
    )(_sc_scatter_body)


def _sc_scatter(msg, dst_t, zeros_hbm):
    return _sc_scatter_build()(msg, dst_t, zeros_hbm)


def _sc_scatter_body(msg_hbm, dst_hbm, zeros_hbm, acc_out,
                     acc, dst_v, loc_v, msg_v):
    c = lax.axis_index("c")
    s = lax.axis_index("s")
    base_node = c * HALF

    pltpu.sync_copy(zeros_hbm.at[pl.ds(s * RPS, RPS)],
                    acc.at[pl.ds(s * RPS, RPS)])
    plsc.subcore_barrier()

    def body(g, carry):
        base = (s * CPS + g) * CH_S
        pltpu.sync_copy(dst_hbm.at[pl.ds(base, CH_S)], dst_v)

        def adjust(j, carry2):
            d = dst_v[pl.ds(j * 16, 16)]
            off = d - base_node
            ok = (off >= 0) & (off < HALF)
            loc_v[pl.ds(j * 16, 16)] = jnp.where(ok, off, HALF)
            return carry2

        lax.fori_loop(0, CH_S // 16, adjust, 0)
        pltpu.sync_copy(msg_hbm.at[pl.ds(base, CH_S)], msg_v)
        pltpu.sync_copy(msg_v, acc.at[loc_v], add=True)
        return carry

    lax.fori_loop(0, CPS, body, 0)
    plsc.subcore_barrier()
    pltpu.sync_copy(acc.at[pl.ds(s * RPS, RPS)],
                    acc_out.at[pl.ds(c * NH + s * RPS, RPS)])


def _proj1_body(xc_ref, idx_ref, wc_ref, tcat_ref, b_ref, xl_ref, xr_ref):
    k = lax.broadcasted_iota(jnp.int32, (1, 32), 1)
    ih = idx_ref[:, 0:1]
    il = idx_ref[:, 1:2] + 16
    io = idx_ref[:, 2:3] + 24
    oh = ((k == ih).astype(jnp.float32) + (k == il).astype(jnp.float32)
          + (k == io).astype(jnp.float32))
    out = (jnp.dot(xc_ref[...], wc_ref[...], preferred_element_type=jnp.float32)
           + jnp.dot(oh, tcat_ref[...], preferred_element_type=jnp.float32)
           + b_ref[...])
    xl_ref[...] = out[:, :F]
    xr_ref[...] = out[:, F:]


def _proj1(x_cont, idx3, Wc, Tcat, b):
    return pl.pallas_call(
        _proj1_body,
        grid=(N // BN,),
        in_specs=[
            pl.BlockSpec((BN, 12), lambda i: (i, 0)),
            pl.BlockSpec((BN, 3), lambda i: (i, 0)),
            pl.BlockSpec((12, 2 * F), lambda i: (0, 0)),
            pl.BlockSpec((32, 2 * F), lambda i: (0, 0)),
            pl.BlockSpec((1, 2 * F), lambda i: (0, 0)),
        ],
        out_specs=[
            pl.BlockSpec((BN, F), lambda i: (i, 0)),
            pl.BlockSpec((BN, F), lambda i: (i, 0)),
        ],
        out_shape=[
            jax.ShapeDtypeStruct((N, F), jnp.float32),
            jax.ShapeDtypeStruct((N, F), jnp.float32),
        ],
    )(x_cont, idx3, Wc, Tcat, b)


def _maxlog_body(sr_ref, a_ref, o_ref):
    i = pl.program_id(0)
    sr = sr_ref[...]
    u = sr[:, :F] + sr[:, F:]
    u = jnp.where(u >= 0, u, 0.2 * u)
    lg = jnp.dot(u, a_ref[...], preferred_element_type=jnp.float32)
    m = jnp.max(lg, axis=0, keepdims=True)
    mb = jnp.concatenate(
        [m, jnp.full((1, 128 - HEADS), -3e38, jnp.float32)], axis=1)

    @pl.when(i == 0)
    def _():
        o_ref[...] = mb

    @pl.when(i != 0)
    def _():
        o_ref[...] = jnp.maximum(o_ref[...], mb)


def _maxlog(SR, A):
    return pl.pallas_call(
        _maxlog_body,
        grid=(GB,),
        in_specs=[
            pl.BlockSpec((BE, 2 * F), lambda i: (i, 0)),
            pl.BlockSpec((F, HEADS), lambda i: (0, 0)),
        ],
        out_specs=pl.BlockSpec((1, 128), lambda i: (0, 0)),
        out_shape=jax.ShapeDtypeStruct((1, 128), jnp.float32),
    )(SR, A)


def _msg_body(sr_ref, a_ref, g_ref, o_ref):
    sr = sr_ref[...]
    u = sr[:, :F] + sr[:, F:]
    u = jnp.where(u >= 0, u, 0.2 * u)
    lg = jnp.dot(u, a_ref[...], preferred_element_type=jnp.float32)
    ex = jnp.exp(lg - g_ref[...])
    o_ref[...] = jnp.concatenate(
        [sr[:, :HID] * ex[:, 0:1], sr[:, HID:F] * ex[:, 1:2], ex,
         jnp.zeros((BE, MW - F - HEADS), jnp.float32)], axis=1)


def _msg(SR, A, g):
    return pl.pallas_call(
        _msg_body,
        grid=(GB,),
        in_specs=[
            pl.BlockSpec((BE, 2 * F), lambda i: (i, 0)),
            pl.BlockSpec((F, HEADS), lambda i: (0, 0)),
            pl.BlockSpec((1, HEADS), lambda i: (0, 0)),
        ],
        out_specs=pl.BlockSpec((BE, MW), lambda i: (i, 0)),
        out_shape=jax.ShapeDtypeStruct((ET_PAD, MW), jnp.float32),
    )(SR, A, g)


def _proj2_body(a_ref, b1_ref, w_ref, b_ref, xl_ref, xr_ref):
    a = a_ref[...]
    o0 = a[:, :HID] / (a[:, F:F + 1] + 1e-16)
    o1 = a[:, HID:F] / (a[:, F + 1:F + 2] + 1e-16)
    o = jnp.concatenate([o0, o1], axis=1) + b1_ref[...]
    h = jnp.where(o > 0, o, jnp.exp(o) - 1.0)
    out = jnp.dot(h, w_ref[...], preferred_element_type=jnp.float32) + b_ref[...]
    xl_ref[...] = out[:, :F]
    xr_ref[...] = out[:, F:]


def _proj2(nodes, bias1, W2, b2):
    return pl.pallas_call(
        _proj2_body,
        grid=(N // BN,),
        in_specs=[
            pl.BlockSpec((BN, MW), lambda i: (i, 0)),
            pl.BlockSpec((1, F), lambda i: (0, 0)),
            pl.BlockSpec((F, 2 * F), lambda i: (0, 0)),
            pl.BlockSpec((1, 2 * F), lambda i: (0, 0)),
        ],
        out_specs=[
            pl.BlockSpec((BN, F), lambda i: (i, 0)),
            pl.BlockSpec((BN, F), lambda i: (i, 0)),
        ],
        out_shape=[
            jax.ShapeDtypeStruct((N, F), jnp.float32),
            jax.ShapeDtypeStruct((N, F), jnp.float32),
        ],
    )(nodes, bias1, W2, b2)


def _heads_body(a_ref, b2_ref, w_ref, b_ref, o_ref):
    a = a_ref[...]
    o0 = a[:, :HID] / (a[:, F:F + 1] + 1e-16)
    o1 = a[:, HID:F] / (a[:, F + 1:F + 2] + 1e-16)
    o = (o0 + o1) * 0.5 + b2_ref[...]
    h = jnp.where(o > 0, o, jnp.exp(o) - 1.0)
    o_ref[...] = jnp.dot(h, w_ref[...], preferred_element_type=jnp.float32) + b_ref[...]


def _heads(nodes, bias2, Wcat, bcat):
    m = Wcat.shape[1]
    return pl.pallas_call(
        _heads_body,
        grid=(N // BN,),
        in_specs=[
            pl.BlockSpec((BN, MW), lambda i: (i, 0)),
            pl.BlockSpec((1, HID), lambda i: (0, 0)),
            pl.BlockSpec((HID, m), lambda i: (0, 0)),
            pl.BlockSpec((1, m), lambda i: (0, 0)),
        ],
        out_specs=pl.BlockSpec((BN, m), lambda i: (i, 0)),
        out_shape=jax.ShapeDtypeStruct((N, m), jnp.float32),
    )(nodes, bias2, Wcat, bcat)


def _edge_stage(xl, xr, att, idx2, dst_t, zeros_hbm):
    x2 = jnp.concatenate([xl, xr], axis=0)
    sr_flat = _sc_gather(x2, idx2)
    SR = sr_flat.reshape(ET_PAD, 2 * F)
    A = jnp.zeros((F, HEADS), jnp.float32)
    A = A.at[:HID, 0].set(att[0])
    A = A.at[HID:, 1].set(att[1])
    g = _maxlog(SR, A)[0:1, 0:HEADS]
    msg = _msg(SR, A, g)
    accs = _sc_scatter(msg, dst_t, zeros_hbm)
    return jnp.concatenate([accs[:HALF], accs[NH:NH + HALF]], axis=0)


def kernel(x_cont, highway_in, lanes_in, oneway_in, edge_index,
           hwy_table, lanes_table, oneway_table,
           Wl1, bl1, Wr1, br1, att1, bias1,
           Wl2, bl2, Wr2, br2, att2, bias2,
           Wh, bh, Wlan, blan, Wonw, bonw, Wwid, bwid, Wmax, bmax, Wmin, bmin):
    f32 = jnp.float32
    loop = jnp.arange(N, dtype=jnp.int32)
    src = edge_index[0].astype(jnp.int32)
    dst = edge_index[1].astype(jnp.int32)
    pad0 = jnp.zeros((PAD,), jnp.int32)
    src_g = jnp.concatenate([src, loop, pad0])
    dst_g = jnp.concatenate([dst, loop, pad0])
    idx2 = jnp.stack([src_g, dst_g + N], axis=1).reshape(2 * ET_PAD)
    dst_t = jnp.concatenate([dst, loop, jnp.full((PAD,), N, jnp.int32)])
    zeros_hbm = jnp.zeros((NH, MW), f32)

    W1 = jnp.concatenate([Wl1, Wr1], axis=1)
    b1 = jnp.concatenate([bl1, br1], axis=0).reshape(1, 2 * F)
    Wc = W1[:12]
    Tcat = jnp.concatenate([
        hwy_table @ W1[12:28],
        lanes_table @ W1[28:36],
        jnp.zeros((3, 2 * F), f32),
        oneway_table @ W1[36:40],
        jnp.zeros((4, 2 * F), f32),
    ], axis=0)
    idx3 = jnp.stack([highway_in.astype(jnp.int32),
                      lanes_in.astype(jnp.int32),
                      oneway_in.astype(jnp.int32)], axis=1)
    xl1, xr1 = _proj1(x_cont, idx3, Wc, Tcat, b1)

    nodes1 = _edge_stage(xl1, xr1, att1, idx2, dst_t, zeros_hbm)

    W2 = jnp.concatenate([Wl2, Wr2], axis=1)
    b2 = jnp.concatenate([bl2, br2], axis=0).reshape(1, 2 * F)
    xl2, xr2 = _proj2(nodes1, bias1.reshape(1, F), W2, b2)

    nodes2 = _edge_stage(xl2, xr2, att2, idx2, dst_t, zeros_hbm)

    Wcat = jnp.concatenate([Wh, Wlan, Wonw, Wwid, Wmax, Wmin], axis=1)
    bcat = jnp.concatenate([bh, blan, bonw, bwid, bmax, bmin], axis=0)
    heads = _heads(nodes2, bias2.reshape(1, HID), Wcat, bcat.reshape(1, -1))
    return (heads[:, :16], heads[:, 16:19], heads[:, 19],
            heads[:, 20], heads[:, 21], heads[:, 22])

# --- scband reference (transcript-rebuilt; emitter-appended) ---
"""Pipeline reference for scband-multi-attr-gat-39917426049525 (READ-ONLY COPY).

The authoritative reference and input builder live on the scoring server;
editing this copy changes nothing except your own understanding.
"""

import jax, jax.numpy as jnp
import numpy as np

N = 50000
E = 800000
NUM_HWY = 16
HWY_D, LAN_D, ONW_D, CONT_D = 16, 8, 4, 12
HID, HEADS = 32, 2
IN1 = CONT_D + HWY_D + LAN_D + ONW_D  # 40
IN2 = HID * HEADS  # 64


def setup_inputs(seed: int = 0) -> dict:
    key = jax.random.key(seed)
    ks = jax.random.split(key, 40)
    def w(i, shape, s=0.1):
        return jax.random.normal(ks[i], shape, dtype=jnp.float32) * s
    inp = {}
    inp['x_cont'] = jax.random.normal(ks[0], (N, CONT_D), dtype=jnp.float32)
    inp['highway_in'] = jax.random.randint(ks[1], (N,), 0, NUM_HWY)
    inp['lanes_in'] = jax.random.randint(ks[2], (N,), 0, 5)
    inp['oneway_in'] = jax.random.randint(ks[3], (N,), 0, 4)
    inp['edge_index'] = jax.random.randint(ks[4], (2, E), 0, N)
    inp['hwy_table'] = w(5, (NUM_HWY, HWY_D))
    inp['lanes_table'] = w(6, (5, LAN_D))
    inp['oneway_table'] = w(7, (4, ONW_D))
    inp['Wl1'] = w(8, (IN1, HEADS * HID)); inp['bl1'] = jnp.zeros((HEADS * HID,), jnp.float32)
    inp['Wr1'] = w(9, (IN1, HEADS * HID)); inp['br1'] = jnp.zeros((HEADS * HID,), jnp.float32)
    inp['att1'] = w(10, (HEADS, HID)); inp['bias1'] = jnp.zeros((HEADS * HID,), jnp.float32)
    inp['Wl2'] = w(11, (IN2, HEADS * HID)); inp['bl2'] = jnp.zeros((HEADS * HID,), jnp.float32)
    inp['Wr2'] = w(12, (IN2, HEADS * HID)); inp['br2'] = jnp.zeros((HEADS * HID,), jnp.float32)
    inp['att2'] = w(13, (HEADS, HID)); inp['bias2'] = jnp.zeros((HID,), jnp.float32)
    inp['Wh'] = w(14, (HID, NUM_HWY)); inp['bh'] = jnp.zeros((NUM_HWY,), jnp.float32)
    inp['Wlan'] = w(15, (HID, 3)); inp['blan'] = jnp.zeros((3,), jnp.float32)
    inp['Wonw'] = w(16, (HID, 1)); inp['bonw'] = jnp.zeros((1,), jnp.float32)
    inp['Wwid'] = w(17, (HID, 1)); inp['bwid'] = jnp.zeros((1,), jnp.float32)
    inp['Wmax'] = w(18, (HID, 1)); inp['bmax'] = jnp.zeros((1,), jnp.float32)
    inp['Wmin'] = w(19, (HID, 1)); inp['bmin'] = jnp.zeros((1,), jnp.float32)
    return inp


def gatv2(x, src, dst, Wl, bl, Wr, br, att, bias, concat):
    # GATv2Conv: e_ij = a^T LeakyReLU(Wl x_j + Wr x_i); softmax over incoming edges per dst i
    xl = (x @ Wl + bl).reshape(N, HEADS, HID)
    xr = (x @ Wr + br).reshape(N, HEADS, HID)
    e = jax.nn.leaky_relu(xl[src] + xr[dst], negative_slope=0.2)
    logits = jnp.einsum('ehd,hd->eh', e, att)
    m = jax.ops.segment_max(logits, dst, num_segments=N)
    m = jnp.where(jnp.isfinite(m), m, 0.0)
    ex = jnp.exp(logits - m[dst])
    den = jax.ops.segment_sum(ex, dst, num_segments=N)
    alpha = ex / (den[dst] + 1e-16)
    out = jax.ops.segment_sum(alpha[:, :, None] * xl[src], dst, num_segments=N)
    if concat:
        out = out.reshape(N, HEADS * HID)
    else:
        out = out.mean(axis=1)
    return out + bias


def reference(x_cont, highway_in, lanes_in, oneway_in, edge_index,
              hwy_table, lanes_table, oneway_table,
              Wl1, bl1, Wr1, br1, att1, bias1,
              Wl2, bl2, Wr2, br2, att2, bias2,
              Wh, bh, Wlan, blan, Wonw, bonw, Wwid, bwid, Wmax, bmax, Wmin, bmin):
    loop = jnp.arange(N, dtype=edge_index.dtype)
    src = jnp.concatenate([edge_index[0], loop])
    dst = jnp.concatenate([edge_index[1], loop])
    x = jnp.concatenate([x_cont, hwy_table[highway_in], lanes_table[lanes_in], oneway_table[oneway_in]], axis=1)
    h = jax.nn.elu(gatv2(x, src, dst, Wl1, bl1, Wr1, br1, att1, bias1, True))
    h = jax.nn.elu(gatv2(h, src, dst, Wl2, bl2, Wr2, br2, att2, bias2, False))
    highway = h @ Wh + bh
    lanes = h @ Wlan + blan
    oneway = (h @ Wonw + bonw)[:, 0]
    width = (h @ Wwid + bwid)[:, 0]
    max_speed = (h @ Wmax + bmax)[:, 0]
    min_speed = (h @ Wmin + bmin)[:, 0]
    return (highway, lanes, oneway, width, max_speed, min_speed)

if __name__ == "__main__":
    import jax
    _d = setup_inputs()
    print(jax.jit(kernel)(*tuple(_d.values())))

</pallas_src>

<mosaic_0001>
#map = affine_map<(d0, d1) -> (0, 0)>
#map1 = affine_map<(d0, d1) -> (0)>
module attributes {stable_mosaic.version = 14 : i64} {
  func.func @_sc_gather_body(%arg0: i32, %arg1: i32, %arg2: memref<100000x64xf32, #tpu.memory_space<hbm>>, %arg3: memref<1720320xi32, #tpu.memory_space<hbm>>, %arg4: memref<1720320x64xf32, #tpu.memory_space<hbm>>, %arg5: memref<768xi32, #tpu.memory_space<vmem>>, %arg6: memref<768xi32, #tpu.memory_space<vmem>>, %arg7: memref<768x64xf32, #tpu.memory_space<vmem>>, %arg8: memref<768x64xf32, #tpu.memory_space<vmem>>, %arg9: memref<!tpu.dma_semaphore, #tpu.memory_space<semaphore_mem>>, %arg10: memref<!tpu.dma_semaphore, #tpu.memory_space<semaphore_mem>>, %arg11: memref<!tpu.dma_semaphore, #tpu.memory_space<semaphore_mem>>, %arg12: memref<!tpu.dma_semaphore, #tpu.memory_space<semaphore_mem>>, %arg13: memref<!tpu.dma_semaphore, #tpu.memory_space<semaphore_mem>>, %arg14: memref<!tpu.dma_semaphore, #tpu.memory_space<semaphore_mem>>) attributes {dimension_semantics = [#tpu.dimension_semantics<core_parallel>, #tpu.dimension_semantics<subcore_parallel>], iteration_bounds = array<i64: 2, 16>, scalar_prefetch = 0 : i64, scratch_operands = 10 : i64, tpu.core_type = #tpu.core_type<sc_vector_subcore>, window_params = [{transform_indices = #map}, {transform_indices = #map1}, {transform_indices = #map}]} {
    %mul3A = arith.constant 2 : i32
    %mul3A_0 = arith.muli %arg1, %mul3A : i32
    %add3A = arith.addi %mul3A_0, %arg0 : i32
    %mul3A_1 = arith.constant 70 : i32
    %mul3A_2 = arith.muli %add3A, %mul3A_1 : i32
    %add3A_3 = arith.constant 0 : i32
    %add3A_4 = arith.addi %mul3A_2, %add3A_3 : i32
    %mul3A_5 = arith.constant 768 : i32
    %mul3A_6 = arith.muli %add3A_4, %mul3A_5 : i32
    %dma_start3A = tpu.memref_slice %arg3[%mul3A_6] : memref<1720320xi32, #tpu.memory_space<hbm>> -> memref<768xi32, #tpu.memory_space<hbm>>
    %dma_start3A_7 = tpu.memref_slice %arg3[%mul3A_6] : memref<1720320xi32, #tpu.memory_space<hbm>> -> memref<768xi32, #tpu.memory_space<hbm>>
    tpu.enqueue_dma source(%dma_start3A_7 : memref<768xi32, #tpu.memory_space<hbm>>) target(%arg5 : memref<768xi32, #tpu.memory_space<vmem>>) target_semaphore(%arg9 : memref<!tpu.dma_semaphore, #tpu.memory_space<semaphore_mem>>)
    %dma_wait3A = arith.constant 0 : i32
    %dma_wait3A_8 = tpu.memref_slice %arg3[%dma_wait3A] : memref<1720320xi32, #tpu.memory_space<hbm>> -> memref<768xi32, #tpu.memory_space<hbm>>
    %dma_wait3A_9 = arith.constant 0 : i32
    %dma_wait3A_10 = tpu.memref_slice %arg3[%dma_wait3A_9] : memref<1720320xi32, #tpu.memory_space<hbm>> -> memref<768xi32, #tpu.memory_space<hbm>>
    tpu.wait_dma2 semaphore(%arg9 : memref<!tpu.dma_semaphore, #tpu.memory_space<semaphore_mem>>) src(%dma_wait3A_10 : memref<768xi32, #tpu.memory_space<hbm>>) dst(%arg5 : memref<768xi32, #tpu.memory_space<vmem>>)
    %dma_start3A_11 = arith.constant 0 : i32
    %dma_start3A_12 = arith.constant 0 : i32
    %dma_start3A_13 = tpu.memref_slice %arg2[%dma_start3A_11, %dma_start3A_12] : memref<100000x64xf32, #tpu.memory_space<hbm>> -> memref<100000x64xf32, #tpu.memory_space<hbm>>
    tpu.enqueue_indirect_dma source(%dma_start3A_13 : memref<100000x64xf32, #tpu.memory_space<hbm>>) target(%arg7 : memref<768x64xf32, #tpu.memory_space<vmem>>) offsets(%arg5 : memref<768xi32, #tpu.memory_space<vmem>>) semaphore(%arg11 : memref<!tpu.dma_semaphore, #tpu.memory_space<semaphore_mem>>)
    %mul3A_14 = arith.constant 70 : i32
    %mul3A_15 = arith.muli %add3A, %mul3A_14 : i32
    %add3A_16 = arith.constant 1 : i32
    %add3A_17 = arith.addi %mul3A_15, %add3A_16 : i32
    %mul3A_18 = arith.constant 768 : i32
    %mul3A_19 = arith.muli %add3A_17, %mul3A_18 : i32
    %dma_start3A_20 = tpu.memref_slice %arg3[%mul3A_19] : memref<1720320xi32, #tpu.memory_space<hbm>> -> memref<768xi32, #tpu.memory_space<hbm>>
    %dma_start3A_21 = tpu.memref_slice %arg3[%mul3A_19] : memref<1720320xi32, #tpu.memory_space<hbm>> -> memref<768xi32, #tpu.memory_space<hbm>>
    tpu.enqueue_dma source(%dma_start3A_21 : memref<768xi32, #tpu.memory_space<hbm>>) target(%arg6 : memref<768xi32, #tpu.memory_space<vmem>>) target_semaphore(%arg10 : memref<!tpu.dma_semaphore, #tpu.memory_space<semaphore_mem>>)
    %dma_wait3A_22 = arith.constant 0 : i32
    %dma_wait3A_23 = tpu.memref_slice %arg3[%dma_wait3A_22] : memref<1720320xi32, #tpu.memory_space<hbm>> -> memref<768xi32, #tpu.memory_space<hbm>>
    %dma_wait3A_24 = arith.constant 0 : i32
    %dma_wait3A_25 = tpu.memref_slice %arg3[%dma_wait3A_24] : memref<1720320xi32, #tpu.memory_space<hbm>> -> memref<768xi32, #tpu.memory_space<hbm>>
    tpu.wait_dma2 semaphore(%arg10 : memref<!tpu.dma_semaphore, #tpu.memory_space<semaphore_mem>>) src(%dma_wait3A_25 : memref<768xi32, #tpu.memory_space<hbm>>) dst(%arg6 : memref<768xi32, #tpu.memory_space<vmem>>)
    %dma_start3A_26 = arith.constant 0 : i32
    %dma_start3A_27 = arith.constant 0 : i32
    %dma_start3A_28 = tpu.memref_slice %arg2[%dma_start3A_26, %dma_start3A_27] : memref<100000x64xf32, #tpu.memory_space<hbm>> -> memref<100000x64xf32, #tpu.memory_space<hbm>>
    tpu.enqueue_indirect_dma source(%dma_start3A_28 : memref<100000x64xf32, #tpu.memory_space<hbm>>) target(%arg8 : memref<768x64xf32, #tpu.memory_space<vmem>>) offsets(%arg6 : memref<768xi32, #tpu.memory_space<vmem>>) semaphore(%arg12 : memref<!tpu.dma_semaphore, #tpu.memory_space<semaphore_mem>>)
    %dma_wait3A_29 = arith.constant 0 : i32
    %dma_wait3A_30 = arith.constant 0 : i32
    %dma_wait3A_31 = tpu.memref_slice %arg2[%dma_wait3A_29, %dma_wait3A_30] : memref<100000x64xf32, #tpu.memory_space<hbm>> -> memref<100000x64xf32, #tpu.memory_space<hbm>>
    tpu.wait_indirect_dma semaphore(%arg11 : memref<!tpu.dma_semaphore, #tpu.memory_space<semaphore_mem>>) src(%dma_wait3A_31 : memref<100000x64xf32, #tpu.memory_space<hbm>>) dst(%arg7 : memref<768x64xf32, #tpu.memory_space<vmem>>)
    %mul3A_32 = arith.constant 70 : i32
    %mul3A_33 = arith.muli %add3A, %mul3A_32 : i32
    %add3A_34 = arith.constant 0 : i32
    %add3A_35 = arith.addi %mul3A_33, %add3A_34 : i32
    %mul3A_36 = arith.constant 768 : i32
    %mul3A_37 = arith.muli %add3A_35, %mul3A_36 : i32
    %dma_start3A_38 = arith.constant 0 : i32
    %dma_start3A_39 = tpu.memref_slice %arg4[%mul3A_37, %dma_start3A_38] : memref<1720320x64xf32, #tpu.memory_space<hbm>> -> memref<768x64xf32, #tpu.memory_space<hbm>>
    %dma_start3A_40 = arith.constant 0 : i32
    %dma_start3A_41 = tpu.memref_slice %arg4[%mul3A_37, %dma_start3A_40] : memref<1720320x64xf32, #tpu.memory_space<hbm>> -> memref<768x64xf32, #tpu.memory_space<hbm>>
    tpu.enqueue_dma source(%arg7 : memref<768x64xf32, #tpu.memory_space<vmem>>) target(%dma_start3A_41 : memref<768x64xf32, #tpu.memory_space<hbm>>) target_semaphore(%arg13 : memref<!tpu.dma_semaphore, #tpu.memory_space<semaphore_mem>>)
    %mul3A_42 = arith.constant 70 : i32
    %mul3A_43 = arith.muli %add3A, %mul3A_42 : i32
    %add3A_44 = arith.constant 2 : i32
    %add3A_45 = arith.addi %mul3A_43, %add3A_44 : i32
    %mul3A_46 = arith.constant 768 : i32
    %mul3A_47 = arith.muli %add3A_45, %mul3A_46 : i32
    %dma_start3A_48 = tpu.memref_slice %arg3[%mul3A_47] : memref<1720320xi32, #tpu.memory_space<hbm>> -> memref<768xi32, #tpu.memory_space<hbm>>
    %dma_start3A_49 = tpu.memref_slice %arg3[%mul3A_47] : memref<1720320xi32, #tpu.memory_space<hbm>> -> memref<768xi32, #tpu.memory_space<hbm>>
    tpu.enqueue_dma source(%dma_start3A_49 : memref<768xi32, #tpu.memory_space<hbm>>) target(%arg5 : memref<768xi32, #tpu.memory_space<vmem>>) target_semaphore(%arg9 : memref<!tpu.dma_semaphore, #tpu.memory_space<semaphore_mem>>)
    %scan3A = arith.constant 0 : i32
    %scan3A_50 = arith.constant 1 : i32
    %scan3A_51 = arith.constant 33 : i32
    %scan3A_52 = arith.addi %scan3A_50, %scan3A_51 : i32
    %scan3A_53 = arith.constant 1 : i32
    scf.for %scan3A_140 = %scan3A_50 to %scan3A_52 step %scan3A_53  : i32 {
      %mul3A_141 = arith.constant 2 : i32
      %mul3A_142 = arith.muli %mul3A_141, %scan3A_140 : i32
      %dma_wait3A_143 = arith.constant 0 : i32
      %dma_wait3A_144 = tpu.memref_slice %arg3[%dma_wait3A_143] : memref<1720320xi32, #tpu.memory_space<hbm>> -> memref<768xi32, #tpu.memory_space<hbm>>
      %dma_wait3A_145 = arith.constant 0 : i32
      %dma_wait3A_146 = tpu.memref_slice %arg3[%dma_wait3A_145] : memref<1720320xi32, #tpu.memory_space<hbm>> -> memref<768xi32, #tpu.memory_space<hbm>>
      tpu.wait_dma2 semaphore(%arg9 : memref<!tpu.dma_semaphore, #tpu.memory_space<semaphore_mem>>) src(%dma_wait3A_146 : memref<768xi32, #tpu.memory_space<hbm>>) dst(%arg5 : memref<768xi32, #tpu.memory_space<vmem>>)
      %dma_wait3A_147 = arith.constant 0 : i32
      %dma_wait3A_148 = arith.constant 0 : i32
      %dma_wait3A_149 = tpu.memref_slice %arg4[%dma_wait3A_147, %dma_wait3A_148] : memref<1720320x64xf32, #tpu.memory_space<hbm>> -> memref<768x64xf32, #tpu.memory_space<hbm>>
      %dma_wait3A_150 = arith.constant 0 : i32
      %dma_wait3A_151 = arith.constant 0 : i32
      %dma_wait3A_152 = tpu.memref_slice %arg4[%dma_wait3A_150, %dma_wait3A_151] : memref<1720320x64xf32, #tpu.memory_space<hbm>> -> memref<768x64xf32, #tpu.memory_space<hbm>>
      tpu.wait_dma2 semaphore(%arg13 : memref<!tpu.dma_semaphore, #tpu.memory_space<semaphore_mem>>) src(%arg7 : memref<768x64xf32, #tpu.memory_space<vmem>>) dst(%dma_wait3A_152 : memref<768x64xf32, #tpu.memory_space<hbm>>)
      %dma_start3A_153 = arith.constant 0 : i32
      %dma_start3A_154 = arith.constant 0 : i32
      %dma_start3A_155 = tpu.memref_slice %arg2[%dma_start3A_153, %dma_start3A_154] : memref<100000x64xf32, #tpu.memory_space<hbm>> -> memref<100000x64xf32, #tpu.memory_space<hbm>>
      tpu.enqueue_indirect_dma source(%dma_start3A_155 : memref<100000x64xf32, #tpu.memory_space<hbm>>) target(%arg7 : memref<768x64xf32, #tpu.memory_space<vmem>>) offsets(%arg5 : memref<768xi32, #tpu.memory_space<vmem>>) semaphore(%arg11 : memref<!tpu.dma_semaphore, #tpu.memory_space<semaphore_mem>>)
      %dma_wait3A_156 = arith.constant 0 : i32
      %dma_wait3A_157 = arith.constant 0 : i32
      %dma_wait3A_158 = tpu.memref_slice %arg2[%dma_wait3A_156, %dma_wait3A_157] : memref<100000x64xf32, #tpu.memory_space<hbm>> -> memref<100000x64xf32, #tpu.memory_space<hbm>>
      tpu.wait_indirect_dma semaphore(%arg12 : memref<!tpu.dma_semaphore, #tpu.memory_space<semaphore_mem>>) src(%dma_wait3A_158 : memref<100000x64xf32, #tpu.memory_space<hbm>>) dst(%arg8 : memref<768x64xf32, #tpu.memory_space<vmem>>)
      %sub3A = arith.constant 1 : i32
      %sub3A_159 = arith.subi %mul3A_142, %sub3A : i32
      %mul3A_160 = arith.constant 70 : i32
      %mul3A_161 = arith.muli %add3A, %mul3A_160 : i32
      %add3A_162 = arith.addi %mul3A_161, %sub3A_159 : i32
      %mul3A_163 = arith.constant 768 : i32
      %mul3A_164 = arith.muli %add3A_162, %mul3A_163 : i32
      %dma_start3A_165 = arith.constant 0 : i32
      %dma_start3A_166 = tpu.memref_slice %arg4[%mul3A_164, %dma_start3A_165] : memref<1720320x64xf32, #tpu.memory_space<hbm>> -> memref<768x64xf32, #tpu.memory_space<hbm>>
      %dma_start3A_167 = arith.constant 0 : i32
      %dma_start3A_168 = tpu.memref_slice %arg4[%mul3A_164, %dma_start3A_167] : memref<1720320x64xf32, #tpu.memory_space<hbm>> -> memref<768x64xf32, #tpu.memory_space<hbm>>
      tpu.enqueue_dma source(%arg8 : memref<768x64xf32, #tpu.memory_space<vmem>>) target(%dma_start3A_168 : memref<768x64xf32, #tpu.memory_space<hbm>>) target_semaphore(%arg14 : memref<!tpu.dma_semaphore, #tpu.memory_space<semaphore_mem>>)
      %add3A_169 = arith.constant 1 : i32
      %add3A_170 = arith.addi %mul3A_142, %add3A_169 : i32
      %mul3A_171 = arith.constant 70 : i32
      %mul3A_172 = arith.muli %add3A, %mul3A_171 : i32
      %add3A_173 = arith.addi %mul3A_172, %add3A_170 : i32
      %mul3A_174 = arith.constant 768 : i32
      %mul3A_175 = arith.muli %add3A_173, %mul3A_174 : i32
      %dma_start3A_176 = tpu.memref_slice %arg3[%mul3A_175] : memref<1720320xi32, #tpu.memory_space<hbm>> -> memref<768xi32, #tpu.memory_space<hbm>>
      %dma_start3A_177 = tpu.memref_slice %arg3[%mul3A_175] : memref<1720320xi32, #tpu.memory_space<hbm>> -> memref<768xi32, #tpu.memory_space<hbm>>
      tpu.enqueue_dma source(%dma_start3A_177 : memref<768xi32, #tpu.memory_space<hbm>>) target(%arg6 : memref<768xi32, #tpu.memory_space<vmem>>) target_semaphore(%arg10 : memref<!tpu.dma_semaphore, #tpu.memory_space<semaphore_mem>>)
      %add3A_178 = arith.constant 1 : i32
      %add3A_179 = arith.addi %mul3A_142, %add3A_178 : i32
      %dma_wait3A_180 = arith.constant 0 : i32
      %dma_wait3A_181 = tpu.memref_slice %arg3[%dma_wait3A_180] : memref<1720320xi32, #tpu.memory_space<hbm>> -> memref<768xi32, #tpu.memory_space<hbm>>
      %dma_wait3A_182 = arith.constant 0 : i32
      %dma_wait3A_183 = tpu.memref_slice %arg3[%dma_wait3A_182] : memref<1720320xi32, #tpu.memory_space<hbm>> -> memref<768xi32, #tpu.memory_space<hbm>>
      tpu.wait_dma2 semaphore(%arg10 : memref<!tpu.dma_semaphore, #tpu.memory_space<semaphore_mem>>) src(%dma_wait3A_183 : memref<768xi32, #tpu.memory_space<hbm>>) dst(%arg6 : memref<768xi32, #tpu.memory_space<vmem>>)
      %dma_wait3A_184 = arith.constant 0 : i32
      %dma_wait3A_185 = arith.constant 0 : i32
      %dma_wait3A_186 = tpu.memref_slice %arg4[%dma_wait3A_184, %dma_wait3A_185] : memref<1720320x64xf32, #tpu.memory_space<hbm>> -> memref<768x64xf32, #tpu.memory_space<hbm>>
      %dma_wait3A_187 = arith.constant 0 : i32
      %dma_wait3A_188 = arith.constant 0 : i32
      %dma_wait3A_189 = tpu.memref_slice %arg4[%dma_wait3A_187, %dma_wait3A_188] : memref<1720320x64xf32, #tpu.memory_space<hbm>> -> memref<768x64xf32, #tpu.memory_space<hbm>>
      tpu.wait_dma2 semaphore(%arg14 : memref<!tpu.dma_semaphore, #tpu.memory_space<semaphore_mem>>) src(%arg8 : memref<768x64xf32, #tpu.memory_space<vmem>>) dst(%dma_wait3A_189 : memref<768x64xf32, #tpu.memory_space<hbm>>)
      %dma_start3A_190 = arith.constant 0 : i32
      %dma_start3A_191 = arith.constant 0 : i32
      %dma_start3A_192 = tpu.memref_slice %arg2[%dma_start3A_190, %dma_start3A_191] : memref<100000x64xf32, #tpu.memory_space<hbm>> -> memref<100000x64xf32, #tpu.memory_space<hbm>>
      tpu.enqueue_indirect_dma source(%dma_start3A_192 : memref<100000x64xf32, #tpu.memory_space<hbm>>) target(%arg8 : memref<768x64xf32, #tpu.memory_space<vmem>>) offsets(%arg6 : memref<768xi32, #tpu.memory_space<vmem>>) semaphore(%arg12 : memref<!tpu.dma_semaphore, #tpu.memory_space<semaphore_mem>>)
      %dma_wait3A_193 = arith.constant 0 : i32
      %dma_wait3A_194 = arith.constant 0 : i32
      %dma_wait3A_195 = tpu.memref_slice %arg2[%dma_wait3A_193, %dma_wait3A_194] : memref<100000x64xf32, #tpu.memory_space<hbm>> -> memref<100000x64xf32, #tpu.memory_space<hbm>>
      tpu.wait_indirect_dma semaphore(%arg11 : memref<!tpu.dma_semaphore, #tpu.memory_space<semaphore_mem>>) src(%dma_wait3A_195 : memref<100000x64xf32, #tpu.memory_space<hbm>>) dst(%arg7 : memref<768x64xf32, #tpu.memory_space<vmem>>)
      %sub3A_196 = arith.constant 1 : i32
      %sub3A_197 = arith.subi %add3A_179, %sub3A_196 : i32
      %mul3A_198 = arith.constant 70 : i32
      %mul3A_199 = arith.muli %add3A, %mul3A_198 : i32
      %add3A_200 = arith.addi %mul3A_199, %sub3A_197 : i32
      %mul3A_201 = arith.constant 768 : i32
      %mul3A_202 = arith.muli %add3A_200, %mul3A_201 : i32
      %dma_start3A_203 = arith.constant 0 : i32
      %dma_start3A_204 = tpu.memref_slice %arg4[%mul3A_202, %dma_start3A_203] : memref<1720320x64xf32, #tpu.memory_space<hbm>> -> memref<768x64xf32, #tpu.memory_space<hbm>>
      %dma_start3A_205 = arith.constant 0 : i32
      %dma_start3A_206 = tpu.memref_slice %arg4[%mul3A_202, %dma_start3A_205] : memref<1720320x64xf32, #tpu.memory_space<hbm>> -> memref<768x64xf32, #tpu.memory_space<hbm>>
      tpu.enqueue_dma source(%arg7 : memref<768x64xf32, #tpu.memory_space<vmem>>) target(%dma_start3A_206 : memref<768x64xf32, #tpu.memory_space<hbm>>) target_semaphore(%arg13 : memref<!tpu.dma_semaphore, #tpu.memory_space<semaphore_mem>>)
      %add3A_207 = arith.constant 1 : i32
      %add3A_208 = arith.addi %add3A_179, %add3A_207 : i32
      %mul3A_209 = arith.constant 70 : i32
      %mul3A_210 = arith.muli %add3A, %mul3A_209 : i32
      %add3A_211 = arith.addi %mul3A_210, %add3A_208 : i32
      %mul3A_212 = arith.constant 768 : i32
      %mul3A_213 = arith.muli %add3A_211, %mul3A_212 : i32
      %dma_start3A_214 = tpu.memref_slice %arg3[%mul3A_213] : memref<1720320xi32, #tpu.memory_space<hbm>> -> memref<768xi32, #tpu.memory_space<hbm>>
      %dma_start3A_215 = tpu.memref_slice %arg3[%mul3A_213] : memref<1720320xi32, #tpu.memory_space<hbm>> -> memref<768xi32, #tpu.memory_space<hbm>>
      tpu.enqueue_dma source(%dma_start3A_215 : memref<768xi32, #tpu.memory_space<hbm>>) target(%arg5 : memref<768xi32, #tpu.memory_space<vmem>>) target_semaphore(%arg9 : memref<!tpu.dma_semaphore, #tpu.memory_space<semaphore_mem>>)
    }
    %scan3A_54 = arith.constant 33 : i32
    %dma_wait3A_55 = arith.constant 0 : i32
    %dma_wait3A_56 = tpu.memref_slice %arg3[%dma_wait3A_55] : memref<1720320xi32, #tpu.memory_space<hbm>> -> memref<768xi32, #tpu.memory_space<hbm>>
    %dma_wait3A_57 = arith.constant 0 : i32
    %dma_wait3A_58 = tpu.memref_slice %arg3[%dma_wait3A_57] : memref<1720320xi32, #tpu.memory_space<hbm>> -> memref<768xi32, #tpu.memory_space<hbm>>
    tpu.wait_dma2 semaphore(%arg9 : memref<!tpu.dma_semaphore, #tpu.memory_space<semaphore_mem>>) src(%dma_wait3A_58 : memref<768xi32, #tpu.memory_space<hbm>>) dst(%arg5 : memref<768xi32, #tpu.memory_space<vmem>>)
    %dma_wait3A_59 = arith.constant 0 : i32
    %dma_wait3A_60 = arith.constant 0 : i32
    %dma_wait3A_61 = tpu.memref_slice %arg4[%dma_wait3A_59, %dma_wait3A_60] : memref<1720320x64xf32, #tpu.memory_space<hbm>> -> memref<768x64xf32, #tpu.memory_space<hbm>>
    %dma_wait3A_62 = arith.constant 0 : i32
    %dma_wait3A_63 = arith.constant 0 : i32
    %dma_wait3A_64 = tpu.memref_slice %arg4[%dma_wait3A_62, %dma_wait3A_63] : memref<1720320x64xf32, #tpu.memory_space<hbm>> -> memref<768x64xf32, #tpu.memory_space<hbm>>
    tpu.wait_dma2 semaphore(%arg13 : memref<!tpu.dma_semaphore, #tpu.memory_space<semaphore_mem>>) src(%arg7 : memref<768x64xf32, #tpu.memory_space<vmem>>) dst(%dma_wait3A_64 : memref<768x64xf32, #tpu.memory_space<hbm>>)
    %dma_start3A_65 = arith.constant 0 : i32
    %dma_start3A_66 = arith.constant 0 : i32
    %dma_start3A_67 = tpu.memref_slice %arg2[%dma_start3A_65, %dma_start3A_66] : memref<100000x64xf32, #tpu.memory_space<hbm>> -> memref<100000x64xf32, #tpu.memory_space<hbm>>
    tpu.enqueue_indirect_dma source(%dma_start3A_67 : memref<100000x64xf32, #tpu.memory_space<hbm>>) target(%arg7 : memref<768x64xf32, #tpu.memory_space<vmem>>) offsets(%arg5 : memref<768xi32, #tpu.memory_space<vmem>>) semaphore(%arg11 : memref<!tpu.dma_semaphore, #tpu.memory_space<semaphore_mem>>)
    %dma_wait3A_68 = arith.constant 0 : i32
    %dma_wait3A_69 = arith.constant 0 : i32
    %dma_wait3A_70 = tpu.memref_slice %arg2[%dma_wait3A_68, %dma_wait3A_69] : memref<100000x64xf32, #tpu.memory_space<hbm>> -> memref<100000x64xf32, #tpu.memory_space<hbm>>
    tpu.wait_indirect_dma semaphore(%arg12 : memref<!tpu.dma_semaphore, #tpu.memory_space<semaphore_mem>>) src(%dma_wait3A_70 : memref<100000x64xf32, #tpu.memory_space<hbm>>) dst(%arg8 : memref<768x64xf32, #tpu.memory_space<vmem>>)
    %mul3A_71 = arith.constant 70 : i32
    %mul3A_72 = arith.muli %add3A, %mul3A_71 : i32
    %add3A_73 = arith.constant 67 : i32
    %add3A_74 = arith.addi %mul3A_72, %add3A_73 : i32
    %mul3A_75 = arith.constant 768 : i32
    %mul3A_76 = arith.muli %add3A_74, %mul3A_75 : i32
    %dma_start3A_77 = arith.constant 0 : i32
    %dma_start3A_78 = tpu.memref_slice %arg4[%mul3A_76, %dma_start3A_77] : memref<1720320x64xf32, #tpu.memory_space<hbm>> -> memref<768x64xf32, #tpu.memory_space<hbm>>
    %dma_start3A_79 = arith.constant 0 : i32
    %dma_start3A_80 = tpu.memref_slice %arg4[%mul3A_76, %dma_start3A_79] : memref<1720320x64xf32, #tpu.memory_space<hbm>> -> memref<768x64xf32, #tpu.memory_space<hbm>>
    tpu.enqueue_dma source(%arg8 : memref<768x64xf32, #tpu.memory_space<vmem>>) target(%dma_start3A_80 : memref<768x64xf32, #tpu.memory_space<hbm>>) target_semaphore(%arg14 : memref<!tpu.dma_semaphore, #tpu.memory_space<semaphore_mem>>)
    %mul3A_81 = arith.constant 70 : i32
    %mul3A_82 = arith.muli %add3A, %mul3A_81 : i32
    %add3A_83 = arith.constant 69 : i32
    %add3A_84 = arith.addi %mul3A_82, %add3A_83 : i32
    %mul3A_85 = arith.constant 768 : i32
    %mul3A_86 = arith.muli %add3A_84, %mul3A_85 : i32
    %dma_start3A_87 = tpu.memref_slice %arg3[%mul3A_86] : memref<1720320xi32, #tpu.memory_space<hbm>> -> memref<768xi32, #tpu.memory_space<hbm>>
    %dma_start3A_88 = tpu.memref_slice %arg3[%mul3A_86] : memref<1720320xi32, #tpu.memory_space<hbm>> -> memref<768xi32, #tpu.memory_space<hbm>>
    tpu.enqueue_dma source(%dma_start3A_88 : memref<768xi32, #tpu.memory_space<hbm>>) target(%arg6 : memref<768xi32, #tpu.memory_space<vmem>>) target_semaphore(%arg10 : memref<!tpu.dma_semaphore, #tpu.memory_space<semaphore_mem>>)
    %dma_wait3A_89 = arith.constant 0 : i32
    %dma_wait3A_90 = tpu.memref_slice %arg3[%dma_wait3A_89] : memref<1720320xi32, #tpu.memory_space<hbm>> -> memref<768xi32, #tpu.memory_space<hbm>>
    %dma_wait3A_91 = arith.constant 0 : i32
    %dma_wait3A_92 = tpu.memref_slice %arg3[%dma_wait3A_91] : memref<1720320xi32, #tpu.memory_space<hbm>> -> memref<768xi32, #tpu.memory_space<hbm>>
    tpu.wait_dma2 semaphore(%arg10 : memref<!tpu.dma_semaphore, #tpu.memory_space<semaphore_mem>>) src(%dma_wait3A_92 : memref<768xi32, #tpu.memory_space<hbm>>) dst(%arg6 : memref<768xi32, #tpu.memory_space<vmem>>)
    %dma_wait3A_93 = arith.constant 0 : i32
    %dma_wait3A_94 = arith.constant 0 : i32
    %dma_wait3A_95 = tpu.memref_slice %arg4[%dma_wait3A_93, %dma_wait3A_94] : memref<1720320x64xf32, #tpu.memory_space<hbm>> -> memref<768x64xf32, #tpu.memory_space<hbm>>
    %dma_wait3A_96 = arith.constant 0 : i32
    %dma_wait3A_97 = arith.constant 0 : i32
    %dma_wait3A_98 = tpu.memref_slice %arg4[%dma_wait3A_96, %dma_wait3A_97] : memref<1720320x64xf32, #tpu.memory_space<hbm>> -> memref<768x64xf32, #tpu.memory_space<hbm>>
    tpu.wait_dma2 semaphore(%arg14 : memref<!tpu.dma_semaphore, #tpu.memory_space<semaphore_mem>>) src(%arg8 : memref<768x64xf32, #tpu.memory_space<vmem>>) dst(%dma_wait3A_98 : memref<768x64xf32, #tpu.memory_space<hbm>>)
    %dma_start3A_99 = arith.constant 0 : i32
    %dma_start3A_100 = arith.constant 0 : i32
    %dma_start3A_101 = tpu.memref_slice %arg2[%dma_start3A_99, %dma_start3A_100] : memref<100000x64xf32, #tpu.memory_space<hbm>> -> memref<100000x64xf32, #tpu.memory_space<hbm>>
    tpu.enqueue_indirect_dma source(%dma_start3A_101 : memref<100000x64xf32, #tpu.memory_space<hbm>>) target(%arg8 : memref<768x64xf32, #tpu.memory_space<vmem>>) offsets(%arg6 : memref<768xi32, #tpu.memory_space<vmem>>) semaphore(%arg12 : memref<!tpu.dma_semaphore, #tpu.memory_space<semaphore_mem>>)
    %dma_wait3A_102 = arith.constant 0 : i32
    %dma_wait3A_103 = arith.constant 0 : i32
    %dma_wait3A_104 = tpu.memref_slice %arg2[%dma_wait3A_102, %dma_wait3A_103] : memref<100000x64xf32, #tpu.memory_space<hbm>> -> memref<100000x64xf32, #tpu.memory_space<hbm>>
    tpu.wait_indirect_dma semaphore(%arg11 : memref<!tpu.dma_semaphore, #tpu.memory_space<semaphore_mem>>) src(%dma_wait3A_104 : memref<100000x64xf32, #tpu.memory_space<hbm>>) dst(%arg7 : memref<768x64xf32, #tpu.memory_space<vmem>>)
    %mul3A_105 = arith.constant 70 : i32
    %mul3A_106 = arith.muli %add3A, %mul3A_105 : i32
    %add3A_107 = arith.constant 68 : i32
    %add3A_108 = arith.addi %mul3A_106, %add3A_107 : i32
    %mul3A_109 = arith.constant 768 : i32
    %mul3A_110 = arith.muli %add3A_108, %mul3A_109 : i32
    %dma_start3A_111 = arith.constant 0 : i32
    %dma_start3A_112 = tpu.memref_slice %arg4[%mul3A_110, %dma_start3A_111] : memref<1720320x64xf32, #tpu.memory_space<hbm>> -> memref<768x64xf32, #tpu.memory_space<hbm>>
    %dma_start3A_113 = arith.constant 0 : i32
    %dma_start3A_114 = tpu.memref_slice %arg4[%mul3A_110, %dma_start3A_113] : memref<1720320x64xf32, #tpu.memory_space<hbm>> -> memref<768x64xf32, #tpu.memory_space<hbm>>
    tpu.enqueue_dma source(%arg7 : memref<768x64xf32, #tpu.memory_space<vmem>>) target(%dma_start3A_114 : memref<768x64xf32, #tpu.memory_space<hbm>>) target_semaphore(%arg13 : memref<!tpu.dma_semaphore, #tpu.memory_space<semaphore_mem>>)
    %dma_wait3A_115 = arith.constant 0 : i32
    %dma_wait3A_116 = arith.constant 0 : i32
    %dma_wait3A_117 = tpu.memref_slice %arg2[%dma_wait3A_115, %dma_wait3A_116] : memref<100000x64xf32, #tpu.memory_space<hbm>> -> memref<100000x64xf32, #tpu.memory_space<hbm>>
    tpu.wait_indirect_dma semaphore(%arg12 : memref<!tpu.dma_semaphore, #tpu.memory_space<semaphore_mem>>) src(%dma_wait3A_117 : memref<100000x64xf32, #tpu.memory_space<hbm>>) dst(%arg8 : memref<768x64xf32, #tpu.memory_space<vmem>>)
    %mul3A_118 = arith.constant 70 : i32
    %mul3A_119 = arith.muli %add3A, %mul3A_118 : i32
    %add3A_120 = arith.constant 69 : i32
    %add3A_121 = arith.addi %mul3A_119, %add3A_120 : i32
    %mul3A_122 = arith.constant 768 : i32
    %mul3A_123 = arith.muli %add3A_121, %mul3A_122 : i32
    %dma_start3A_124 = arith.constant 0 : i32
    %dma_start3A_125 = tpu.memref_slice %arg4[%mul3A_123, %dma_start3A_124] : memref<1720320x64xf32, #tpu.memory_space<hbm>> -> memref<768x64xf32, #tpu.memory_space<hbm>>
    %dma_start3A_126 = arith.constant 0 : i32
    %dma_start3A_127 = tpu.memref_slice %arg4[%mul3A_123, %dma_start3A_126] : memref<1720320x64xf32, #tpu.memory_space<hbm>> -> memref<768x64xf32, #tpu.memory_space<hbm>>
    tpu.enqueue_dma source(%arg8 : memref<768x64xf32, #tpu.memory_space<vmem>>) target(%dma_start3A_127 : memref<768x64xf32, #tpu.memory_space<hbm>>) target_semaphore(%arg14 : memref<!tpu.dma_semaphore, #tpu.memory_space<semaphore_mem>>)
    %dma_wait3A_128 = arith.constant 0 : i32
    %dma_wait3A_129 = arith.constant 0 : i32
    %dma_wait3A_130 = tpu.memref_slice %arg4[%dma_wait3A_128, %dma_wait3A_129] : memref<1720320x64xf32, #tpu.memory_space<hbm>> -> memref<768x64xf32, #tpu.memory_space<hbm>>
    %dma_wait3A_131 = arith.constant 0 : i32
    %dma_wait3A_132 = arith.constant 0 : i32
    %dma_wait3A_133 = tpu.memref_slice %arg4[%dma_wait3A_131, %dma_wait3A_132] : memref<1720320x64xf32, #tpu.memory_space<hbm>> -> memref<768x64xf32, #tpu.memory_space<hbm>>
    tpu.wait_dma2 semaphore(%arg13 : memref<!tpu.dma_semaphore, #tpu.memory_space<semaphore_mem>>) src(%arg7 : memref<768x64xf32, #tpu.memory_space<vmem>>) dst(%dma_wait3A_133 : memref<768x64xf32, #tpu.memory_space<hbm>>)
    %dma_wait3A_134 = arith.constant 0 : i32
    %dma_wait3A_135 = arith.constant 0 : i32
    %dma_wait3A_136 = tpu.memref_slice %arg4[%dma_wait3A_134, %dma_wait3A_135] : memref<1720320x64xf32, #tpu.memory_space<hbm>> -> memref<768x64xf32, #tpu.memory_space<hbm>>
    %dma_wait3A_137 = arith.constant 0 : i32
    %dma_wait3A_138 = arith.constant 0 : i32
    %dma_wait3A_139 = tpu.memref_slice %arg4[%dma_wait3A_137, %dma_wait3A_138] : memref<1720320x64xf32, #tpu.memory_space<hbm>> -> memref<768x64xf32, #tpu.memory_space<hbm>>
    tpu.wait_dma2 semaphore(%arg14 : memref<!tpu.dma_semaphore, #tpu.memory_space<semaphore_mem>>) src(%arg8 : memref<768x64xf32, #tpu.memory_space<vmem>>) dst(%dma_wait3A_139 : memref<768x64xf32, #tpu.memory_space<hbm>>)
    return
  }
}

#map = affine_map<(d0, d1) -> (0, 0)>
#map1 = affine_map<(d0, d1) -> (0)>
module attributes {stable_mosaic.version = 14 : i64} {
  func.func @_sc_scatter_body(%arg0: i32, %arg1: i32, %arg2: memref<860160x72xf32, #tpu.memory_space<hbm>>, %arg3: memref<860160xi32, #tpu.memory_space<hbm>>, %arg4: memref<25088x72xf32, #tpu.memory_space<hbm>>, %arg5: memref<50176x72xf32, #tpu.memory_space<hbm>>, %arg6: memref<25088x72xf32, #tpu.memory_space<vmem_shared>>, %arg7: memref<192xi32, #tpu.memory_space<vmem>>, %arg8: memref<192xi32, #tpu.memory_space<vmem>>, %arg9: memref<192x72xf32, #tpu.memory_space<vmem>>) attributes {dimension_semantics = [#tpu.dimension_semantics<core_parallel>, #tpu.dimension_semantics<subcore_parallel>], iteration_bounds = array<i64: 2, 16>, scalar_prefetch = 0 : i64, scratch_operands = 4 : i64, tpu.core_type = #tpu.core_type<sc_vector_subcore>, window_params = [{transform_indices = #map}, {transform_indices = #map1}, {transform_indices = #map}, {transform_indices = #map}]} {
    %mul3A = arith.constant 25000 : i32
    %mul3A_0 = arith.muli %arg0, %mul3A : i32
    %mul3A_1 = arith.constant 1568 : i32
    %mul3A_2 = arith.muli %arg1, %mul3A_1 : i32
    %mul3A_3 = arith.constant 1568 : i32
    %mul3A_4 = arith.muli %arg1, %mul3A_3 : i32
    "tpu.region"() ({
      %run_scoped3A = tpu.sem_alloc : memref<!tpu.dma_semaphore, #tpu.memory_space<semaphore_mem>>
      %dma_start3A = arith.constant 0 : i32
      %dma_start3A_17 = tpu.memref_slice %arg6[%mul3A_4, %dma_start3A] : memref<25088x72xf32, #tpu.memory_space<vmem_shared>> -> memref<1568x72xf32, #tpu.memory_space<vmem_shared>>
      %dma_start3A_18 = arith.constant 0 : i32
      %dma_start3A_19 = tpu.memref_slice %arg4[%mul3A_2, %dma_start3A_18] : memref<25088x72xf32, #tpu.memory_space<hbm>> -> memref<1568x72xf32, #tpu.memory_space<hbm>>
      tpu.enqueue_dma source(%dma_start3A_19 : memref<1568x72xf32, #tpu.memory_space<hbm>>) target(%dma_start3A_17 : memref<1568x72xf32, #tpu.memory_space<vmem_shared>>) target_semaphore(%run_scoped3A : memref<!tpu.dma_semaphore, #tpu.memory_space<semaphore_mem>>)
      %dma_wait3A = arith.constant 0 : i32
      %dma_wait3A_20 = tpu.memref_slice %arg6[%mul3A_4, %dma_wait3A] : memref<25088x72xf32, #tpu.memory_space<vmem_shared>> -> memref<1568x72xf32, #tpu.memory_space<vmem_shared>>
      %dma_wait3A_21 = arith.constant 0 : i32
      %dma_wait3A_22 = tpu.memref_slice %arg4[%mul3A_2, %dma_wait3A_21] : memref<25088x72xf32, #tpu.memory_space<hbm>> -> memref<1568x72xf32, #tpu.memory_space<hbm>>
      tpu.wait_dma2 semaphore(%run_scoped3A : memref<!tpu.dma_semaphore, #tpu.memory_space<semaphore_mem>>) src(%dma_wait3A_22 : memref<1568x72xf32, #tpu.memory_space<hbm>>) dst(%dma_wait3A_20 : memref<1568x72xf32, #tpu.memory_space<vmem_shared>>)
      tpu.yield
    }) : () -> ()
    %barrier3A = arith.constant 0 : index
    tpu.barrier barrier_id(%barrier3A)
    %scan3A = arith.constant 0 : i32
    %scan3A_5 = arith.constant 0 : i32
    %scan3A_6 = arith.constant 280 : i32
    %scan3A_7 = arith.addi %scan3A_5, %scan3A_6 : i32
    %scan3A_8 = arith.constant 1 : i32
    scf.for %scan3A_17 = %scan3A_5 to %scan3A_7 step %scan3A_8  : i32 {
      %mul3A_18 = arith.constant 280 : i32
      %mul3A_19 = arith.muli %arg1, %mul3A_18 : i32
      %add3A_20 = arith.addi %mul3A_19, %scan3A_17 : i32
      %mul3A_21 = arith.constant 192 : i32
      %mul3A_22 = arith.muli %add3A_20, %mul3A_21 : i32
      "tpu.region"() ({
        %run_scoped3A = tpu.sem_alloc : memref<!tpu.dma_semaphore, #tpu.memory_space<semaphore_mem>>
        %dma_start3A = tpu.memref_slice %arg3[%mul3A_22] : memref<860160xi32, #tpu.memory_space<hbm>> -> memref<192xi32, #tpu.memory_space<hbm>>
        %dma_start3A_29 = tpu.memref_slice %arg3[%mul3A_22] : memref<860160xi32, #tpu.memory_space<hbm>> -> memref<192xi32, #tpu.memory_space<hbm>>
        tpu.enqueue_dma source(%dma_start3A_29 : memref<192xi32, #tpu.memory_space<hbm>>) target(%arg7 : memref<192xi32, #tpu.memory_space<vmem>>) target_semaphore(%run_scoped3A : memref<!tpu.dma_semaphore, #tpu.memory_space<semaphore_mem>>)
        %dma_wait3A = tpu.memref_slice %arg3[%mul3A_22] : memref<860160xi32, #tpu.memory_space<hbm>> -> memref<192xi32, #tpu.memory_space<hbm>>
        %dma_wait3A_30 = tpu.memref_slice %arg3[%mul3A_22] : memref<860160xi32, #tpu.memory_space<hbm>> -> memref<192xi32, #tpu.memory_space<hbm>>
        tpu.wait_dma2 semaphore(%run_scoped3A : memref<!tpu.dma_semaphore, #tpu.memory_space<semaphore_mem>>) src(%dma_wait3A_30 : memref<192xi32, #tpu.memory_space<hbm>>) dst(%arg7 : memref<192xi32, #tpu.memory_space<vmem>>)
        tpu.yield
      }) : () -> ()
      %scan3A_23 = arith.constant 0 : i32
      %scan3A_24 = arith.constant 0 : i32
      %scan3A_25 = arith.constant 12 : i32
      %scan3A_26 = arith.addi %scan3A_24, %scan3A_25 : i32
      %scan3A_27 = arith.constant 1 : i32
      scf.for %scan3A_29 = %scan3A_24 to %scan3A_26 step %scan3A_27  : i32 {
        %mul3A_30 = arith.constant 16 : i32
        %mul3A_31 = arith.muli %scan3A_29, %mul3A_30 : i32
        %get3A = arith.index_cast %mul3A_31 : i32 to index
        %get3A_32 = tpu.vector_load %arg7[%get3A] {strides = array<i32>} : memref<192xi32, #tpu.memory_space<vmem>>, vector<16xi32>,
        %get3A_33 = vector.shape_cast %get3A_32 : vector<16xi32> to vector<16xi32>
        %sub3A = vector.broadcast %mul3A_0 : i32 to vector<16xi32>
        %sub3A_34 = arith.subi %get3A_33, %sub3A : vector<16xi32>
        %ge3A = arith.constant 0 : i32
        %ge3A_35 = vector.broadcast %ge3A : i32 to vector<16xi32>
        %ge3A_36 = arith.cmpi sge, %sub3A_34, %ge3A_35 : vector<16xi32>
        %lt3A = arith.constant 25000 : i32
        %lt3A_37 = vector.broadcast %lt3A : i32 to vector<16xi32>
        %lt3A_38 = arith.cmpi slt, %sub3A_34, %lt3A_37 : vector<16xi32>
        %and3A = arith.andi %ge3A_36, %lt3A_38 : vector<16xi1>
        %jit3A = arith.constant 25000 : i32
        %broadcast_in_dim3A = vector.broadcast %jit3A : i32 to vector<16xi32>
        %select_n3A = arith.select %and3A, %sub3A_34, %broadcast_in_dim3A : vector<16xi1>, vector<16xi32>
        %mul3A_39 = arith.constant 16 : i32
        %mul3A_40 = arith.muli %scan3A_29, %mul3A_39 : i32
        %swap3A = arith.index_cast %mul3A_40 : i32 to index
        %swap3A_41 = tpu.vector_load %arg8[%swap3A] {strides = array<i32>} : memref<192xi32, #tpu.memory_space<vmem>>, vector<16xi32>,
        %swap3A_42 = vector.shape_cast %swap3A_41 : vector<16xi32> to vector<16xi32>
        %swap3A_43 = vector.shape_cast %select_n3A : vector<16xi32> to vector<16xi32>
        tpu.vector_store %arg8[%swap3A], %swap3A_43 {strides = array<i32>} : memref<192xi32, #tpu.memory_space<vmem>>, vector<16xi32>,
      }
      %scan3A_28 = arith.constant 12 : i32
      "tpu.region"() ({
        %run_scoped3A = tpu.sem_alloc : memref<!tpu.dma_semaphore, #tpu.memory_space<semaphore_mem>>
        %dma_start3A = arith.constant 0 : i32
        %dma_start3A_29 = tpu.memref_slice %arg2[%mul3A_22, %dma_start3A] : memref<860160x72xf32, #tpu.memory_space<hbm>> -> memref<192x72xf32, #tpu.memory_space<hbm>>
        %dma_start3A_30 = arith.constant 0 : i32
        %dma_start3A_31 = tpu.memref_slice %arg2[%mul3A_22, %dma_start3A_30] : memref<860160x72xf32, #tpu.memory_space<hbm>> -> memref<192x72xf32, #tpu.memory_space<hbm>>
        tpu.enqueue_dma source(%dma_start3A_31 : memref<192x72xf32, #tpu.memory_space<hbm>>) target(%arg9 : memref<192x72xf32, #tpu.memory_space<vmem>>) target_semaphore(%run_scoped3A : memref<!tpu.dma_semaphore, #tpu.memory_space<semaphore_mem>>)
        %dma_wait3A = arith.constant 0 : i32
        %dma_wait3A_32 = tpu.memref_slice %arg2[%mul3A_22, %dma_wait3A] : memref<860160x72xf32, #tpu.memory_space<hbm>> -> memref<192x72xf32, #tpu.memory_space<hbm>>
        %dma_wait3A_33 = arith.constant 0 : i32
        %dma_wait3A_34 = tpu.memref_slice %arg2[%mul3A_22, %dma_wait3A_33] : memref<860160x72xf32, #tpu.memory_space<hbm>> -> memref<192x72xf32, #tpu.memory_space<hbm>>
        tpu.wait_dma2 semaphore(%run_scoped3A : memref<!tpu.dma_semaphore, #tpu.memory_space<semaphore_mem>>) src(%dma_wait3A_34 : memref<192x72xf32, #tpu.memory_space<hbm>>) dst(%arg9 : memref<192x72xf32, #tpu.memory_space<vmem>>)
        tpu.yield
      }) : () -> ()
      "tpu.region"() ({
        %run_scoped3A = tpu.sem_alloc : memref<!tpu.dma_semaphore, #tpu.memory_space<semaphore_mem>>
        %dma_start3A = arith.constant 0 : i32
        %dma_start3A_29 = arith.constant 0 : i32
        %dma_start3A_30 = tpu.memref_slice %arg6[%dma_start3A, %dma_start3A_29] : memref<25088x72xf32, #tpu.memory_space<vmem_shared>> -> memref<25088x72xf32, #tpu.memory_space<vmem_shared>>
        tpu.enqueue_indirect_dma source(%arg9 : memref<192x72xf32, #tpu.memory_space<vmem>>) target(%dma_start3A_30 : memref<25088x72xf32, #tpu.memory_space<vmem_shared>>) offsets(%arg8 : memref<192xi32, #tpu.memory_space<vmem>>) semaphore(%run_scoped3A : memref<!tpu.dma_semaphore, #tpu.memory_space<semaphore_mem>>) {add = true}
        %dma_wait3A = arith.constant 0 : i32
        %dma_wait3A_31 = arith.constant 0 : i32
        %dma_wait3A_32 = tpu.memref_slice %arg6[%dma_wait3A, %dma_wait3A_31] : memref<25088x72xf32, #tpu.memory_space<vmem_shared>> -> memref<25088x72xf32, #tpu.memory_space<vmem_shared>>
        tpu.wait_indirect_dma semaphore(%run_scoped3A : memref<!tpu.dma_semaphore, #tpu.memory_space<semaphore_mem>>) src(%arg9 : memref<192x72xf32, #tpu.memory_space<vmem>>) dst(%dma_wait3A_32 : memref<25088x72xf32, #tpu.memory_space<vmem_shared>>)
        tpu.yield
      }) : () -> ()
    }
    %scan3A_9 = arith.constant 280 : i32
    %barrier3A_10 = arith.constant 0 : index
    tpu.barrier barrier_id(%barrier3A_10)
    %mul3A_11 = arith.constant 1568 : i32
    %mul3A_12 = arith.muli %arg1, %mul3A_11 : i32
    %mul3A_13 = arith.constant 25088 : i32
    %mul3A_14 = arith.muli %arg0, %mul3A_13 : i32
    %mul3A_15 = arith.constant 1568 : i32
    %mul3A_16 = arith.muli %arg1, %mul3A_15 : i32
    %add3A = arith.addi %mul3A_14, %mul3A_16 : i32
    "tpu.region"() ({
      %run_scoped3A = tpu.sem_alloc : memref<!tpu.dma_semaphore, #tpu.memory_space<semaphore_mem>>
      %dma_start3A = arith.constant 0 : i32
      %dma_start3A_17 = tpu.memref_slice %arg5[%add3A, %dma_start3A] : memref<50176x72xf32, #tpu.memory_space<hbm>> -> memref<1568x72xf32, #tpu.memory_space<hbm>>
      %dma_start3A_18 = arith.constant 0 : i32
      %dma_start3A_19 = tpu.memref_slice %arg6[%mul3A_12, %dma_start3A_18] : memref<25088x72xf32, #tpu.memory_space<vmem_shared>> -> memref<1568x72xf32, #tpu.memory_space<vmem_shared>>
      tpu.enqueue_dma source(%dma_start3A_19 : memref<1568x72xf32, #tpu.memory_space<vmem_shared>>) target(%dma_start3A_17 : memref<1568x72xf32, #tpu.memory_space<hbm>>) target_semaphore(%run_scoped3A : memref<!tpu.dma_semaphore, #tpu.memory_space<semaphore_mem>>)
      %dma_wait3A = arith.constant 0 : i32
      %dma_wait3A_20 = tpu.memref_slice %arg5[%add3A, %dma_wait3A] : memref<50176x72xf32, #tpu.memory_space<hbm>> -> memref<1568x72xf32, #tpu.memory_space<hbm>>
      %dma_wait3A_21 = arith.constant 0 : i32
      %dma_wait3A_22 = tpu.memref_slice %arg6[%mul3A_12, %dma_wait3A_21] : memref<25088x72xf32, #tpu.memory_space<vmem_shared>> -> memref<1568x72xf32, #tpu.memory_space<vmem_shared>>
      tpu.wait_dma2 semaphore(%run_scoped3A : memref<!tpu.dma_semaphore, #tpu.memory_space<semaphore_mem>>) src(%dma_wait3A_22 : memref<1568x72xf32, #tpu.memory_space<vmem_shared>>) dst(%dma_wait3A_20 : memref<1568x72xf32, #tpu.memory_space<hbm>>)
      tpu.yield
    }) : () -> ()
    return
  }
}

#map = affine_map<(d0, d1) -> (0, 0)>
#map1 = affine_map<(d0, d1) -> (0)>
module attributes {stable_mosaic.version = 14 : i64} {
  func.func @_sc_gather_body(%arg0: i32, %arg1: i32, %arg2: memref<100000x64xf32, #tpu.memory_space<hbm>>, %arg3: memref<1720320xi32, #tpu.memory_space<hbm>>, %arg4: memref<1720320x64xf32, #tpu.memory_space<hbm>>, %arg5: memref<768xi32, #tpu.memory_space<vmem>>, %arg6: memref<768xi32, #tpu.memory_space<vmem>>, %arg7: memref<768x64xf32, #tpu.memory_space<vmem>>, %arg8: memref<768x64xf32, #tpu.memory_space<vmem>>, %arg9: memref<!tpu.dma_semaphore, #tpu.memory_space<semaphore_mem>>, %arg10: memref<!tpu.dma_semaphore, #tpu.memory_space<semaphore_mem>>, %arg11: memref<!tpu.dma_semaphore, #tpu.memory_space<semaphore_mem>>, %arg12: memref<!tpu.dma_semaphore, #tpu.memory_space<semaphore_mem>>, %arg13: memref<!tpu.dma_semaphore, #tpu.memory_space<semaphore_mem>>, %arg14: memref<!tpu.dma_semaphore, #tpu.memory_space<semaphore_mem>>) attributes {dimension_semantics = [#tpu.dimension_semantics<core_parallel>, #tpu.dimension_semantics<subcore_parallel>], iteration_bounds = array<i64: 2, 16>, scalar_prefetch = 0 : i64, scratch_operands = 10 : i64, tpu.core_type = #tpu.core_type<sc_vector_subcore>, window_params = [{transform_indices = #map}, {transform_indices = #map1}, {transform_indices = #map}]} {
    %mul3A = arith.constant 2 : i32
    %mul3A_0 = arith.muli %arg1, %mul3A : i32
    %add3A = arith.addi %mul3A_0, %arg0 : i32
    %mul3A_1 = arith.constant 70 : i32
    %mul3A_2 = arith.muli %add3A, %mul3A_1 : i32
    %add3A_3 = arith.constant 0 : i32
    %add3A_4 = arith.addi %mul3A_2, %add3A_3 : i32
    %mul3A_5 = arith.constant 768 : i32
    %mul3A_6 = arith.muli %add3A_4, %mul3A_5 : i32
    %dma_start3A = tpu.memref_slice %arg3[%mul3A_6] : memref<1720320xi32, #tpu.memory_space<hbm>> -> memref<768xi32, #tpu.memory_space<hbm>>
    %dma_start3A_7 = tpu.memref_slice %arg3[%mul3A_6] : memref<1720320xi32, #tpu.memory_space<hbm>> -> memref<768xi32, #tpu.memory_space<hbm>>
    tpu.enqueue_dma source(%dma_start3A_7 : memref<768xi32, #tpu.memory_space<hbm>>) target(%arg5 : memref<768xi32, #tpu.memory_space<vmem>>) target_semaphore(%arg9 : memref<!tpu.dma_semaphore, #tpu.memory_space<semaphore_mem>>)
    %dma_wait3A = arith.constant 0 : i32
    %dma_wait3A_8 = tpu.memref_slice %arg3[%dma_wait3A] : memref<1720320xi32, #tpu.memory_space<hbm>> -> memref<768xi32, #tpu.memory_space<hbm>>
    %dma_wait3A_9 = arith.constant 0 : i32
    %dma_wait3A_10 = tpu.memref_slice %arg3[%dma_wait3A_9] : memref<1720320xi32, #tpu.memory_space<hbm>> -> memref<768xi32, #tpu.memory_space<hbm>>
    tpu.wait_dma2 semaphore(%arg9 : memref<!tpu.dma_semaphore, #tpu.memory_space<semaphore_mem>>) src(%dma_wait3A_10 : memref<768xi32, #tpu.memory_space<hbm>>) dst(%arg5 : memref<768xi32, #tpu.memory_space<vmem>>)
    %dma_start3A_11 = arith.constant 0 : i32
    %dma_start3A_12 = arith.constant 0 : i32
    %dma_start3A_13 = tpu.memref_slice %arg2[%dma_start3A_11, %dma_start3A_12] : memref<100000x64xf32, #tpu.memory_space<hbm>> -> memref<100000x64xf32, #tpu.memory_space<hbm>>
    tpu.enqueue_indirect_dma source(%dma_start3A_13 : memref<100000x64xf32, #tpu.memory_space<hbm>>) target(%arg7 : memref<768x64xf32, #tpu.memory_space<vmem>>) offsets(%arg5 : memref<768xi32, #tpu.memory_space<vmem>>) semaphore(%arg11 : memref<!tpu.dma_semaphore, #tpu.memory_space<semaphore_mem>>)
    %mul3A_14 = arith.constant 70 : i32
    %mul3A_15 = arith.muli %add3A, %mul3A_14 : i32
    %add3A_16 = arith.constant 1 : i32
    %add3A_17 = arith.addi %mul3A_15, %add3A_16 : i32
    %mul3A_18 = arith.constant 768 : i32
    %mul3A_19 = arith.muli %add3A_17, %mul3A_18 : i32
    %dma_start3A_20 = tpu.memref_slice %arg3[%mul3A_19] : memref<1720320xi32, #tpu.memory_space<hbm>> -> memref<768xi32, #tpu.memory_space<hbm>>
    %dma_start3A_21 = tpu.memref_slice %arg3[%mul3A_19] : memref<1720320xi32, #tpu.memory_space<hbm>> -> memref<768xi32, #tpu.memory_space<hbm>>
    tpu.enqueue_dma source(%dma_start3A_21 : memref<768xi32, #tpu.memory_space<hbm>>) target(%arg6 : memref<768xi32, #tpu.memory_space<vmem>>) target_semaphore(%arg10 : memref<!tpu.dma_semaphore, #tpu.memory_space<semaphore_mem>>)
    %dma_wait3A_22 = arith.constant 0 : i32
    %dma_wait3A_23 = tpu.memref_slice %arg3[%dma_wait3A_22] : memref<1720320xi32, #tpu.memory_space<hbm>> -> memref<768xi32, #tpu.memory_space<hbm>>
    %dma_wait3A_24 = arith.constant 0 : i32
    %dma_wait3A_25 = tpu.memref_slice %arg3[%dma_wait3A_24] : memref<1720320xi32, #tpu.memory_space<hbm>> -> memref<768xi32, #tpu.memory_space<hbm>>
    tpu.wait_dma2 semaphore(%arg10 : memref<!tpu.dma_semaphore, #tpu.memory_space<semaphore_mem>>) src(%dma_wait3A_25 : memref<768xi32, #tpu.memory_space<hbm>>) dst(%arg6 : memref<768xi32, #tpu.memory_space<vmem>>)
    %dma_start3A_26 = arith.constant 0 : i32
    %dma_start3A_27 = arith.constant 0 : i32
    %dma_start3A_28 = tpu.memref_slice %arg2[%dma_start3A_26, %dma_start3A_27] : memref<100000x64xf32, #tpu.memory_space<hbm>> -> memref<100000x64xf32, #tpu.memory_space<hbm>>
    tpu.enqueue_indirect_dma source(%dma_start3A_28 : memref<100000x64xf32, #tpu.memory_space<hbm>>) target(%arg8 : memref<768x64xf32, #tpu.memory_space<vmem>>) offsets(%arg6 : memref<768xi32, #tpu.memory_space<vmem>>) semaphore(%arg12 : memref<!tpu.dma_semaphore, #tpu.memory_space<semaphore_mem>>)
    %dma_wait3A_29 = arith.constant 0 : i32
    %dma_wait3A_30 = arith.constant 0 : i32
    %dma_wait3A_31 = tpu.memref_slice %arg2[%dma_wait3A_29, %dma_wait3A_30] : memref<100000x64xf32, #tpu.memory_space<hbm>> -> memref<100000x64xf32, #tpu.memory_space<hbm>>
    tpu.wait_indirect_dma semaphore(%arg11 : memref<!tpu.dma_semaphore, #tpu.memory_space<semaphore_mem>>) src(%dma_wait3A_31 : memref<100000x64xf32, #tpu.memory_space<hbm>>) dst(%arg7 : memref<768x64xf32, #tpu.memory_space<vmem>>)
    %mul3A_32 = arith.constant 70 : i32
    %mul3A_33 = arith.muli %add3A, %mul3A_32 : i32
    %add3A_34 = arith.constant 0 : i32
    %add3A_35 = arith.addi %mul3A_33, %add3A_34 : i32
    %mul3A_36 = arith.constant 768 : i32
    %mul3A_37 = arith.muli %add3A_35, %mul3A_36 : i32
    %dma_start3A_38 = arith.constant 0 : i32
    %dma_start3A_39 = tpu.memref_slice %arg4[%mul3A_37, %dma_start3A_38] : memref<1720320x64xf32, #tpu.memory_space<hbm>> -> memref<768x64xf32, #tpu.memory_space<hbm>>
    %dma_start3A_40 = arith.constant 0 : i32
    %dma_start3A_41 = tpu.memref_slice %arg4[%mul3A_37, %dma_start3A_40] : memref<1720320x64xf32, #tpu.memory_space<hbm>> -> memref<768x64xf32, #tpu.memory_space<hbm>>
    tpu.enqueue_dma source(%arg7 : memref<768x64xf32, #tpu.memory_space<vmem>>) target(%dma_start3A_41 : memref<768x64xf32, #tpu.memory_space<hbm>>) target_semaphore(%arg13 : memref<!tpu.dma_semaphore, #tpu.memory_space<semaphore_mem>>)
    %mul3A_42 = arith.constant 70 : i32
    %mul3A_43 = arith.muli %add3A, %mul3A_42 : i32
    %add3A_44 = arith.constant 2 : i32
    %add3A_45 = arith.addi %mul3A_43, %add3A_44 : i32
    %mul3A_46 = arith.constant 768 : i32
    %mul3A_47 = arith.muli %add3A_45, %mul3A_46 : i32
    %dma_start3A_48 = tpu.memref_slice %arg3[%mul3A_47] : memref<1720320xi32, #tpu.memory_space<hbm>> -> memref<768xi32, #tpu.memory_space<hbm>>
    %dma_start3A_49 = tpu.memref_slice %arg3[%mul3A_47] : memref<1720320xi32, #tpu.memory_space<hbm>> -> memref<768xi32, #tpu.memory_space<hbm>>
    tpu.enqueue_dma source(%dma_start3A_49 : memref<768xi32, #tpu.memory_space<hbm>>) target(%arg5 : memref<768xi32, #tpu.memory_space<vmem>>) target_semaphore(%arg9 : memref<!tpu.dma_semaphore, #tpu.memory_space<semaphore_mem>>)
    %scan3A = arith.constant 0 : i32
    %scan3A_50 = arith.constant 1 : i32
    %scan3A_51 = arith.constant 33 : i32
    %scan3A_52 = arith.addi %scan3A_50, %scan3A_51 : i32
    %scan3A_53 = arith.constant 1 : i32
    scf.for %scan3A_140 = %scan3A_50 to %scan3A_52 step %scan3A_53  : i32 {
      %mul3A_141 = arith.constant 2 : i32
      %mul3A_142 = arith.muli %mul3A_141, %scan3A_140 : i32
      %dma_wait3A_143 = arith.constant 0 : i32
      %dma_wait3A_144 = tpu.memref_slice %arg3[%dma_wait3A_143] : memref<1720320xi32, #tpu.memory_space<hbm>> -> memref<768xi32, #tpu.memory_space<hbm>>
      %dma_wait3A_145 = arith.constant 0 : i32
      %dma_wait3A_146 = tpu.memref_slice %arg3[%dma_wait3A_145] : memref<1720320xi32, #tpu.memory_space<hbm>> -> memref<768xi32, #tpu.memory_space<hbm>>
      tpu.wait_dma2 semaphore(%arg9 : memref<!tpu.dma_semaphore, #tpu.memory_space<semaphore_mem>>) src(%dma_wait3A_146 : memref<768xi32, #tpu.memory_space<hbm>>) dst(%arg5 : memref<768xi32, #tpu.memory_space<vmem>>)
      %dma_wait3A_147 = arith.constant 0 : i32
      %dma_wait3A_148 = arith.constant 0 : i32
      %dma_wait3A_149 = tpu.memref_slice %arg4[%dma_wait3A_147, %dma_wait3A_148] : memref<1720320x64xf32, #tpu.memory_space<hbm>> -> memref<768x64xf32, #tpu.memory_space<hbm>>
      %dma_wait3A_150 = arith.constant 0 : i32
      %dma_wait3A_151 = arith.constant 0 : i32
      %dma_wait3A_152 = tpu.memref_slice %arg4[%dma_wait3A_150, %dma_wait3A_151] : memref<1720320x64xf32, #tpu.memory_space<hbm>> -> memref<768x64xf32, #tpu.memory_space<hbm>>
      tpu.wait_dma2 semaphore(%arg13 : memref<!tpu.dma_semaphore, #tpu.memory_space<semaphore_mem>>) src(%arg7 : memref<768x64xf32, #tpu.memory_space<vmem>>) dst(%dma_wait3A_152 : memref<768x64xf32, #tpu.memory_space<hbm>>)
      %dma_start3A_153 = arith.constant 0 : i32
      %dma_start3A_154 = arith.constant 0 : i32
      %dma_start3A_155 = tpu.memref_slice %arg2[%dma_start3A_153, %dma_start3A_154] : memref<100000x64xf32, #tpu.memory_space<hbm>> -> memref<100000x64xf32, #tpu.memory_space<hbm>>
      tpu.enqueue_indirect_dma source(%dma_start3A_155 : memref<100000x64xf32, #tpu.memory_space<hbm>>) target(%arg7 : memref<768x64xf32, #tpu.memory_space<vmem>>) offsets(%arg5 : memref<768xi32, #tpu.memory_space<vmem>>) semaphore(%arg11 : memref<!tpu.dma_semaphore, #tpu.memory_space<semaphore_mem>>)
      %dma_wait3A_156 = arith.constant 0 : i32
      %dma_wait3A_157 = arith.constant 0 : i32
      %dma_wait3A_158 = tpu.memref_slice %arg2[%dma_wait3A_156, %dma_wait3A_157] : memref<100000x64xf32, #tpu.memory_space<hbm>> -> memref<100000x64xf32, #tpu.memory_space<hbm>>
      tpu.wait_indirect_dma semaphore(%arg12 : memref<!tpu.dma_semaphore, #tpu.memory_space<semaphore_mem>>) src(%dma_wait3A_158 : memref<100000x64xf32, #tpu.memory_space<hbm>>) dst(%arg8 : memref<768x64xf32, #tpu.memory_space<vmem>>)
      %sub3A = arith.constant 1 : i32
      %sub3A_159 = arith.subi %mul3A_142, %sub3A : i32
      %mul3A_160 = arith.constant 70 : i32
      %mul3A_161 = arith.muli %add3A, %mul3A_160 : i32
      %add3A_162 = arith.addi %mul3A_161, %sub3A_159 : i32
      %mul3A_163 = arith.constant 768 : i32
      %mul3A_164 = arith.muli %add3A_162, %mul3A_163 : i32
      %dma_start3A_165 = arith.constant 0 : i32
      %dma_start3A_166 = tpu.memref_slice %arg4[%mul3A_164, %dma_start3A_165] : memref<1720320x64xf32, #tpu.memory_space<hbm>> -> memref<768x64xf32, #tpu.memory_space<hbm>>
      %dma_start3A_167 = arith.constant 0 : i32
      %dma_start3A_168 = tpu.memref_slice %arg4[%mul3A_164, %dma_start3A_167] : memref<1720320x64xf32, #tpu.memory_space<hbm>> -> memref<768x64xf32, #tpu.memory_space<hbm>>
      tpu.enqueue_dma source(%arg8 : memref<768x64xf32, #tpu.memory_space<vmem>>) target(%dma_start3A_168 : memref<768x64xf32, #tpu.memory_space<hbm>>) target_semaphore(%arg14 : memref<!tpu.dma_semaphore, #tpu.memory_space<semaphore_mem>>)
      %add3A_169 = arith.constant 1 : i32
      %add3A_170 = arith.addi %mul3A_142, %add3A_169 : i32
      %mul3A_171 = arith.constant 70 : i32
      %mul3A_172 = arith.muli %add3A, %mul3A_171 : i32
      %add3A_173 = arith.addi %mul3A_172, %add3A_170 : i32
      %mul3A_174 = arith.constant 768 : i32
      %mul3A_175 = arith.muli %add3A_173, %mul3A_174 : i32
      %dma_start3A_176 = tpu.memref_slice %arg3[%mul3A_175] : memref<1720320xi32, #tpu.memory_space<hbm>> -> memref<768xi32, #tpu.memory_space<hbm>>
      %dma_start3A_177 = tpu.memref_slice %arg3[%mul3A_175] : memref<1720320xi32, #tpu.memory_space<hbm>> -> memref<768xi32, #tpu.memory_space<hbm>>
      tpu.enqueue_dma source(%dma_start3A_177 : memref<768xi32, #tpu.memory_space<hbm>>) target(%arg6 : memref<768xi32, #tpu.memory_space<vmem>>) target_semaphore(%arg10 : memref<!tpu.dma_semaphore, #tpu.memory_space<semaphore_mem>>)
      %add3A_178 = arith.constant 1 : i32
      %add3A_179 = arith.addi %mul3A_142, %add3A_178 : i32
      %dma_wait3A_180 = arith.constant 0 : i32
      %dma_wait3A_181 = tpu.memref_slice %arg3[%dma_wait3A_180] : memref<1720320xi32, #tpu.memory_space<hbm>> -> memref<768xi32, #tpu.memory_space<hbm>>
      %dma_wait3A_182 = arith.constant 0 : i32
      %dma_wait3A_183 = tpu.memref_slice %arg3[%dma_wait3A_182] : memref<1720320xi32, #tpu.memory_space<hbm>> -> memref<768xi32, #tpu.memory_space<hbm>>
      tpu.wait_dma2 semaphore(%arg10 : memref<!tpu.dma_semaphore, #tpu.memory_space<semaphore_mem>>) src(%dma_wait3A_183 : memref<768xi32, #tpu.memory_space<hbm>>) dst(%arg6 : memref<768xi32, #tpu.memory_space<vmem>>)
      %dma_wait3A_184 = arith.constant 0 : i32
      %dma_wait3A_185 = arith.constant 0 : i32
      %dma_wait3A_186 = tpu.memref_slice %arg4[%dma_wait3A_184, %dma_wait3A_185] : memref<1720320x64xf32, #tpu.memory_space<hbm>> -> memref<768x64xf32, #tpu.memory_space<hbm>>
      %dma_wait3A_187 = arith.constant 0 : i32
      %dma_wait3A_188 = arith.constant 0 : i32
      %dma_wait3A_189 = tpu.memref_slice %arg4[%dma_wait3A_187, %dma_wait3A_188] : memref<1720320x64xf32, #tpu.memory_space<hbm>> -> memref<768x64xf32, #tpu.memory_space<hbm>>
      tpu.wait_dma2 semaphore(%arg14 : memref<!tpu.dma_semaphore, #tpu.memory_space<semaphore_mem>>) src(%arg8 : memref<768x64xf32, #tpu.memory_space<vmem>>) dst(%dma_wait3A_189 : memref<768x64xf32, #tpu.memory_space<hbm>>)
      %dma_start3A_190 = arith.constant 0 : i32
      %dma_start3A_191 = arith.constant 0 : i32
      %dma_start3A_192 = tpu.memref_slice %arg2[%dma_start3A_190, %dma_start3A_191] : memref<100000x64xf32, #tpu.memory_space<hbm>> -> memref<100000x64xf32, #tpu.memory_space<hbm>>
      tpu.enqueue_indirect_dma source(%dma_start3A_192 : memref<100000x64xf32, #tpu.memory_space<hbm>>) target(%arg8 : memref<768x64xf32, #tpu.memory_space<vmem>>) offsets(%arg6 : memref<768xi32, #tpu.memory_space<vmem>>) semaphore(%arg12 : memref<!tpu.dma_semaphore, #tpu.memory_space<semaphore_mem>>)
      %dma_wait3A_193 = arith.constant 0 : i32
      %dma_wait3A_194 = arith.constant 0 : i32
      %dma_wait3A_195 = tpu.memref_slice %arg2[%dma_wait3A_193, %dma_wait3A_194] : memref<100000x64xf32, #tpu.memory_space<hbm>> -> memref<100000x64xf32, #tpu.memory_space<hbm>>
      tpu.wait_indirect_dma semaphore(%arg11 : memref<!tpu.dma_semaphore, #tpu.memory_space<semaphore_mem>>) src(%dma_wait3A_195 : memref<100000x64xf32, #tpu.memory_space<hbm>>) dst(%arg7 : memref<768x64xf32, #tpu.memory_space<vmem>>)
      %sub3A_196 = arith.constant 1 : i32
      %sub3A_197 = arith.subi %add3A_179, %sub3A_196 : i32
      %mul3A_198 = arith.constant 70 : i32
      %mul3A_199 = arith.muli %add3A, %mul3A_198 : i32
      %add3A_200 = arith.addi %mul3A_199, %sub3A_197 : i32
      %mul3A_201 = arith.constant 768 : i32
      %mul3A_202 = arith.muli %add3A_200, %mul3A_201 : i32
      %dma_start3A_203 = arith.constant 0 : i32
      %dma_start3A_204 = tpu.memref_slice %arg4[%mul3A_202, %dma_start3A_203] : memref<1720320x64xf32, #tpu.memory_space<hbm>> -> memref<768x64xf32, #tpu.memory_space<hbm>>
      %dma_start3A_205 = arith.constant 0 : i32
      %dma_start3A_206 = tpu.memref_slice %arg4[%mul3A_202, %dma_start3A_205] : memref<1720320x64xf32, #tpu.memory_space<hbm>> -> memref<768x64xf32, #tpu.memory_space<hbm>>
      tpu.enqueue_dma source(%arg7 : memref<768x64xf32, #tpu.memory_space<vmem>>) target(%dma_start3A_206 : memref<768x64xf32, #tpu.memory_space<hbm>>) target_semaphore(%arg13 : memref<!tpu.dma_semaphore, #tpu.memory_space<semaphore_mem>>)
      %add3A_207 = arith.constant 1 : i32
      %add3A_208 = arith.addi %add3A_179, %add3A_207 : i32
      %mul3A_209 = arith.constant 70 : i32
      %mul3A_210 = arith.muli %add3A, %mul3A_209 : i32
      %add3A_211 = arith.addi %mul3A_210, %add3A_208 : i32
      %mul3A_212 = arith.constant 768 : i32
      %mul3A_213 = arith.muli %add3A_211, %mul3A_212 : i32
      %dma_start3A_214 = tpu.memref_slice %arg3[%mul3A_213] : memref<1720320xi32, #tpu.memory_space<hbm>> -> memref<768xi32, #tpu.memory_space<hbm>>
      %dma_start3A_215 = tpu.memref_slice %arg3[%mul3A_213] : memref<1720320xi32, #tpu.memory_space<hbm>> -> memref<768xi32, #tpu.memory_space<hbm>>
      tpu.enqueue_dma source(%dma_start3A_215 : memref<768xi32, #tpu.memory_space<hbm>>) target(%arg5 : memref<768xi32, #tpu.memory_space<vmem>>) target_semaphore(%arg9 : memref<!tpu.dma_semaphore, #tpu.memory_space<semaphore_mem>>)
    }
    %scan3A_54 = arith.constant 33 : i32
    %dma_wait3A_55 = arith.constant 0 : i32
    %dma_wait3A_56 = tpu.memref_slice %arg3[%dma_wait3A_55] : memref<1720320xi32, #tpu.memory_space<hbm>> -> memref<768xi32, #tpu.memory_space<hbm>>
    %dma_wait3A_57 = arith.constant 0 : i32
    %dma_wait3A_58 = tpu.memref_slice %arg3[%dma_wait3A_57] : memref<1720320xi32, #tpu.memory_space<hbm>> -> memref<768xi32, #tpu.memory_space<hbm>>
    tpu.wait_dma2 semaphore(%arg9 : memref<!tpu.dma_semaphore, #tpu.memory_space<semaphore_mem>>) src(%dma_wait3A_58 : memref<768xi32, #tpu.memory_space<hbm>>) dst(%arg5 : memref<768xi32, #tpu.memory_space<vmem>>)
    %dma_wait3A_59 = arith.constant 0 : i32
    %dma_wait3A_60 = arith.constant 0 : i32
    %dma_wait3A_61 = tpu.memref_slice %arg4[%dma_wait3A_59, %dma_wait3A_60] : memref<1720320x64xf32, #tpu.memory_space<hbm>> -> memref<768x64xf32, #tpu.memory_space<hbm>>
    %dma_wait3A_62 = arith.constant 0 : i32
    %dma_wait3A_63 = arith.constant 0 : i32
    %dma_wait3A_64 = tpu.memref_slice %arg4[%dma_wait3A_62, %dma_wait3A_63] : memref<1720320x64xf32, #tpu.memory_space<hbm>> -> memref<768x64xf32, #tpu.memory_space<hbm>>
    tpu.wait_dma2 semaphore(%arg13 : memref<!tpu.dma_semaphore, #tpu.memory_space<semaphore_mem>>) src(%arg7 : memref<768x64xf32, #tpu.memory_space<vmem>>) dst(%dma_wait3A_64 : memref<768x64xf32, #tpu.memory_space<hbm>>)
    %dma_start3A_65 = arith.constant 0 : i32
    %dma_start3A_66 = arith.constant 0 : i32
    %dma_start3A_67 = tpu.memref_slice %arg2[%dma_start3A_65, %dma_start3A_66] : memref<100000x64xf32, #tpu.memory_space<hbm>> -> memref<100000x64xf32, #tpu.memory_space<hbm>>
    tpu.enqueue_indirect_dma source(%dma_start3A_67 : memref<100000x64xf32, #tpu.memory_space<hbm>>) target(%arg7 : memref<768x64xf32, #tpu.memory_space<vmem>>) offsets(%arg5 : memref<768xi32, #tpu.memory_space<vmem>>) semaphore(%arg11 : memref<!tpu.dma_semaphore, #tpu.memory_space<semaphore_mem>>)
    %dma_wait3A_68 = arith.constant 0 : i32
    %dma_wait3A_69 = arith.constant 0 : i32
    %dma_wait3A_70 = tpu.memref_slice %arg2[%dma_wait3A_68, %dma_wait3A_69] : memref<100000x64xf32, #tpu.memory_space<hbm>> -> memref<100000x64xf32, #tpu.memory_space<hbm>>
    tpu.wait_indirect_dma semaphore(%arg12 : memref<!tpu.dma_semaphore, #tpu.memory_space<semaphore_mem>>) src(%dma_wait3A_70 : memref<100000x64xf32, #tpu.memory_space<hbm>>) dst(%arg8 : memref<768x64xf32, #tpu.memory_space<vmem>>)
    %mul3A_71 = arith.constant 70 : i32
    %mul3A_72 = arith.muli %add3A, %mul3A_71 : i32
    %add3A_73 = arith.constant 67 : i32
    %add3A_74 = arith.addi %mul3A_72, %add3A_73 : i32
    %mul3A_75 = arith.constant 768 : i32
    %mul3A_76 = arith.muli %add3A_74, %mul3A_75 : i32
    %dma_start3A_77 = arith.constant 0 : i32
    %dma_start3A_78 = tpu.memref_slice %arg4[%mul3A_76, %dma_start3A_77] : memref<1720320x64xf32, #tpu.memory_space<hbm>> -> memref<768x64xf32, #tpu.memory_space<hbm>>
    %dma_start3A_79 = arith.constant 0 : i32
    %dma_start3A_80 = tpu.memref_slice %arg4[%mul3A_76, %dma_start3A_79] : memref<1720320x64xf32, #tpu.memory_space<hbm>> -> memref<768x64xf32, #tpu.memory_space<hbm>>
    tpu.enqueue_dma source(%arg8 : memref<768x64xf32, #tpu.memory_space<vmem>>) target(%dma_start3A_80 : memref<768x64xf32, #tpu.memory_space<hbm>>) target_semaphore(%arg14 : memref<!tpu.dma_semaphore, #tpu.memory_space<semaphore_mem>>)
    %mul3A_81 = arith.constant 70 : i32
    %mul3A_82 = arith.muli %add3A, %mul3A_81 : i32
    %add3A_83 = arith.constant 69 : i32
    %add3A_84 = arith.addi %mul3A_82, %add3A_83 : i32
    %mul3A_85 = arith.constant 768 : i32
    %mul3A_86 = arith.muli %add3A_84, %mul3A_85 : i32
    %dma_start3A_87 = tpu.memref_slice %arg3[%mul3A_86] : memref<1720320xi32, #tpu.memory_space<hbm>> -> memref<768xi32, #tpu.memory_space<hbm>>
    %dma_start3A_88 = tpu.memref_slice %arg3[%mul3A_86] : memref<1720320xi32, #tpu.memory_space<hbm>> -> memref<768xi32, #tpu.memory_space<hbm>>
    tpu.enqueue_dma source(%dma_start3A_88 : memref<768xi32, #tpu.memory_space<hbm>>) target(%arg6 : memref<768xi32, #tpu.memory_space<vmem>>) target_semaphore(%arg10 : memref<!tpu.dma_semaphore, #tpu.memory_space<semaphore_mem>>)
    %dma_wait3A_89 = arith.constant 0 : i32
    %dma_wait3A_90 = tpu.memref_slice %arg3[%dma_wait3A_89] : memref<1720320xi32, #tpu.memory_space<hbm>> -> memref<768xi32, #tpu.memory_space<hbm>>
    %dma_wait3A_91 = arith.constant 0 : i32
    %dma_wait3A_92 = tpu.memref_slice %arg3[%dma_wait3A_91] : memref<1720320xi32, #tpu.memory_space<hbm>> -> memref<768xi32, #tpu.memory_space<hbm>>
    tpu.wait_dma2 semaphore(%arg10 : memref<!tpu.dma_semaphore, #tpu.memory_space<semaphore_mem>>) src(%dma_wait3A_92 : memref<768xi32, #tpu.memory_space<hbm>>) dst(%arg6 : memref<768xi32, #tpu.memory_space<vmem>>)
    %dma_wait3A_93 = arith.constant 0 : i32
    %dma_wait3A_94 = arith.constant 0 : i32
    %dma_wait3A_95 = tpu.memref_slice %arg4[%dma_wait3A_93, %dma_wait3A_94] : memref<1720320x64xf32, #tpu.memory_space<hbm>> -> memref<768x64xf32, #tpu.memory_space<hbm>>
    %dma_wait3A_96 = arith.constant 0 : i32
    %dma_wait3A_97 = arith.constant 0 : i32
    %dma_wait3A_98 = tpu.memref_slice %arg4[%dma_wait3A_96, %dma_wait3A_97] : memref<1720320x64xf32, #tpu.memory_space<hbm>> -> memref<768x64xf32, #tpu.memory_space<hbm>>
    tpu.wait_dma2 semaphore(%arg14 : memref<!tpu.dma_semaphore, #tpu.memory_space<semaphore_mem>>) src(%arg8 : memref<768x64xf32, #tpu.memory_space<vmem>>) dst(%dma_wait3A_98 : memref<768x64xf32, #tpu.memory_space<hbm>>)
    %dma_start3A_99 = arith.constant 0 : i32
    %dma_start3A_100 = arith.constant 0 : i32
    %dma_start3A_101 = tpu.memref_slice %arg2[%dma_start3A_99, %dma_start3A_100] : memref<100000x64xf32, #tpu.memory_space<hbm>> -> memref<100000x64xf32, #tpu.memory_space<hbm>>
    tpu.enqueue_indirect_dma source(%dma_start3A_101 : memref<100000x64xf32, #tpu.memory_space<hbm>>) target(%arg8 : memref<768x64xf32, #tpu.memory_space<vmem>>) offsets(%arg6 : memref<768xi32, #tpu.memory_space<vmem>>) semaphore(%arg12 : memref<!tpu.dma_semaphore, #tpu.memory_space<semaphore_mem>>)
    %dma_wait3A_102 = arith.constant 0 : i32
    %dma_wait3A_103 = arith.constant 0 : i32
    %dma_wait3A_104 = tpu.memref_slice %arg2[%dma_wait3A_102, %dma_wait3A_103] : memref<100000x64xf32, #tpu.memory_space<hbm>> -> memref<100000x64xf32, #tpu.memory_space<hbm>>
    tpu.wait_indirect_dma semaphore(%arg11 : memref<!tpu.dma_semaphore, #tpu.memory_space<semaphore_mem>>) src(%dma_wait3A_104 : memref<100000x64xf32, #tpu.memory_space<hbm>>) dst(%arg7 : memref<768x64xf32, #tpu.memory_space<vmem>>)
    %mul3A_105 = arith.constant 70 : i32
    %mul3A_106 = arith.muli %add3A, %mul3A_105 : i32
    %add3A_107 = arith.constant 68 : i32
    %add3A_108 = arith.addi %mul3A_106, %add3A_107 : i32
    %mul3A_109 = arith.constant 768 : i32
    %mul3A_110 = arith.muli %add3A_108, %mul3A_109 : i32
    %dma_start3A_111 = arith.constant 0 : i32
    %dma_start3A_112 = tpu.memref_slice %arg4[%mul3A_110, %dma_start3A_111] : memref<1720320x64xf32, #tpu.memory_space<hbm>> -> memref<768x64xf32, #tpu.memory_space<hbm>>
    %dma_start3A_113 = arith.constant 0 : i32
    %dma_start3A_114 = tpu.memref_slice %arg4[%mul3A_110, %dma_start3A_113] : memref<1720320x64xf32, #tpu.memory_space<hbm>> -> memref<768x64xf32, #tpu.memory_space<hbm>>
    tpu.enqueue_dma source(%arg7 : memref<768x64xf32, #tpu.memory_space<vmem>>) target(%dma_start3A_114 : memref<768x64xf32, #tpu.memory_space<hbm>>) target_semaphore(%arg13 : memref<!tpu.dma_semaphore, #tpu.memory_space<semaphore_mem>>)
    %dma_wait3A_115 = arith.constant 0 : i32
    %dma_wait3A_116 = arith.constant 0 : i32
    %dma_wait3A_117 = tpu.memref_slice %arg2[%dma_wait3A_115, %dma_wait3A_116] : memref<100000x64xf32, #tpu.memory_space<hbm>> -> memref<100000x64xf32, #tpu.memory_space<hbm>>
    tpu.wait_indirect_dma semaphore(%arg12 : memref<!tpu.dma_semaphore, #tpu.memory_space<semaphore_mem>>) src(%dma_wait3A_117 : memref<100000x64xf32, #tpu.memory_space<hbm>>) dst(%arg8 : memref<768x64xf32, #tpu.memory_space<vmem>>)
    %mul3A_118 = arith.constant 70 : i32
    %mul3A_119 = arith.muli %add3A, %mul3A_118 : i32
    %add3A_120 = arith.constant 69 : i32
    %add3A_121 = arith.addi %mul3A_119, %add3A_120 : i32
    %mul3A_122 = arith.constant 768 : i32
    %mul3A_123 = arith.muli %add3A_121, %mul3A_122 : i32
    %dma_start3A_124 = arith.constant 0 : i32
    %dma_start3A_125 = tpu.memref_slice %arg4[%mul3A_123, %dma_start3A_124] : memref<1720320x64xf32, #tpu.memory_space<hbm>> -> memref<768x64xf32, #tpu.memory_space<hbm>>
    %dma_start3A_126 = arith.constant 0 : i32
    %dma_start3A_127 = tpu.memref_slice %arg4[%mul3A_123, %dma_start3A_126] : memref<1720320x64xf32, #tpu.memory_space<hbm>> -> memref<768x64xf32, #tpu.memory_space<hbm>>
    tpu.enqueue_dma source(%arg8 : memref<768x64xf32, #tpu.memory_space<vmem>>) target(%dma_start3A_127 : memref<768x64xf32, #tpu.memory_space<hbm>>) target_semaphore(%arg14 : memref<!tpu.dma_semaphore, #tpu.memory_space<semaphore_mem>>)
    %dma_wait3A_128 = arith.constant 0 : i32
    %dma_wait3A_129 = arith.constant 0 : i32
    %dma_wait3A_130 = tpu.memref_slice %arg4[%dma_wait3A_128, %dma_wait3A_129] : memref<1720320x64xf32, #tpu.memory_space<hbm>> -> memref<768x64xf32, #tpu.memory_space<hbm>>
    %dma_wait3A_131 = arith.constant 0 : i32
    %dma_wait3A_132 = arith.constant 0 : i32
    %dma_wait3A_133 = tpu.memref_slice %arg4[%dma_wait3A_131, %dma_wait3A_132] : memref<1720320x64xf32, #tpu.memory_space<hbm>> -> memref<768x64xf32, #tpu.memory_space<hbm>>
    tpu.wait_dma2 semaphore(%arg13 : memref<!tpu.dma_semaphore, #tpu.memory_space<semaphore_mem>>) src(%arg7 : memref<768x64xf32, #tpu.memory_space<vmem>>) dst(%dma_wait3A_133 : memref<768x64xf32, #tpu.memory_space<hbm>>)
    %dma_wait3A_134 = arith.constant 0 : i32
    %dma_wait3A_135 = arith.constant 0 : i32
    %dma_wait3A_136 = tpu.memref_slice %arg4[%dma_wait3A_134, %dma_wait3A_135] : memref<1720320x64xf32, #tpu.memory_space<hbm>> -> memref<768x64xf32, #tpu.memory_space<hbm>>
    %dma_wait3A_137 = arith.constant 0 : i32
    %dma_wait3A_138 = arith.constant 0 : i32
    %dma_wait3A_139 = tpu.memref_slice %arg4[%dma_wait3A_137, %dma_wait3A_138] : memref<1720320x64xf32, #tpu.memory_space<hbm>> -> memref<768x64xf32, #tpu.memory_space<hbm>>
    tpu.wait_dma2 semaphore(%arg14 : memref<!tpu.dma_semaphore, #tpu.memory_space<semaphore_mem>>) src(%arg8 : memref<768x64xf32, #tpu.memory_space<vmem>>) dst(%dma_wait3A_139 : memref<768x64xf32, #tpu.memory_space<hbm>>)
    return
  }
}

#map = affine_map<(d0, d1) -> (0, 0)>
#map1 = affine_map<(d0, d1) -> (0)>
module attributes {stable_mosaic.version = 14 : i64} {
  func.func @_sc_scatter_body(%arg0: i32, %arg1: i32, %arg2: memref<860160x72xf32, #tpu.memory_space<hbm>>, %arg3: memref<860160xi32, #tpu.memory_space<hbm>>, %arg4: memref<25088x72xf32, #tpu.memory_space<hbm>>, %arg5: memref<50176x72xf32, #tpu.memory_space<hbm>>, %arg6: memref<25088x72xf32, #tpu.memory_space<vmem_shared>>, %arg7: memref<192xi32, #tpu.memory_space<vmem>>, %arg8: memref<192xi32, #tpu.memory_space<vmem>>, %arg9: memref<192x72xf32, #tpu.memory_space<vmem>>) attributes {dimension_semantics = [#tpu.dimension_semantics<core_parallel>, #tpu.dimension_semantics<subcore_parallel>], iteration_bounds = array<i64: 2, 16>, scalar_prefetch = 0 : i64, scratch_operands = 4 : i64, tpu.core_type = #tpu.core_type<sc_vector_subcore>, window_params = [{transform_indices = #map}, {transform_indices = #map1}, {transform_indices = #map}, {transform_indices = #map}]} {
    %mul3A = arith.constant 25000 : i32
    %mul3A_0 = arith.muli %arg0, %mul3A : i32
    %mul3A_1 = arith.constant 1568 : i32
    %mul3A_2 = arith.muli %arg1, %mul3A_1 : i32
    %mul3A_3 = arith.constant 1568 : i32
    %mul3A_4 = arith.muli %arg1, %mul3A_3 : i32
    "tpu.region"() ({
      %run_scoped3A = tpu.sem_alloc : memref<!tpu.dma_semaphore, #tpu.memory_space<semaphore_mem>>
      %dma_start3A = arith.constant 0 : i32
      %dma_start3A_17 = tpu.memref_slice %arg6[%mul3A_4, %dma_start3A] : memref<25088x72xf32, #tpu.memory_space<vmem_shared>> -> memref<1568x72xf32, #tpu.memory_space<vmem_shared>>
      %dma_start3A_18 = arith.constant 0 : i32
      %dma_start3A_19 = tpu.memref_slice %arg4[%mul3A_2, %dma_start3A_18] : memref<25088x72xf32, #tpu.memory_space<hbm>> -> memref<1568x72xf32, #tpu.memory_space<hbm>>
      tpu.enqueue_dma source(%dma_start3A_19 : memref<1568x72xf32, #tpu.memory_space<hbm>>) target(%dma_start3A_17 : memref<1568x72xf32, #tpu.memory_space<vmem_shared>>) target_semaphore(%run_scoped3A : memref<!tpu.dma_semaphore, #tpu.memory_space<semaphore_mem>>)
      %dma_wait3A = arith.constant 0 : i32
      %dma_wait3A_20 = tpu.memref_slice %arg6[%mul3A_4, %dma_wait3A] : memref<25088x72xf32, #tpu.memory_space<vmem_shared>> -> memref<1568x72xf32, #tpu.memory_space<vmem_shared>>
      %dma_wait3A_21 = arith.constant 0 : i32
      %dma_wait3A_22 = tpu.memref_slice %arg4[%mul3A_2, %dma_wait3A_21] : memref<25088x72xf32, #tpu.memory_space<hbm>> -> memref<1568x72xf32, #tpu.memory_space<hbm>>
      tpu.wait_dma2 semaphore(%run_scoped3A : memref<!tpu.dma_semaphore, #tpu.memory_space<semaphore_mem>>) src(%dma_wait3A_22 : memref<1568x72xf32, #tpu.memory_space<hbm>>) dst(%dma_wait3A_20 : memref<1568x72xf32, #tpu.memory_space<vmem_shared>>)
      tpu.yield
    }) : () -> ()
    %barrier3A = arith.constant 0 : index
    tpu.barrier barrier_id(%barrier3A)
    %scan3A = arith.constant 0 : i32
    %scan3A_5 = arith.constant 0 : i32
    %scan3A_6 = arith.constant 280 : i32
    %scan3A_7 = arith.addi %scan3A_5, %scan3A_6 : i32
    %scan3A_8 = arith.constant 1 : i32
    scf.for %scan3A_17 = %scan3A_5 to %scan3A_7 step %scan3A_8  : i32 {
      %mul3A_18 = arith.constant 280 : i32
      %mul3A_19 = arith.muli %arg1, %mul3A_18 : i32
      %add3A_20 = arith.addi %mul3A_19, %scan3A_17 : i32
      %mul3A_21 = arith.constant 192 : i32
      %mul3A_22 = arith.muli %add3A_20, %mul3A_21 : i32
      "tpu.region"() ({
        %run_scoped3A = tpu.sem_alloc : memref<!tpu.dma_semaphore, #tpu.memory_space<semaphore_mem>>
        %dma_start3A = tpu.memref_slice %arg3[%mul3A_22] : memref<860160xi32, #tpu.memory_space<hbm>> -> memref<192xi32, #tpu.memory_space<hbm>>
        %dma_start3A_29 = tpu.memref_slice %arg3[%mul3A_22] : memref<860160xi32, #tpu.memory_space<hbm>> -> memref<192xi32, #tpu.memory_space<hbm>>
        tpu.enqueue_dma source(%dma_start3A_29 : memref<192xi32, #tpu.memory_space<hbm>>) target(%arg7 : memref<192xi32, #tpu.memory_space<vmem>>) target_semaphore(%run_scoped3A : memref<!tpu.dma_semaphore, #tpu.memory_space<semaphore_mem>>)
        %dma_wait3A = tpu.memref_slice %arg3[%mul3A_22] : memref<860160xi32, #tpu.memory_space<hbm>> -> memref<192xi32, #tpu.memory_space<hbm>>
        %dma_wait3A_30 = tpu.memref_slice %arg3[%mul3A_22] : memref<860160xi32, #tpu.memory_space<hbm>> -> memref<192xi32, #tpu.memory_space<hbm>>
        tpu.wait_dma2 semaphore(%run_scoped3A : memref<!tpu.dma_semaphore, #tpu.memory_space<semaphore_mem>>) src(%dma_wait3A_30 : memref<192xi32, #tpu.memory_space<hbm>>) dst(%arg7 : memref<192xi32, #tpu.memory_space<vmem>>)
        tpu.yield
      }) : () -> ()
      %scan3A_23 = arith.constant 0 : i32
      %scan3A_24 = arith.constant 0 : i32
      %scan3A_25 = arith.constant 12 : i32
      %scan3A_26 = arith.addi %scan3A_24, %scan3A_25 : i32
      %scan3A_27 = arith.constant 1 : i32
      scf.for %scan3A_29 = %scan3A_24 to %scan3A_26 step %scan3A_27  : i32 {
        %mul3A_30 = arith.constant 16 : i32
        %mul3A_31 = arith.muli %scan3A_29, %mul3A_30 : i32
        %get3A = arith.index_cast %mul3A_31 : i32 to index
        %get3A_32 = tpu.vector_load %arg7[%get3A] {strides = array<i32>} : memref<192xi32, #tpu.memory_space<vmem>>, vector<16xi32>,
        %get3A_33 = vector.shape_cast %get3A_32 : vector<16xi32> to vector<16xi32>
        %sub3A = vector.broadcast %mul3A_0 : i32 to vector<16xi32>
        %sub3A_34 = arith.subi %get3A_33, %sub3A : vector<16xi32>
        %ge3A = arith.constant 0 : i32
        %ge3A_35 = vector.broadcast %ge3A : i32 to vector<16xi32>
        %ge3A_36 = arith.cmpi sge, %sub3A_34, %ge3A_35 : vector<16xi32>
        %lt3A = arith.constant 25000 : i32
        %lt3A_37 = vector.broadcast %lt3A : i32 to vector<16xi32>
        %lt3A_38 = arith.cmpi slt, %sub3A_34, %lt3A_37 : vector<16xi32>
        %and3A = arith.andi %ge3A_36, %lt3A_38 : vector<16xi1>
        %jit3A = arith.constant 25000 : i32
        %broadcast_in_dim3A = vector.broadcast %jit3A : i32 to vector<16xi32>
        %select_n3A = arith.select %and3A, %sub3A_34, %broadcast_in_dim3A : vector<16xi1>, vector<16xi32>
        %mul3A_39 = arith.constant 16 : i32
        %mul3A_40 = arith.muli %scan3A_29, %mul3A_39 : i32
        %swap3A = arith.index_cast %mul3A_40 : i32 to index
        %swap3A_41 = tpu.vector_load %arg8[%swap3A] {strides = array<i32>} : memref<192xi32, #tpu.memory_space<vmem>>, vector<16xi32>,
        %swap3A_42 = vector.shape_cast %swap3A_41 : vector<16xi32> to vector<16xi32>
        %swap3A_43 = vector.shape_cast %select_n3A : vector<16xi32> to vector<16xi32>
        tpu.vector_store %arg8[%swap3A], %swap3A_43 {strides = array<i32>} : memref<192xi32, #tpu.memory_space<vmem>>, vector<16xi32>,
      }
      %scan3A_28 = arith.constant 12 : i32
      "tpu.region"() ({
        %run_scoped3A = tpu.sem_alloc : memref<!tpu.dma_semaphore, #tpu.memory_space<semaphore_mem>>
        %dma_start3A = arith.constant 0 : i32
        %dma_start3A_29 = tpu.memref_slice %arg2[%mul3A_22, %dma_start3A] : memref<860160x72xf32, #tpu.memory_space<hbm>> -> memref<192x72xf32, #tpu.memory_space<hbm>>
        %dma_start3A_30 = arith.constant 0 : i32
        %dma_start3A_31 = tpu.memref_slice %arg2[%mul3A_22, %dma_start3A_30] : memref<860160x72xf32, #tpu.memory_space<hbm>> -> memref<192x72xf32, #tpu.memory_space<hbm>>
        tpu.enqueue_dma source(%dma_start3A_31 : memref<192x72xf32, #tpu.memory_space<hbm>>) target(%arg9 : memref<192x72xf32, #tpu.memory_space<vmem>>) target_semaphore(%run_scoped3A : memref<!tpu.dma_semaphore, #tpu.memory_space<semaphore_mem>>)
        %dma_wait3A = arith.constant 0 : i32
        %dma_wait3A_32 = tpu.memref_slice %arg2[%mul3A_22, %dma_wait3A] : memref<860160x72xf32, #tpu.memory_space<hbm>> -> memref<192x72xf32, #tpu.memory_space<hbm>>
        %dma_wait3A_33 = arith.constant 0 : i32
        %dma_wait3A_34 = tpu.memref_slice %arg2[%mul3A_22, %dma_wait3A_33] : memref<860160x72xf32, #tpu.memory_space<hbm>> -> memref<192x72xf32, #tpu.memory_space<hbm>>
        tpu.wait_dma2 semaphore(%run_scoped3A : memref<!tpu.dma_semaphore, #tpu.memory_space<semaphore_mem>>) src(%dma_wait3A_34 : memref<192x72xf32, #tpu.memory_space<hbm>>) dst(%arg9 : memref<192x72xf32, #tpu.memory_space<vmem>>)
        tpu.yield
      }) : () -> ()
      "tpu.region"() ({
        %run_scoped3A = tpu.sem_alloc : memref<!tpu.dma_semaphore, #tpu.memory_space<semaphore_mem>>
        %dma_start3A = arith.constant 0 : i32
        %dma_start3A_29 = arith.constant 0 : i32
        %dma_start3A_30 = tpu.memref_slice %arg6[%dma_start3A, %dma_start3A_29] : memref<25088x72xf32, #tpu.memory_space<vmem_shared>> -> memref<25088x72xf32, #tpu.memory_space<vmem_shared>>
        tpu.enqueue_indirect_dma source(%arg9 : memref<192x72xf32, #tpu.memory_space<vmem>>) target(%dma_start3A_30 : memref<25088x72xf32, #tpu.memory_space<vmem_shared>>) offsets(%arg8 : memref<192xi32, #tpu.memory_space<vmem>>) semaphore(%run_scoped3A : memref<!tpu.dma_semaphore, #tpu.memory_space<semaphore_mem>>) {add = true}
        %dma_wait3A = arith.constant 0 : i32
        %dma_wait3A_31 = arith.constant 0 : i32
        %dma_wait3A_32 = tpu.memref_slice %arg6[%dma_wait3A, %dma_wait3A_31] : memref<25088x72xf32, #tpu.memory_space<vmem_shared>> -> memref<25088x72xf32, #tpu.memory_space<vmem_shared>>
        tpu.wait_indirect_dma semaphore(%run_scoped3A : memref<!tpu.dma_semaphore, #tpu.memory_space<semaphore_mem>>) src(%arg9 : memref<192x72xf32, #tpu.memory_space<vmem>>) dst(%dma_wait3A_32 : memref<25088x72xf32, #tpu.memory_space<vmem_shared>>)
        tpu.yield
      }) : () -> ()
    }
    %scan3A_9 = arith.constant 280 : i32
    %barrier3A_10 = arith.constant 0 : index
    tpu.barrier barrier_id(%barrier3A_10)
    %mul3A_11 = arith.constant 1568 : i32
    %mul3A_12 = arith.muli %arg1, %mul3A_11 : i32
    %mul3A_13 = arith.constant 25088 : i32
    %mul3A_14 = arith.muli %arg0, %mul3A_13 : i32
    %mul3A_15 = arith.constant 1568 : i32
    %mul3A_16 = arith.muli %arg1, %mul3A_15 : i32
    %add3A = arith.addi %mul3A_14, %mul3A_16 : i32
    "tpu.region"() ({
      %run_scoped3A = tpu.sem_alloc : memref<!tpu.dma_semaphore, #tpu.memory_space<semaphore_mem>>
      %dma_start3A = arith.constant 0 : i32
      %dma_start3A_17 = tpu.memref_slice %arg5[%add3A, %dma_start3A] : memref<50176x72xf32, #tpu.memory_space<hbm>> -> memref<1568x72xf32, #tpu.memory_space<hbm>>
      %dma_start3A_18 = arith.constant 0 : i32
      %dma_start3A_19 = tpu.memref_slice %arg6[%mul3A_12, %dma_start3A_18] : memref<25088x72xf32, #tpu.memory_space<vmem_shared>> -> memref<1568x72xf32, #tpu.memory_space<vmem_shared>>
      tpu.enqueue_dma source(%dma_start3A_19 : memref<1568x72xf32, #tpu.memory_space<vmem_shared>>) target(%dma_start3A_17 : memref<1568x72xf32, #tpu.memory_space<hbm>>) target_semaphore(%run_scoped3A : memref<!tpu.dma_semaphore, #tpu.memory_space<semaphore_mem>>)
      %dma_wait3A = arith.constant 0 : i32
      %dma_wait3A_20 = tpu.memref_slice %arg5[%add3A, %dma_wait3A] : memref<50176x72xf32, #tpu.memory_space<hbm>> -> memref<1568x72xf32, #tpu.memory_space<hbm>>
      %dma_wait3A_21 = arith.constant 0 : i32
      %dma_wait3A_22 = tpu.memref_slice %arg6[%mul3A_12, %dma_wait3A_21] : memref<25088x72xf32, #tpu.memory_space<vmem_shared>> -> memref<1568x72xf32, #tpu.memory_space<vmem_shared>>
      tpu.wait_dma2 semaphore(%run_scoped3A : memref<!tpu.dma_semaphore, #tpu.memory_space<semaphore_mem>>) src(%dma_wait3A_22 : memref<1568x72xf32, #tpu.memory_space<vmem_shared>>) dst(%dma_wait3A_20 : memref<1568x72xf32, #tpu.memory_space<hbm>>)
      tpu.yield
    }) : () -> ()
    return
  }
}

module attributes {stable_mosaic.version = 14 : i64} {
  func.func @_proj1_body(%arg0: i32, %arg1: memref<2000x12xf32, #tpu.memory_space<vmem>>, %arg2: memref<2000x3xi32, #tpu.memory_space<vmem>>, %arg3: memref<12x128xf32, #tpu.memory_space<vmem>>, %arg4: memref<32x128xf32, #tpu.memory_space<vmem>>, %arg5: memref<1x128xf32, #tpu.memory_space<vmem>>, %arg6: memref<2000x64xf32, #tpu.memory_space<vmem>>, %arg7: memref<2000x64xf32, #tpu.memory_space<vmem>>) attributes {dimension_semantics = [#tpu.dimension_semantics<arbitrary>], iteration_bounds = array<i64: 25>, scalar_prefetch = 0 : i64, scratch_operands = 0 : i64, tpu.core_type = #tpu.core_type<tc>, window_params = [{transform_indices = @transform_0, window_bounds = array<i64: 2000, 12>}, {transform_indices = @transform_1, window_bounds = array<i64: 2000, 3>}, {pipeline_mode = #tpu.pipeline_mode<synchronous>, transform_indices = @transform_2, window_bounds = array<i64: 12, 128>}, {pipeline_mode = #tpu.pipeline_mode<synchronous>, transform_indices = @transform_3, window_bounds = array<i64: 32, 128>}, {pipeline_mode = #tpu.pipeline_mode<synchronous>, transform_indices = @transform_4, window_bounds = array<i64: 1, 128>}, {transform_indices = @transform_5, window_bounds = array<i64: 2000, 64>}, {transform_indices = @transform_6, window_bounds = array<i64: 2000, 64>}]} {
    %iota3A = tpu.iota {dimensions = array<i32: 1>} : vector<1x32xi32>
    %get3A = arith.constant 0 : index
    %get3A_0 = arith.constant 0 : index
    %get3A_1 = vector.load %arg2[%get3A, %get3A_0] : memref<2000x3xi32, #tpu.memory_space<vmem>>, vector<2000x1xi32>
    %get3A_2 = arith.constant 0 : index
    %get3A_3 = arith.constant 1 : index
    %get3A_4 = vector.load %arg2[%get3A_2, %get3A_3] : memref<2000x3xi32, #tpu.memory_space<vmem>>, vector<2000x1xi32>
    %add3A = arith.constant 16 : i32
    %add3A_5 = vector.broadcast %add3A : i32 to vector<2000x1xi32>
    %add3A_6 = arith.addi %get3A_4, %add3A_5 : vector<2000x1xi32>
    %get3A_7 = arith.constant 0 : index
    %get3A_8 = arith.constant 2 : index
    %get3A_9 = vector.load %arg2[%get3A_7, %get3A_8] : memref<2000x3xi32, #tpu.memory_space<vmem>>, vector<2000x1xi32>
    %add3A_10 = arith.constant 24 : i32
    %add3A_11 = vector.broadcast %add3A_10 : i32 to vector<2000x1xi32>
    %add3A_12 = arith.addi %get3A_9, %add3A_11 : vector<2000x1xi32>
    %eq3A = vector.broadcast %iota3A : vector<1x32xi32> to vector<2000x32xi32>
    %eq3A_13 = vector.broadcast %get3A_1 : vector<2000x1xi32> to vector<2000x32xi32>
    %eq3A_14 = arith.cmpi eq, %eq3A, %eq3A_13 : vector<2000x32xi32>
    %convert_element_type3A = arith.extui %eq3A_14 : vector<2000x32xi1> to vector<2000x32xi32>
    %convert_element_type3A_15 = arith.sitofp %convert_element_type3A : vector<2000x32xi32> to vector<2000x32xf32>
    %eq3A_16 = vector.broadcast %iota3A : vector<1x32xi32> to vector<2000x32xi32>
    %eq3A_17 = vector.broadcast %add3A_6 : vector<2000x1xi32> to vector<2000x32xi32>
    %eq3A_18 = arith.cmpi eq, %eq3A_16, %eq3A_17 : vector<2000x32xi32>
    %convert_element_type3A_19 = arith.extui %eq3A_18 : vector<2000x32xi1> to vector<2000x32xi32>
    %convert_element_type3A_20 = arith.sitofp %convert_element_type3A_19 : vector<2000x32xi32> to vector<2000x32xf32>
    %add3A_21 = arith.addf %convert_element_type3A_15, %convert_element_type3A_20 : vector<2000x32xf32>
    %eq3A_22 = vector.broadcast %iota3A : vector<1x32xi32> to vector<2000x32xi32>
    %eq3A_23 = vector.broadcast %add3A_12 : vector<2000x1xi32> to vector<2000x32xi32>
    %eq3A_24 = arith.cmpi eq, %eq3A_22, %eq3A_23 : vector<2000x32xi32>
    %convert_element_type3A_25 = arith.extui %eq3A_24 : vector<2000x32xi1> to vector<2000x32xi32>
    %convert_element_type3A_26 = arith.sitofp %convert_element_type3A_25 : vector<2000x32xi32> to vector<2000x32xf32>
    %add3A_27 = arith.addf %add3A_21, %convert_element_type3A_26 : vector<2000x32xf32>
    %get3A_28 = arith.constant 0 : index
    %get3A_29 = arith.constant 0 : index
    %get3A_30 = vector.load %arg1[%get3A_28, %get3A_29] : memref<2000x12xf32, #tpu.memory_space<vmem>>, vector<2000x12xf32>
    %get3A_31 = arith.constant 0 : index
    %get3A_32 = arith.constant 0 : index
    %get3A_33 = vector.load %arg3[%get3A_31, %get3A_32] : memref<12x128xf32, #tpu.memory_space<vmem>>, vector<12x128xf32>
    %dot_general3A = arith.constant dense<0.000000e+00> : vector<2000x128xf32>
    %dot_general3A_34 = tpu.matmul %get3A_30, %get3A_33, %dot_general3A {dimension_numbers = #tpu.dot_dimension_numbers<[1], [0], [0], [1], [0, 0, 1, 1], [], []>, transpose_lhs_hint = false} : vector<2000x12xf32>, vector<12x128xf32>, vector<2000x128xf32> -> vector<2000x128xf32>
    %get3A_35 = arith.constant 0 : index
    %get3A_36 = arith.constant 0 : index
    %get3A_37 = vector.load %arg4[%get3A_35, %get3A_36] : memref<32x128xf32, #tpu.memory_space<vmem>>, vector<32x128xf32>
    %dot_general3A_38 = arith.constant dense<0.000000e+00> : vector<2000x128xf32>
    %dot_general3A_39 = tpu.matmul %add3A_27, %get3A_37, %dot_general3A_38 {dimension_numbers = #tpu.dot_dimension_numbers<[1], [0], [0], [1], [0, 0, 1, 1], [], []>, transpose_lhs_hint = false} : vector<2000x32xf32>, vector<32x128xf32>, vector<2000x128xf32> -> vector<2000x128xf32>
    %add3A_40 = arith.addf %dot_general3A_34, %dot_general3A_39 : vector<2000x128xf32>
    %get3A_41 = arith.constant 0 : index
    %get3A_42 = arith.constant 0 : index
    %get3A_43 = vector.load %arg5[%get3A_41, %get3A_42] : memref<1x128xf32, #tpu.memory_space<vmem>>, vector<1x128xf32>
    %add3A_44 = vector.broadcast %get3A_43 : vector<1x128xf32> to vector<2000x128xf32>
    %add3A_45 = arith.addf %add3A_40, %add3A_44 : vector<2000x128xf32>
    %slice3A = vector.extract_strided_slice %add3A_45 {offsets = [0, 0], sizes = [2000, 64], strides = [1, 1]} : vector<2000x128xf32> to vector<2000x64xf32>
    %swap3A = arith.constant 0 : index
    %swap3A_46 = arith.constant 0 : index
    %swap3A_47 = vector.load %arg6[%swap3A, %swap3A_46] : memref<2000x64xf32, #tpu.memory_space<vmem>>, vector<2000x64xf32>
    tpu.vector_store %arg6[%swap3A, %swap3A_46], %slice3A {strides = array<i32>} : memref<2000x64xf32, #tpu.memory_space<vmem>>, vector<2000x64xf32>,
    %slice3A_48 = vector.extract_strided_slice %add3A_45 {offsets = [0, 64], sizes = [2000, 64], strides = [1, 1]} : vector<2000x128xf32> to vector<2000x64xf32>
    %swap3A_49 = arith.constant 0 : index
    %swap3A_50 = arith.constant 0 : index
    %swap3A_51 = vector.load %arg7[%swap3A_49, %swap3A_50] : memref<2000x64xf32, #tpu.memory_space<vmem>>, vector<2000x64xf32>
    tpu.vector_store %arg7[%swap3A_49, %swap3A_50], %slice3A_48 {strides = array<i32>} : memref<2000x64xf32, #tpu.memory_space<vmem>>, vector<2000x64xf32>,
    return
  }
  func.func @transform_0(%arg0: i32) -> (i32, i32) {
    %c0_i32 = arith.constant 0 : i32
    %c0_i32_0 = arith.constant 0 : i32
    return %arg0, %c0_i32 : i32, i32
  }
  func.func @transform_1(%arg0: i32) -> (i32, i32) {
    %c0_i32 = arith.constant 0 : i32
    %c0_i32_0 = arith.constant 0 : i32
    return %arg0, %c0_i32 : i32, i32
  }
  func.func @transform_2(%arg0: i32) -> (i32, i32) {
    %c0_i32 = arith.constant 0 : i32
    %c0_i32_0 = arith.constant 0 : i32
    %c0_i32_1 = arith.constant 0 : i32
    return %c0_i32, %c0_i32_0 : i32, i32
  }
  func.func @transform_3(%arg0: i32) -> (i32, i32) {
    %c0_i32 = arith.constant 0 : i32
    %c0_i32_0 = arith.constant 0 : i32
    %c0_i32_1 = arith.constant 0 : i32
    return %c0_i32, %c0_i32_0 : i32, i32
  }
  func.func @transform_4(%arg0: i32) -> (i32, i32) {
    %c0_i32 = arith.constant 0 : i32
    %c0_i32_0 = arith.constant 0 : i32
    %c0_i32_1 = arith.constant 0 : i32
    return %c0_i32, %c0_i32_0 : i32, i32
  }
  func.func @transform_5(%arg0: i32) -> (i32, i32) {
    %c0_i32 = arith.constant 0 : i32
    %c0_i32_0 = arith.constant 0 : i32
    return %arg0, %c0_i32 : i32, i32
  }
  func.func @transform_6(%arg0: i32) -> (i32, i32) {
    %c0_i32 = arith.constant 0 : i32
    %c0_i32_0 = arith.constant 0 : i32
    return %arg0, %c0_i32 : i32, i32
  }
}

module attributes {stable_mosaic.version = 14 : i64} {
  func.func @_maxlog_body(%arg0: i32, %arg1: memref<8192x128xf32, #tpu.memory_space<vmem>>, %arg2: memref<64x2xf32, #tpu.memory_space<vmem>>, %arg3: memref<1x128xf32, #tpu.memory_space<vmem>>) attributes {dimension_semantics = [#tpu.dimension_semantics<arbitrary>], iteration_bounds = array<i64: 105>, scalar_prefetch = 0 : i64, scratch_operands = 0 : i64, tpu.core_type = #tpu.core_type<tc>, window_params = [{transform_indices = @transform_0, window_bounds = array<i64: 8192, 128>}, {pipeline_mode = #tpu.pipeline_mode<synchronous>, transform_indices = @transform_1, window_bounds = array<i64: 64, 2>}, {pipeline_mode = #tpu.pipeline_mode<synchronous>, transform_indices = @transform_2, window_bounds = array<i64: 1, 128>}]} {
    %get3A = arith.constant 0 : index
    %get3A_0 = arith.constant 0 : index
    %get3A_1 = vector.load %arg1[%get3A, %get3A_0] : memref<8192x128xf32, #tpu.memory_space<vmem>>, vector<8192x128xf32>
    %slice3A = vector.extract_strided_slice %get3A_1 {offsets = [0, 0], sizes = [8192, 64], strides = [1, 1]} : vector<8192x128xf32> to vector<8192x64xf32>
    %slice3A_2 = vector.extract_strided_slice %get3A_1 {offsets = [0, 64], sizes = [8192, 64], strides = [1, 1]} : vector<8192x128xf32> to vector<8192x64xf32>
    %add3A = arith.addf %slice3A, %slice3A_2 : vector<8192x64xf32>
    %ge3A = arith.constant 0.000000e+00 : f32
    %ge3A_3 = vector.broadcast %ge3A : f32 to vector<8192x64xf32>
    %ge3A_4 = arith.cmpf oge, %add3A, %ge3A_3 : vector<8192x64xf32>
    %mul3A = arith.constant 2.000000e-01 : f32
    %mul3A_5 = vector.broadcast %mul3A : f32 to vector<8192x64xf32>
    %mul3A_6 = arith.mulf %mul3A_5, %add3A : vector<8192x64xf32>
    %select_n3A = arith.select %ge3A_4, %add3A, %mul3A_6 : vector<8192x64xi1>, vector<8192x64xf32>
    %get3A_7 = arith.constant 0 : index
    %get3A_8 = arith.constant 0 : index
    %get3A_9 = vector.load %arg2[%get3A_7, %get3A_8] : memref<64x2xf32, #tpu.memory_space<vmem>>, vector<64x2xf32>
    %dot_general3A = arith.constant dense<0.000000e+00> : vector<8192x2xf32>
    %dot_general3A_10 = tpu.matmul %select_n3A, %get3A_9, %dot_general3A {dimension_numbers = #tpu.dot_dimension_numbers<[1], [0], [0], [1], [0, 0, 1, 1], [], []>, transpose_lhs_hint = false} : vector<8192x64xf32>, vector<64x2xf32>, vector<8192x2xf32> -> vector<8192x2xf32>
    %reduce_max3A = arith.constant dense<0xFF800000> : vector<2xf32>
    %reduce_max3A_11 = vector.multi_reduction <maximumf>, %dot_general3A_10, %reduce_max3A [0] : vector<8192x2xf32> to vector<2xf32>
    %broadcast_in_dim3A = vector.shape_cast %reduce_max3A_11 : vector<2xf32> to vector<1x2xf32>
    %broadcast_in_dim3A_12 = arith.constant -3.000000e+38 : f32
    %broadcast_in_dim3A_13 = vector.broadcast %broadcast_in_dim3A_12 : f32 to vector<1x126xf32>
    %concatenate3A = tpu.concatenate %broadcast_in_dim3A, %broadcast_in_dim3A_13 in 1 : vector<1x2xf32>, vector<1x126xf32> -> vector<1x128xf32>
    %eq3A = arith.constant 0 : i32
    %eq3A_14 = arith.cmpi eq, %arg0, %eq3A : i32
    %convert_element_type3A = arith.extui %eq3A_14 : i1 to i32
    %cond3A = arith.constant 0 : i32
    %cond3A_15 = arith.cmpi ne, %convert_element_type3A, %cond3A : i32
    scf.if %cond3A_15 {
      %swap3A = arith.constant 0 : index
      %swap3A_20 = arith.constant 0 : index
      %swap3A_21 = vector.load %arg3[%swap3A, %swap3A_20] : memref<1x128xf32, #tpu.memory_space<vmem>>, vector<1x128xf32>
      tpu.vector_store %arg3[%swap3A, %swap3A_20], %concatenate3A {strides = array<i32>} : memref<1x128xf32, #tpu.memory_space<vmem>>, vector<1x128xf32>,
    } else {
    }
    %ne3A = arith.constant 0 : i32
    %ne3A_16 = arith.cmpi ne, %arg0, %ne3A : i32
    %convert_element_type3A_17 = arith.extui %ne3A_16 : i1 to i32
    %cond3A_18 = arith.constant 0 : i32
    %cond3A_19 = arith.cmpi ne, %convert_element_type3A_17, %cond3A_18 : i32
    scf.if %cond3A_19 {
      %get3A_20 = arith.constant 0 : index
      %get3A_21 = arith.constant 0 : index
      %get3A_22 = vector.load %arg3[%get3A_20, %get3A_21] : memref<1x128xf32, #tpu.memory_space<vmem>>, vector<1x128xf32>
      %max3A = arith.maximumf %get3A_22, %concatenate3A : vector<1x128xf32>
      %swap3A = arith.constant 0 : index
      %swap3A_23 = arith.constant 0 : index
      %swap3A_24 = vector.load %arg3[%swap3A, %swap3A_23] : memref<1x128xf32, #tpu.memory_space<vmem>>, vector<1x128xf32>
      tpu.vector_store %arg3[%swap3A, %swap3A_23], %max3A {strides = array<i32>} : memref<1x128xf32, #tpu.memory_space<vmem>>, vector<1x128xf32>,
    } else {
    }
    return
  }
  func.func @transform_0(%arg0: i32) -> (i32, i32) {
    %c0_i32 = arith.constant 0 : i32
    %c0_i32_0 = arith.constant 0 : i32
    return %arg0, %c0_i32 : i32, i32
  }
  func.func @transform_1(%arg0: i32) -> (i32, i32) {
    %c0_i32 = arith.constant 0 : i32
    %c0_i32_0 = arith.constant 0 : i32
    %c0_i32_1 = arith.constant 0 : i32
    return %c0_i32, %c0_i32_0 : i32, i32
  }
  func.func @transform_2(%arg0: i32) -> (i32, i32) {
    %c0_i32 = arith.constant 0 : i32
    %c0_i32_0 = arith.constant 0 : i32
    %c0_i32_1 = arith.constant 0 : i32
    return %c0_i32, %c0_i32_0 : i32, i32
  }
}

module attributes {stable_mosaic.version = 14 : i64} {
  func.func @_msg_body(%arg0: i32, %arg1: memref<8192x128xf32, #tpu.memory_space<vmem>>, %arg2: memref<64x2xf32, #tpu.memory_space<vmem>>, %arg3: memref<1x2xf32, #tpu.memory_space<vmem>>, %arg4: memref<8192x72xf32, #tpu.memory_space<vmem>>) attributes {dimension_semantics = [#tpu.dimension_semantics<arbitrary>], iteration_bounds = array<i64: 105>, scalar_prefetch = 0 : i64, scratch_operands = 0 : i64, tpu.core_type = #tpu.core_type<tc>, window_params = [{transform_indices = @transform_0, window_bounds = array<i64: 8192, 128>}, {pipeline_mode = #tpu.pipeline_mode<synchronous>, transform_indices = @transform_1, window_bounds = array<i64: 64, 2>}, {pipeline_mode = #tpu.pipeline_mode<synchronous>, transform_indices = @transform_2, window_bounds = array<i64: 1, 2>}, {transform_indices = @transform_3, window_bounds = array<i64: 8192, 72>}]} {
    %get3A = arith.constant 0 : index
    %get3A_0 = arith.constant 0 : index
    %get3A_1 = vector.load %arg1[%get3A, %get3A_0] : memref<8192x128xf32, #tpu.memory_space<vmem>>, vector<8192x128xf32>
    %slice3A = vector.extract_strided_slice %get3A_1 {offsets = [0, 0], sizes = [8192, 64], strides = [1, 1]} : vector<8192x128xf32> to vector<8192x64xf32>
    %slice3A_2 = vector.extract_strided_slice %get3A_1 {offsets = [0, 64], sizes = [8192, 64], strides = [1, 1]} : vector<8192x128xf32> to vector<8192x64xf32>
    %add3A = arith.addf %slice3A, %slice3A_2 : vector<8192x64xf32>
    %ge3A = arith.constant 0.000000e+00 : f32
    %ge3A_3 = vector.broadcast %ge3A : f32 to vector<8192x64xf32>
    %ge3A_4 = arith.cmpf oge, %add3A, %ge3A_3 : vector<8192x64xf32>
    %mul3A = arith.constant 2.000000e-01 : f32
    %mul3A_5 = vector.broadcast %mul3A : f32 to vector<8192x64xf32>
    %mul3A_6 = arith.mulf %mul3A_5, %add3A : vector<8192x64xf32>
    %select_n3A = arith.select %ge3A_4, %add3A, %mul3A_6 : vector<8192x64xi1>, vector<8192x64xf32>
    %get3A_7 = arith.constant 0 : index
    %get3A_8 = arith.constant 0 : index
    %get3A_9 = vector.load %arg2[%get3A_7, %get3A_8] : memref<64x2xf32, #tpu.memory_space<vmem>>, vector<64x2xf32>
    %dot_general3A = arith.constant dense<0.000000e+00> : vector<8192x2xf32>
    %dot_general3A_10 = tpu.matmul %select_n3A, %get3A_9, %dot_general3A {dimension_numbers = #tpu.dot_dimension_numbers<[1], [0], [0], [1], [0, 0, 1, 1], [], []>, transpose_lhs_hint = false} : vector<8192x64xf32>, vector<64x2xf32>, vector<8192x2xf32> -> vector<8192x2xf32>
    %get3A_11 = arith.constant 0 : index
    %get3A_12 = arith.constant 0 : index
    %get3A_13 = vector.load %arg3[%get3A_11, %get3A_12] : memref<1x2xf32, #tpu.memory_space<vmem>>, vector<1x2xf32>
    %sub3A = vector.broadcast %get3A_13 : vector<1x2xf32> to vector<8192x2xf32>
    %sub3A_14 = arith.subf %dot_general3A_10, %sub3A : vector<8192x2xf32>
    %exp3A = math.exp %sub3A_14 : vector<8192x2xf32>
    %slice3A_15 = vector.extract_strided_slice %get3A_1 {offsets = [0, 0], sizes = [8192, 32], strides = [1, 1]} : vector<8192x128xf32> to vector<8192x32xf32>
    %slice3A_16 = vector.extract_strided_slice %exp3A {offsets = [0, 0], sizes = [8192, 1], strides = [1, 1]} : vector<8192x2xf32> to vector<8192x1xf32>
    %mul3A_17 = vector.broadcast %slice3A_16 : vector<8192x1xf32> to vector<8192x32xf32>
    %mul3A_18 = arith.mulf %slice3A_15, %mul3A_17 : vector<8192x32xf32>
    %slice3A_19 = vector.extract_strided_slice %get3A_1 {offsets = [0, 32], sizes = [8192, 32], strides = [1, 1]} : vector<8192x128xf32> to vector<8192x32xf32>
    %slice3A_20 = vector.extract_strided_slice %exp3A {offsets = [0, 1], sizes = [8192, 1], strides = [1, 1]} : vector<8192x2xf32> to vector<8192x1xf32>
    %mul3A_21 = vector.broadcast %slice3A_20 : vector<8192x1xf32> to vector<8192x32xf32>
    %mul3A_22 = arith.mulf %slice3A_19, %mul3A_21 : vector<8192x32xf32>
    %broadcast_in_dim3A = arith.constant 0.000000e+00 : f32
    %broadcast_in_dim3A_23 = vector.broadcast %broadcast_in_dim3A : f32 to vector<8192x6xf32>
    %concatenate3A = tpu.concatenate %mul3A_18, %mul3A_22, %exp3A, %broadcast_in_dim3A_23 in 1 : vector<8192x32xf32>, vector<8192x32xf32>, vector<8192x2xf32>, vector<8192x6xf32> -> vector<8192x72xf32>
    %swap3A = arith.constant 0 : index
    %swap3A_24 = arith.constant 0 : index
    %swap3A_25 = vector.load %arg4[%swap3A, %swap3A_24] : memref<8192x72xf32, #tpu.memory_space<vmem>>, vector<8192x72xf32>
    tpu.vector_store %arg4[%swap3A, %swap3A_24], %concatenate3A {strides = array<i32>} : memref<8192x72xf32, #tpu.memory_space<vmem>>, vector<8192x72xf32>,
    return
  }
  func.func @transform_0(%arg0: i32) -> (i32, i32) {
    %c0_i32 = arith.constant 0 : i32
    %c0_i32_0 = arith.constant 0 : i32
    return %arg0, %c0_i32 : i32, i32
  }
  func.func @transform_1(%arg0: i32) -> (i32, i32) {
    %c0_i32 = arith.constant 0 : i32
    %c0_i32_0 = arith.constant 0 : i32
    %c0_i32_1 = arith.constant 0 : i32
    return %c0_i32, %c0_i32_0 : i32, i32
  }
  func.func @transform_2(%arg0: i32) -> (i32, i32) {
    %c0_i32 = arith.constant 0 : i32
    %c0_i32_0 = arith.constant 0 : i32
    %c0_i32_1 = arith.constant 0 : i32
    return %c0_i32, %c0_i32_0 : i32, i32
  }
  func.func @transform_3(%arg0: i32) -> (i32, i32) {
    %c0_i32 = arith.constant 0 : i32
    %c0_i32_0 = arith.constant 0 : i32
    return %arg0, %c0_i32 : i32, i32
  }
}

module attributes {stable_mosaic.version = 14 : i64} {
  func.func @_proj2_body(%arg0: i32, %arg1: memref<2000x72xf32, #tpu.memory_space<vmem>>, %arg2: memref<1x64xf32, #tpu.memory_space<vmem>>, %arg3: memref<64x128xf32, #tpu.memory_space<vmem>>, %arg4: memref<1x128xf32, #tpu.memory_space<vmem>>, %arg5: memref<2000x64xf32, #tpu.memory_space<vmem>>, %arg6: memref<2000x64xf32, #tpu.memory_space<vmem>>) attributes {dimension_semantics = [#tpu.dimension_semantics<arbitrary>], iteration_bounds = array<i64: 25>, scalar_prefetch = 0 : i64, scratch_operands = 0 : i64, tpu.core_type = #tpu.core_type<tc>, window_params = [{transform_indices = @transform_0, window_bounds = array<i64: 2000, 72>}, {pipeline_mode = #tpu.pipeline_mode<synchronous>, transform_indices = @transform_1, window_bounds = array<i64: 1, 64>}, {pipeline_mode = #tpu.pipeline_mode<synchronous>, transform_indices = @transform_2, window_bounds = array<i64: 64, 128>}, {pipeline_mode = #tpu.pipeline_mode<synchronous>, transform_indices = @transform_3, window_bounds = array<i64: 1, 128>}, {transform_indices = @transform_4, window_bounds = array<i64: 2000, 64>}, {transform_indices = @transform_5, window_bounds = array<i64: 2000, 64>}]} {
    %get3A = arith.constant 0 : index
    %get3A_0 = arith.constant 0 : index
    %get3A_1 = vector.load %arg1[%get3A, %get3A_0] : memref<2000x72xf32, #tpu.memory_space<vmem>>, vector<2000x72xf32>
    %slice3A = vector.extract_strided_slice %get3A_1 {offsets = [0, 0], sizes = [2000, 32], strides = [1, 1]} : vector<2000x72xf32> to vector<2000x32xf32>
    %slice3A_2 = vector.extract_strided_slice %get3A_1 {offsets = [0, 64], sizes = [2000, 1], strides = [1, 1]} : vector<2000x72xf32> to vector<2000x1xf32>
    %add3A = arith.constant 1.000000e-16 : f32
    %add3A_3 = vector.broadcast %add3A : f32 to vector<2000x1xf32>
    %add3A_4 = arith.addf %slice3A_2, %add3A_3 : vector<2000x1xf32>
    %div3A = vector.broadcast %add3A_4 : vector<2000x1xf32> to vector<2000x32xf32>
    %div3A_5 = arith.divf %slice3A, %div3A : vector<2000x32xf32>
    %slice3A_6 = vector.extract_strided_slice %get3A_1 {offsets = [0, 32], sizes = [2000, 32], strides = [1, 1]} : vector<2000x72xf32> to vector<2000x32xf32>
    %slice3A_7 = vector.extract_strided_slice %get3A_1 {offsets = [0, 65], sizes = [2000, 1], strides = [1, 1]} : vector<2000x72xf32> to vector<2000x1xf32>
    %add3A_8 = arith.constant 1.000000e-16 : f32
    %add3A_9 = vector.broadcast %add3A_8 : f32 to vector<2000x1xf32>
    %add3A_10 = arith.addf %slice3A_7, %add3A_9 : vector<2000x1xf32>
    %div3A_11 = vector.broadcast %add3A_10 : vector<2000x1xf32> to vector<2000x32xf32>
    %div3A_12 = arith.divf %slice3A_6, %div3A_11 : vector<2000x32xf32>
    %concatenate3A = tpu.concatenate %div3A_5, %div3A_12 in 1 : vector<2000x32xf32>, vector<2000x32xf32> -> vector<2000x64xf32>
    %get3A_13 = arith.constant 0 : index
    %get3A_14 = arith.constant 0 : index
    %get3A_15 = vector.load %arg2[%get3A_13, %get3A_14] : memref<1x64xf32, #tpu.memory_space<vmem>>, vector<1x64xf32>
    %add3A_16 = vector.broadcast %get3A_15 : vector<1x64xf32> to vector<2000x64xf32>
    %add3A_17 = arith.addf %concatenate3A, %add3A_16 : vector<2000x64xf32>
    %gt3A = arith.constant 0.000000e+00 : f32
    %gt3A_18 = vector.broadcast %gt3A : f32 to vector<2000x64xf32>
    %gt3A_19 = arith.cmpf ogt, %add3A_17, %gt3A_18 : vector<2000x64xf32>
    %exp3A = math.exp %add3A_17 : vector<2000x64xf32>
    %sub3A = arith.constant 1.000000e+00 : f32
    %sub3A_20 = vector.broadcast %sub3A : f32 to vector<2000x64xf32>
    %sub3A_21 = arith.subf %exp3A, %sub3A_20 : vector<2000x64xf32>
    %select_n3A = arith.select %gt3A_19, %add3A_17, %sub3A_21 : vector<2000x64xi1>, vector<2000x64xf32>
    %get3A_22 = arith.constant 0 : index
    %get3A_23 = arith.constant 0 : index
    %get3A_24 = vector.load %arg3[%get3A_22, %get3A_23] : memref<64x128xf32, #tpu.memory_space<vmem>>, vector<64x128xf32>
    %dot_general3A = arith.constant dense<0.000000e+00> : vector<2000x128xf32>
    %dot_general3A_25 = tpu.matmul %select_n3A, %get3A_24, %dot_general3A {dimension_numbers = #tpu.dot_dimension_numbers<[1], [0], [0], [1], [0, 0, 1, 1], [], []>, transpose_lhs_hint = false} : vector<2000x64xf32>, vector<64x128xf32>, vector<2000x128xf32> -> vector<2000x128xf32>
    %get3A_26 = arith.constant 0 : index
    %get3A_27 = arith.constant 0 : index
    %get3A_28 = vector.load %arg4[%get3A_26, %get3A_27] : memref<1x128xf32, #tpu.memory_space<vmem>>, vector<1x128xf32>
    %add3A_29 = vector.broadcast %get3A_28 : vector<1x128xf32> to vector<2000x128xf32>
    %add3A_30 = arith.addf %dot_general3A_25, %add3A_29 : vector<2000x128xf32>
    %slice3A_31 = vector.extract_strided_slice %add3A_30 {offsets = [0, 0], sizes = [2000, 64], strides = [1, 1]} : vector<2000x128xf32> to vector<2000x64xf32>
    %swap3A = arith.constant 0 : index
    %swap3A_32 = arith.constant 0 : index
    %swap3A_33 = vector.load %arg5[%swap3A, %swap3A_32] : memref<2000x64xf32, #tpu.memory_space<vmem>>, vector<2000x64xf32>
    tpu.vector_store %arg5[%swap3A, %swap3A_32], %slice3A_31 {strides = array<i32>} : memref<2000x64xf32, #tpu.memory_space<vmem>>, vector<2000x64xf32>,
    %slice3A_34 = vector.extract_strided_slice %add3A_30 {offsets = [0, 64], sizes = [2000, 64], strides = [1, 1]} : vector<2000x128xf32> to vector<2000x64xf32>
    %swap3A_35 = arith.constant 0 : index
    %swap3A_36 = arith.constant 0 : index
    %swap3A_37 = vector.load %arg6[%swap3A_35, %swap3A_36] : memref<2000x64xf32, #tpu.memory_space<vmem>>, vector<2000x64xf32>
    tpu.vector_store %arg6[%swap3A_35, %swap3A_36], %slice3A_34 {strides = array<i32>} : memref<2000x64xf32, #tpu.memory_space<vmem>>, vector<2000x64xf32>,
    return
  }
  func.func @transform_0(%arg0: i32) -> (i32, i32) {
    %c0_i32 = arith.constant 0 : i32
    %c0_i32_0 = arith.constant 0 : i32
    return %arg0, %c0_i32 : i32, i32
  }
  func.func @transform_1(%arg0: i32) -> (i32, i32) {
    %c0_i32 = arith.constant 0 : i32
    %c0_i32_0 = arith.constant 0 : i32
    %c0_i32_1 = arith.constant 0 : i32
    return %c0_i32, %c0_i32_0 : i32, i32
  }
  func.func @transform_2(%arg0: i32) -> (i32, i32) {
    %c0_i32 = arith.constant 0 : i32
    %c0_i32_0 = arith.constant 0 : i32
    %c0_i32_1 = arith.constant 0 : i32
    return %c0_i32, %c0_i32_0 : i32, i32
  }
  func.func @transform_3(%arg0: i32) -> (i32, i32) {
    %c0_i32 = arith.constant 0 : i32
    %c0_i32_0 = arith.constant 0 : i32
    %c0_i32_1 = arith.constant 0 : i32
    return %c0_i32, %c0_i32_0 : i32, i32
  }
  func.func @transform_4(%arg0: i32) -> (i32, i32) {
    %c0_i32 = arith.constant 0 : i32
    %c0_i32_0 = arith.constant 0 : i32
    return %arg0, %c0_i32 : i32, i32
  }
  func.func @transform_5(%arg0: i32) -> (i32, i32) {
    %c0_i32 = arith.constant 0 : i32
    %c0_i32_0 = arith.constant 0 : i32
    return %arg0, %c0_i32 : i32, i32
  }
}

module attributes {stable_mosaic.version = 14 : i64} {
  func.func @_heads_body(%arg0: i32, %arg1: memref<2000x72xf32, #tpu.memory_space<vmem>>, %arg2: memref<1x32xf32, #tpu.memory_space<vmem>>, %arg3: memref<32x23xf32, #tpu.memory_space<vmem>>, %arg4: memref<1x23xf32, #tpu.memory_space<vmem>>, %arg5: memref<2000x23xf32, #tpu.memory_space<vmem>>) attributes {dimension_semantics = [#tpu.dimension_semantics<arbitrary>], iteration_bounds = array<i64: 25>, scalar_prefetch = 0 : i64, scratch_operands = 0 : i64, tpu.core_type = #tpu.core_type<tc>, window_params = [{transform_indices = @transform_0, window_bounds = array<i64: 2000, 72>}, {pipeline_mode = #tpu.pipeline_mode<synchronous>, transform_indices = @transform_1, window_bounds = array<i64: 1, 32>}, {pipeline_mode = #tpu.pipeline_mode<synchronous>, transform_indices = @transform_2, window_bounds = array<i64: 32, 23>}, {pipeline_mode = #tpu.pipeline_mode<synchronous>, transform_indices = @transform_3, window_bounds = array<i64: 1, 23>}, {transform_indices = @transform_4, window_bounds = array<i64: 2000, 23>}]} {
    %get3A = arith.constant 0 : index
    %get3A_0 = arith.constant 0 : index
    %get3A_1 = vector.load %arg1[%get3A, %get3A_0] : memref<2000x72xf32, #tpu.memory_space<vmem>>, vector<2000x72xf32>
    %slice3A = vector.extract_strided_slice %get3A_1 {offsets = [0, 0], sizes = [2000, 32], strides = [1, 1]} : vector<2000x72xf32> to vector<2000x32xf32>
    %slice3A_2 = vector.extract_strided_slice %get3A_1 {offsets = [0, 64], sizes = [2000, 1], strides = [1, 1]} : vector<2000x72xf32> to vector<2000x1xf32>
    %add3A = arith.constant 1.000000e-16 : f32
    %add3A_3 = vector.broadcast %add3A : f32 to vector<2000x1xf32>
    %add3A_4 = arith.addf %slice3A_2, %add3A_3 : vector<2000x1xf32>
    %div3A = vector.broadcast %add3A_4 : vector<2000x1xf32> to vector<2000x32xf32>
    %div3A_5 = arith.divf %slice3A, %div3A : vector<2000x32xf32>
    %slice3A_6 = vector.extract_strided_slice %get3A_1 {offsets = [0, 32], sizes = [2000, 32], strides = [1, 1]} : vector<2000x72xf32> to vector<2000x32xf32>
    %slice3A_7 = vector.extract_strided_slice %get3A_1 {offsets = [0, 65], sizes = [2000, 1], strides = [1, 1]} : vector<2000x72xf32> to vector<2000x1xf32>
    %add3A_8 = arith.constant 1.000000e-16 : f32
    %add3A_9 = vector.broadcast %add3A_8 : f32 to vector<2000x1xf32>
    %add3A_10 = arith.addf %slice3A_7, %add3A_9 : vector<2000x1xf32>
    %div3A_11 = vector.broadcast %add3A_10 : vector<2000x1xf32> to vector<2000x32xf32>
    %div3A_12 = arith.divf %slice3A_6, %div3A_11 : vector<2000x32xf32>
    %add3A_13 = arith.addf %div3A_5, %div3A_12 : vector<2000x32xf32>
    %mul3A = arith.constant 5.000000e-01 : f32
    %mul3A_14 = vector.broadcast %mul3A : f32 to vector<2000x32xf32>
    %mul3A_15 = arith.mulf %add3A_13, %mul3A_14 : vector<2000x32xf32>
    %get3A_16 = arith.constant 0 : index
    %get3A_17 = arith.constant 0 : index
    %get3A_18 = vector.load %arg2[%get3A_16, %get3A_17] : memref<1x32xf32, #tpu.memory_space<vmem>>, vector<1x32xf32>
    %add3A_19 = vector.broadcast %get3A_18 : vector<1x32xf32> to vector<2000x32xf32>
    %add3A_20 = arith.addf %mul3A_15, %add3A_19 : vector<2000x32xf32>
    %gt3A = arith.constant 0.000000e+00 : f32
    %gt3A_21 = vector.broadcast %gt3A : f32 to vector<2000x32xf32>
    %gt3A_22 = arith.cmpf ogt, %add3A_20, %gt3A_21 : vector<2000x32xf32>
    %exp3A = math.exp %add3A_20 : vector<2000x32xf32>
    %sub3A = arith.constant 1.000000e+00 : f32
    %sub3A_23 = vector.broadcast %sub3A : f32 to vector<2000x32xf32>
    %sub3A_24 = arith.subf %exp3A, %sub3A_23 : vector<2000x32xf32>
    %select_n3A = arith.select %gt3A_22, %add3A_20, %sub3A_24 : vector<2000x32xi1>, vector<2000x32xf32>
    %get3A_25 = arith.constant 0 : index
    %get3A_26 = arith.constant 0 : index
    %get3A_27 = vector.load %arg3[%get3A_25, %get3A_26] : memref<32x23xf32, #tpu.memory_space<vmem>>, vector<32x23xf32>
    %dot_general3A = arith.constant dense<0.000000e+00> : vector<2000x23xf32>
    %dot_general3A_28 = tpu.matmul %select_n3A, %get3A_27, %dot_general3A {dimension_numbers = #tpu.dot_dimension_numbers<[1], [0], [0], [1], [0, 0, 1, 1], [], []>, transpose_lhs_hint = false} : vector<2000x32xf32>, vector<32x23xf32>, vector<2000x23xf32> -> vector<2000x23xf32>
    %get3A_29 = arith.constant 0 : index
    %get3A_30 = arith.constant 0 : index
    %get3A_31 = vector.load %arg4[%get3A_29, %get3A_30] : memref<1x23xf32, #tpu.memory_space<vmem>>, vector<1x23xf32>
    %add3A_32 = vector.broadcast %get3A_31 : vector<1x23xf32> to vector<2000x23xf32>
    %add3A_33 = arith.addf %dot_general3A_28, %add3A_32 : vector<2000x23xf32>
    %swap3A = arith.constant 0 : index
    %swap3A_34 = arith.constant 0 : index
    %swap3A_35 = vector.load %arg5[%swap3A, %swap3A_34] : memref<2000x23xf32, #tpu.memory_space<vmem>>, vector<2000x23xf32>
    tpu.vector_store %arg5[%swap3A, %swap3A_34], %add3A_33 {strides = array<i32>} : memref<2000x23xf32, #tpu.memory_space<vmem>>, vector<2000x23xf32>,
    return
  }
  func.func @transform_0(%arg0: i32) -> (i32, i32) {
    %c0_i32 = arith.constant 0 : i32
    %c0_i32_0 = arith.constant 0 : i32
    return %arg0, %c0_i32 : i32, i32
  }
  func.func @transform_1(%arg0: i32) -> (i32, i32) {
    %c0_i32 = arith.constant 0 : i32
    %c0_i32_0 = arith.constant 0 : i32
    %c0_i32_1 = arith.constant 0 : i32
    return %c0_i32, %c0_i32_0 : i32, i32
  }
  func.func @transform_2(%arg0: i32) -> (i32, i32) {
    %c0_i32 = arith.constant 0 : i32
    %c0_i32_0 = arith.constant 0 : i32
    %c0_i32_1 = arith.constant 0 : i32
    return %c0_i32, %c0_i32_0 : i32, i32
  }
  func.func @transform_3(%arg0: i32) -> (i32, i32) {
    %c0_i32 = arith.constant 0 : i32
    %c0_i32_0 = arith.constant 0 : i32
    %c0_i32_1 = arith.constant 0 : i32
    return %c0_i32, %c0_i32_0 : i32, i32
  }
  func.func @transform_4(%arg0: i32) -> (i32, i32) {
    %c0_i32 = arith.constant 0 : i32
    %c0_i32_0 = arith.constant 0 : i32
    return %arg0, %c0_i32 : i32, i32
  }
}

</mosaic_0001>

<sc_bundles>
// kernel: kernel.13.cloned.1.call-start
scs
__scs_entry_jumppad:
0x0: {  	(pc) =	sbr.rel $0x88, $3  }
0x1: {  	(tag) =	ssettag $0x0;
	lr =	simm.s32 $0x1  }
0x2: {  	[smem:$0x3F81] =	sst lr;
	_ =	strace $0xD0000000  }
0x3: {  	_ = 	snop  }
0x4: {  	_ = 	snop  }
0x5: {  	_ = 	snop  }
0x6: {  	_ = 	snop  }
0x7: {  	_ = 	snop  }
__scs_overlays_trampoline_lowered:
0x8: {  	[smem:$0x3F90] =	sst s0  }
0x9: {  	[smem:$0x3F91] =	sst s1  }
0xa: {  	[smem:$0x3F92] =	sst s2  }
0xb: {  	[smem:$0x3F93] =	sst s3  }
0xc: {  	[smem:$0x3F94] =	sst s4  }
0xd: {  	[smem:$0x3F95] =	sst s5  }
0xe: {  	[smem:$0x3F96] =	sst s6  }
0xf: {  	[smem:$0x3F97] =	sst s7  }
0x10: {  	[smem:$0x3F98] =	sst s8  }
0x11: {  	[smem:$0x3F99] =	sst s9;
	s0 =	simm.s32 @!p0 $0x0  }
0x12: {  	s1 =	sld [smem:$0x3F7F];
	s0 =	simm.s32 @p0 $0x1  }
0x13: {  	[smem:$0x3F9A] =	sst s0;
	s0 =	simm.s32 @!p1 $0x0  }
0x14: {  	s2 =	sld [smem:$0x3F7E];
	s0 =	simm.s32 @p1 $0x1  }
0x15: {  	[smem:$0x3F9B] =	sst s0;
	s0 =	simm.s32 @!p2 $0x0  }
0x16: {  	s3 =	sld [smem:$0x3FDB];
	s0 =	simm.s32 @p2 $0x1  }
0x17: {  	s4 =	simm.s32 $0x1BF5;
	[smem:$0x3F9D] =	sst s0  }
0x18: {  	s0 =	sld [smem:$0x3F80];
	_ =	swait.ge [sflag:s4], $0x0  }
0x19: {  	s7 =	sld [smem:$0x3F81]  }
0x1a: {  	s8 =	sadd.s32 $0xFFFFE003, lr  }
0x1b: {  	s9 =	sadd.s32 $0xFFFFFEF7, lr;
	s5 =	simm.s32 $0xFFFFFFFF;
	p2 =	slt.u32 s8, $0xFFFFF086  }
0x1c: {  	p1 =	slt.u32 s9, $0xF7A;
	s5 =	simm.s32 @!p2 $0x0  }
0x1d: {  	s5 =	simm.s32 @p1 $0x1;
	p0 =	seq.s32 s7, s2  }
0x1e: {  	s7 =	smul.u32 @!p0 $0xF7A, s2;
	p2 =	seq.s32 @!p0 s5, $0x0  }
0x1f: {  	s9 =	smul.u32 $0xF7A, s1;
	s8 =	simm.s32 @!p0 $0x1BF5;
	p2 =	por !p2, p0  }
0x20: {  	[sflag:s8] =	ssyncset.s32 @!p0 $0xFFFFF086;
	s6 =	sadd.s32 @!p0 s3, s7;
	s7 =	simm.s32 @!p0 $0x108  }
0x21: {  	s3 =	sadd.s32 s3, s9;
	s6 =	sadd.s32 @!p0 $0x88, s6;
	s7 =	simm.s32 @p2 $0x1082  }
0x22: {  	[simem:s7], [sflag:s8] =	dma.local @!p0 [hbm:s6], $0xF7A  }
0x23: {  	s9 =	sor.u32 $0xD0000000, s2;
	s6 =	simm.s32 $0x108;
	_ =	swait.ge @!p0 [sflag:s8], $0x0  }
0x24: {  	s3 =	sadd.s32 $0x88, s3;
	s6 =	simm.s32 @!p1 $0x1082;
	[sflag:s4] =	ssyncset.s32 $0xFFFFF086  }
0x25: {  	[simem:s6], [sflag:s4] =	dma.local [hbm:s3], $0xF7A  }
0x26: {  	[smem:$0x3F81] =	sst s1;
	(tag) =	ssettag s2;
	_ =	strace s9  }
0x27: {  	s1 =	sld [smem:$0x3F91]  }
0x28: {  	s2 =	sld [smem:$0x3F92]  }
0x29: {  	s4 =	sld [smem:$0x3F94]  }
0x2a: {  	p0 =	seq.s32 s5, $0x0;
	s5 =	sld [smem:$0x3F95]  }
0x2b: {  	s6 =	sld [smem:$0x3F96]  }
0x2c: {  	s7 =	sld [smem:$0x3F97]  }
0x2d: {  	s3 =	simm.s32 $0x108;
	s8 =	sld [smem:$0x3F98]  }
0x2e: {  	s3 =	simm.s32 @!p0 $0x1082;
	s9 =	sld [smem:$0x3F99]  }
0x2f: {  	lr =	sadd.s32 s0, s3;
	s0 =	sld [smem:$0x3F90]  }
0x30: {  	s3 =	sld [smem:$0x3F93]  }
0x31: {  	[smem:$0x3F9C] =	sst s10  }
0x32: {  	s10 =	sld [smem:$0x3F9A];
	_ =	sdelay $0x3  }
0x33: {  	p0 =	seq.s32 s10, $0x1;
	s10 =	sld [smem:$0x3F9C];
	_ =	sdelay $0x3  }
0x34: {  	[smem:$0x3F9C] =	sst s10  }
0x35: {  	s10 =	sld [smem:$0x3F9B];
	_ =	sdelay $0x3  }
0x36: {  	p1 =	seq.s32 s10, $0x1;
	s10 =	sld [smem:$0x3F9C];
	_ =	sdelay $0x3  }
0x37: {  	[smem:$0x3F9C] =	sst s10  }
0x38: {  	s10 =	sld [smem:$0x3F9D]  }
0x39: {  	_ = 	snop;
	(pc) =	sbr.ind lr, $3  }
0x3a: {  	_ = 	snop  }
0x3b: {  	_ = 	snop  }
0x3c: {  	p2 =	seq.s32 s10, $0x1;
	s10 =	sld [smem:$0x3F9C]  }
0x3d: {  	_ =	shalt  }
0x3e: {  	_ =	shalt  }
0x3f: {  	_ =	shalt  }
0x40: {  	_ =	shalt  }
0x41: {  	_ =	shalt  }
0x42: {  	_ =	shalt  }
0x43: {  	_ =	shalt  }
0x44: {  	_ =	shalt  }
0x45: {  	_ =	shalt  }
0x46: {  	_ =	shalt  }
0x47: {  	_ =	shalt  }
0x48: {  	_ =	shalt  }
0x49: {  	_ =	shalt  }
0x4a: {  	_ =	shalt  }
0x4b: {  	_ =	shalt  }
0x4c: {  	_ =	shalt  }
0x4d: {  	_ =	shalt  }
0x4e: {  	_ =	shalt  }
0x4f: {  	_ =	shalt  }
0x50: {  	_ =	shalt  }
0x51: {  	_ =	shalt  }
0x52: {  	_ =	shalt  }
0x53: {  	_ =	shalt  }
0x54: {  	_ =	shalt  }
0x55: {  	_ =	shalt  }
0x56: {  	_ =	shalt  }
0x57: {  	_ =	shalt  }
0x58: {  	_ =	shalt  }
0x59: {  	_ =	shalt  }
0x5a: {  	_ =	shalt  }
0x5b: {  	_ =	shalt  }
0x5c: {  	_ =	shalt  }
0x5d: {  	_ =	shalt  }
0x5e: {  	_ =	shalt  }
0x5f: {  	_ =	shalt  }
0x60: {  	_ =	shalt  }
0x61: {  	_ =	shalt  }
0x62: {  	_ =	shalt  }
0x63: {  	_ =	shalt  }
0x64: {  	_ =	shalt  }
0x65: {  	_ =	shalt  }
0x66: {  	_ =	shalt  }
0x67: {  	_ =	shalt  }
0x68: {  	_ =	shalt  }
0x69: {  	_ =	shalt  }
0x6a: {  	_ =	shalt  }
0x6b: {  	_ =	shalt  }
0x6c: {  	_ =	shalt  }
0x6d: {  	_ =	shalt  }
0x6e: {  	_ =	shalt  }
0x6f: {  	_ =	shalt  }
0x70: {  	_ =	shalt  }
0x71: {  	_ =	shalt  }
0x72: {  	_ =	shalt  }
0x73: {  	_ =	shalt  }
0x74: {  	_ =	shalt  }
0x75: {  	_ =	shalt  }
0x76: {  	_ =	shalt  }
0x77: {  	_ =	shalt  }
0x78: {  	_ =	shalt  }
0x79: {  	_ =	shalt  }
0x7a: {  	_ =	shalt  }
0x7b: {  	_ =	shalt  }
0x7c: {  	_ =	shalt  }
0x7d: {  	_ =	shalt  }
0x7e: {  	_ =	shalt  }
0x7f: {  	_ =	shalt  }
0x80: {  	_ =	shalt  }
0x81: {  	_ =	shalt  }
0x82: {  	_ =	shalt  }
0x83: {  	_ =	shalt  }
0x84: {  	_ =	shalt  }
0x85: {  	_ =	shalt  }
0x86: {  	_ =	shalt  }
0x87: {  	_ =	shalt  }
.Lfunc_end0:
.L_simem_size_0:
called_computation_lowered:
.L_overlay_start_0:
0x88: {  	s2 =	sld [smem:$0x3FD9]  }
0x89: {  	s3 =	sld [smem:$0x3FFE];
	_ =	sdelay $0x1  }
0x8a: {  	s1 =	srdreg.scid  }
0x8b: {  	s0 =	sand.u32 $0x1, s1  }
0x8c: {  	s16 =	sshll.u32 s0, $0xA;
	s2 =	sadd.s32 s3, s2  }
0x8d: {  	s2 =	sadd.s32 s2, s16  }
0x8e: {  	[smem:$0x3FA8] =	sst s2  }
0x8f: {  	_ = 	snop  }
0x90: {  	(tm) =	ssettm $0x1  }
0x91: {  	s17 =	sld [smem:$0x3FFB];
	_ =	sdelay $0x3  }
0x92: {  	_ =	strace s17  }
0x93: {  	s2 =	sld [smem:$0x3FFC];
	_ =	sdelay $0x3  }
0x94: {  	_ =	strace s2  }
0x95: {  	s2 =	sld [smem:$0x3FFD];
	_ =	sdelay $0x3  }
0x96: {  	_ =	strace s2  }
0x97: {  	_ =	strace $0x8FFFFFFF  }
0x98: {  	s18 =	sld [smem:$0x3FDB];
	_ =	sdelay $0x1  }
0x99: {  	s19 =	simm.s32 $_scs_section_size  }
0x9a: {  	s4 =	simm.s32 $_size__tile_overlayer_lowered;
	s5 =	simm.s32 $_tile_overlayer_lowered  }
0x9b: {  	s22 =	simm.s32 $0x1BFF;
	s21 =	sshll.u32 s5, $0x1;
	s2 =	sadd.s32 s19, s18  }
0x9c: {  	s6 =	simm.s32 $0x0;
	s20 =	sshll.u32 s4, $0x1;
	s4 =	sadd.s32 s21, s2  }
0x9d: {  	[timem:s6], [sflag:s22] =	dma.local [hbm:s4], s20  }
0x9e: {  	_ =	swait.ge [sflag:s22], s20  }
0x9f: {  	s3 =	ssub.s32 $0x0, s20;
	[sflag:s22] =	ssyncset.done $0x0  }
0xa0: {  	[sflag:s22] =	ssyncadd.s32 s3;
	_ =	sdelay $0x1  }
0xa1: {  	s23 =	simm.s32 $0x1B8B  }
0xa2: {  	_ =	swait.ge [sflag:s23], $0x1  }
0xa3: {  	[sflag:s23] =	ssyncset.done $0x0  }
0xa4: {  	s25 =	simm.s32 $0x1B8E;
	s24 =	sld [smem:$0x3FFE];
	[sflag:s23] =	ssyncadd.s32 $0xFFFFFFFF  }
0xa5: {  	s26 =	simm.s32 $execute0_lowered;
	[smem:$0x3FD2] =	sst s25  }
0xa6: {  	s4 =	sshll.u32 s26, $0x1;
	_ =	strace $0x80000046;
	[dreg:$0x1] =	wrdreg $0xFFFFFFFF  }
0xa7: {  	s28 =	simm.s32 $_size_execute0_lowered;
	s2 =	sadd.s32 s2, s4;
	[dreg:$0x0] =	wrdreg $0x0  }
0xa8: {  	s4 =	sshll.u32 s28, $0x1;
	[dreg:$0x2] =	wrdreg s2  }
0xa9: {  	[dreg:$0x3] =	wrdreg s4  }
0xaa: {  	[dreg:$0x4] =	wrdreg $0xC0  }
0xab: {  	_ =	task [dreg:s6], $0x5FFFF  }
0xac: {  	[dreg:$0x1] =	wrdreg $0xFFFFFFFF  }
0xad: {  	[dreg:$0x0] =	wrdreg $0x60  }
0xae: {  	[dreg:$0x2] =	wrdreg s24  }
0xaf: {  	[dreg:$0x3] =	wrdreg $0x9  }
0xb0: {  	_ =	task.clear_ibuf [dreg:s6], $0x4FFFF;
	_ =	strace $0x90000046  }
0xb1: {  	s29 =	simm.s32 $0x9;
	_ =	strace $0x80000048  }
0xb2: {  	_ =	swait.ge [sflag:s29], $0x1  }
0xb3: {  	[sflag:s29] =	ssyncadd.s32 $0xFFFFFFFF  }
0xb4: {  	_ =	strace $0x90000048  }
0xb5: {  	_ =	sfence  }
0xb6: {  	s30 =	sld [smem:$0x0];
	_ =	sdelay $0x2  }
0xb7: {  	s31 =	sshll.u32 s1, $0xD;
	s1 =	sshrl.u32 s1, $0x2  }
0xb8: {  	s3 =	sand.u32 $0x4000, s31;
	s1 =	sadd.s32 s1, s30  }
0xb9: {  	s0 =	sor.u32 s3, s0;
	s1 =	sshll.u32 s1, $0x11  }
0xba: {  	s0 =	sor.u32 s1, s0  }
0xbb: {  	s0 =	sadd.s32 $0x8F2B, s0  }
0xbc: {  	[sflag:s0] =	ssyncadd.remote.s32 $0x1  }
0xbd: {  	_ =	sfence.sel $0xFFFF  }
0xbe: {  	[dreg:$0x0] =	wrdreg $0xFFFFFFFF;
	(pc) =	sbr.abs _section_cstart, $3  }
0xbf: {  	[dreg:$0x1] =	wrdreg $0xFFFFFFFF  }
0xc0: {  	_ =	task.clear_ibuf [dreg:s6], $0x2FFFF;
	_ =	strace $0x9FFFFFFF  }
0xc1: {  	(tm) =	ssettm $0x7FFFFFFF  }
tec
execute0_lowered:
.L_overlay_start_1:
0x0: {  	(tag) =	ssettag $0x1  }
0x1: {  	s4 =	rddreg [dreg:$0x0]  }
0x2: {  	s0 =	rddreg [dreg:$0x1];
	s2 =	simm.s32 $0x0;
	s1 =	stileid.u32  }
0x3: {  	s3 =	srdreg.scid;
	s20 =	simm.s32 $0x3;
	s16 =	smul.u32 $0x3480, s1  }
0x4: {  	s21 =	simm.s32 $0x5;
	s12 =	sand.u32 $0x1, s3;
	s17 =	smul.u32 $0xD2000, s1  }
0x5: {  	s22 =	simm.s32 $0x4;
	s5 =	sshll.u32 s1, $0x1;
	s18 =	smul.u32 $0x69000, s12  }
0x6: {  	s23 =	simm.s32 $0x6;
	s5 =	sor.u32 s12, s5;
	s19 =	smul.u32 $0x1A40, s12  }
0x7: {  	s24 =	simm.s32 $0x0;
	s3 =	sadd.s32 $0x18A800, s4;
	s8 =	smul.u32 $0xD200, s5  }
0x8: {  	[smem:$0x7FF] =	sst s2;
	s13 =	sadd.s32 $0xD23E00, s4;
	s6 =	smul.u32 $0x1A40, s5  }
0x9: {  	s14 =	sadd.s32 $0xD58600, s4;
	s26 =	ssub.s32 $0x2, s12;
	s10 =	smul.u32 $0x69000, s5  }
0xa: {  	_ =	strace $0x80000047;
	s7 =	sshrl.u32 s26, $0x1;
	s29 =	smul.u32 $0x348000, s5  }
0xb: {  	s15 =	ssub.s32 s26, s7;
	s9 =	sshrl.u32 s8, $0x3;
	s4 =	sadd.s32 s13, s6  }
0xc: {  	s6 =	sadd.s32 s14, s10;
	s11 =	sadd.s32 $0xCF00, s8;
	s12 =	smax.u32 s15, $0x1  }
0xd: {  	s15 =	simm.s32 $0x1;
	s28 =	sadd.s32 s13, s9;
	s9 =	sshrl.u32 s29, $0x3  }
0xe: {  	s31 =	sshrl.u32 s11, $0x3;
	s11 =	sshll.u32 s11, $0x3;
	s5 =	sadd.s32 $0x60, s28  }
0xf: {  	s7 =	sadd.s32 $0xC0, s28;
	s30 =	sadd.s32 s14, s9;
	s9 =	sadd.s32 s13, s31  }
0x10: {  	s11 =	sadd.s32 s14, s11;
	s14 =	sadd.s32 s17, s14;
	s13 =	sadd.s32 s16, s13  }
0x11: {  	s16 =	simm.s32 $0x300;
	s17 =	simm.s32 $0x600;
	s8 =	sadd.s32 $0x64800, s30  }
0x12: {  	s10 =	sadd.s32 $0x66000, s30;
	s14 =	sadd.s32 s18, s14;
	s13 =	sadd.s32 s19, s13  }
0x13: {  	s18 =	simm.s32 $0x2;
	s19 =	simm.s32 $0xC600;
	s14 =	sadd.s32 $0x1800, s14  }
.LBB2_1:
0x14: {  	[tilespmem:s2], [sflag:$0x1] =	stream.linear.gather [hbm4b:s4+s2], $0x300, $0x38;
	[tilespmem:$0x18600] =	vst v63  }
0x15: {  	_ =	swait.ge [sflag:s15], $0x300  }
0x16: {  	[sflag:s15] =	ssyncset.done $0x0  }
0x17: {  	[sflag:s15] =	ssyncadd.s32 $0xFFFFFD00  }
0x18: {  	[tilespmem:s17], [sflag:$0x3] =	stream.indirect.gather [hbm4b:s3+s16], $0x40, s2, s16, $0xb8;
	[tilespmem:$0x18600] =	vst v63  }
0x19: {  	_ = 	snop  }
0x1a: {  	[tilespmem:s16], [sflag:$0x2] =	stream.linear.gather [hbm4b:s5+s2], $0x300, $0x38;
	[tilespmem:$0x18600] =	vst v63  }
0x1b: {  	_ =	swait.ge [sflag:s18], $0x300  }
0x1c: {  	[sflag:s18] =	ssyncset.done $0x0  }
0x1d: {  	[sflag:s18] =	ssyncadd.s32 $0xFFFFFD00  }
0x1e: {  	[tilespmem:s19], [sflag:$0x4] =	stream.indirect.gather [hbm4b:s3+s16], $0x40, s16, s16, $0xb8;
	[tilespmem:$0x18600] =	vst v63  }
0x1f: {  	_ =	swait.ge [sflag:s20], $0xC000  }
0x20: {  	[sflag:s20] =	ssyncset.done $0x0  }
0x21: {  	[sflag:s20] =	ssyncadd.s32 $0xFFFF4000  }
0x22: {  	[hbm4b:s6+s2] =	stream.linear.scatter [tilespmem:s17], [sflag:$0x5], $0xC000, $0x38;
	[tilespmem:$0x18600] =	vst v63  }
0x23: {  	_ = 	snop  }
0x24: {  	[tilespmem:s2], [sflag:$0x1] =	stream.linear.gather [hbm4b:s7+s2], $0x300, $0x38;
	[tilespmem:$0x18600] =	vst v63  }
0x25: {  	_ =	swait.ge [sflag:s15], $0x300  }
0x26: {  	[sflag:s15] =	ssyncset.done $0x0  }
0x27: {  	[sflag:s15] =	ssyncadd.s32 $0xFFFFFD00  }
0x28: {  	_ =	swait.ge [sflag:s21], $0xC000  }
0x29: {  	[sflag:s21] =	ssyncset.done $0x0  }
0x2a: {  	[sflag:s21] =	ssyncadd.s32 $0xFFFF4000  }
0x2b: {  	[tilespmem:s17], [sflag:$0x3] =	stream.indirect.gather [hbm4b:s3+s16], $0x40, s2, s16, $0xb8;
	[tilespmem:$0x18600] =	vst v63  }
0x2c: {  	_ =	swait.ge [sflag:s22], $0xC000  }
0x2d: {  	[sflag:s22] =	ssyncset.done $0x0  }
0x2e: {  	s26 =	sadd.s32 $0x0, s13;
	[sflag:s22] =	ssyncadd.s32 $0xFFFF4000  }
0x2f: {  	[hbm4b:s14+s2] =	stream.linear.scatter [tilespmem:s19], [sflag:$0x6], $0xC000, $0x38;
	[tilespmem:$0x18600] =	vst v63  }
0x30: {  	s25 =	sadd.s32 $0x120, s26  }
0x31: {  	[tilespmem:s16], [sflag:$0x2] =	stream.linear.gather [hbm4b:s25+s2], $0x300, $0x38;
	[tilespmem:$0x18600] =	vst v63  }
0x32: {  	_ =	swait.ge [sflag:s18], $0x300  }
0x33: {  	[sflag:s18] =	ssyncset.done $0x0  }
0x34: {  	[sflag:s18] =	ssyncadd.s32 $0xFFFFFD00  }
0x35: {  	_ =	swait.ge [sflag:s23], $0xC000  }
0x36: {  	[sflag:s23] =	ssyncset.done $0x0  }
0x37: {  	[sflag:s23] =	ssyncadd.s32 $0xFFFF4000  }
0x38: {  	[tilespmem:s19], [sflag:$0x4] =	stream.indirect.gather [hbm4b:s3+s16], $0x40, s16, s16, $0xb8;
	[tilespmem:$0x18600] =	vst v63  }
0x39: {  	_ =	swait.ge [sflag:s20], $0xC000  }
0x3a: {  	s31 =	sadd.s32 $0x1800, s14;
	s28 =	sadd.s32 $0x180, s26;
	[sflag:s20] =	ssyncset.done $0x0  }
0x3b: {  	s26 =	sadd.s32 $0x3000, s14;
	s25 =	simm.s32 $0xC0;
	[sflag:s20] =	ssyncadd.s32 $0xFFFF4000  }
0x3c: {  	[hbm4b:s31+s2] =	stream.linear.scatter [tilespmem:s17], [sflag:$0x5], $0xC000, $0x38;
	[tilespmem:$0x18600] =	vst v63  }
.LBB2_2:
0x3d: {  	[tilespmem:s2], [sflag:$0x1] =	stream.linear.gather [hbm4b:s28+s2], $0x300, $0x38;
	[tilespmem:$0x18600] =	vst v63  }
0x3e: {  	s28 =	smov.u32 s25  }
0x3f: {  	p0 =	sne.s32 s25, $0x1800;
	s25 =	sadd.s32 $0xC0, s25;
	_ =	swait.ge [sflag:s15], $0x300  }
0x40: {  	[sflag:s15] =	ssyncset.done $0x0  }
0x41: {  	[sflag:s15] =	ssyncadd.s32 $0xFFFFFD00  }
0x42: {  	_ =	swait.ge [sflag:s21], $0xC000  }
0x43: {  	[sflag:s21] =	ssyncset.done $0x0  }
0x44: {  	[sflag:s21] =	ssyncadd.s32 $0xFFFF4000  }
0x45: {  	[tilespmem:s17], [sflag:$0x3] =	stream.indirect.gather [hbm4b:s3+s16], $0x40, s2, s16, $0xb8;
	[tilespmem:$0x18600] =	vst v63  }
0x46: {  	_ =	swait.ge [sflag:s22], $0xC000  }
0x47: {  	[sflag:s22] =	ssyncset.done $0x0  }
0x48: {  	s28 =	sadd.s32 s28, s13;
	[sflag:s22] =	ssyncadd.s32 $0xFFFF4000  }
0x49: {  	[hbm4b:s26+s2] =	stream.linear.scatter [tilespmem:s19], [sflag:$0x6], $0xC000, $0x38;
	[tilespmem:$0x18600] =	vst v63  }
0x4a: {  	s29 =	sadd.s32 $0x120, s28  }
0x4b: {  	[tilespmem:s16], [sflag:$0x2] =	stream.linear.gather [hbm4b:s29+s2], $0x300, $0x38;
	[tilespmem:$0x18600] =	vst v63  }
0x4c: {  	_ =	swait.ge [sflag:s18], $0x300  }
0x4d: {  	[sflag:s18] =	ssyncset.done $0x0  }
0x4e: {  	[sflag:s18] =	ssyncadd.s32 $0xFFFFFD00  }
0x4f: {  	_ =	swait.ge [sflag:s23], $0xC000  }
0x50: {  	[sflag:s23] =	ssyncset.done $0x0  }
0x51: {  	[sflag:s23] =	ssyncadd.s32 $0xFFFF4000  }
0x52: {  	[tilespmem:s19], [sflag:$0x4] =	stream.indirect.gather [hbm4b:s3+s16], $0x40, s16, s16, $0xb8;
	[tilespmem:$0x18600] =	vst v63  }
.Ltmp0:
0x53: {  	_ =	swait.ge [sflag:s20], $0xC000;
	(pc) =	sbr.rel @p0 .LBB2_2-.Ltmp0, $4  }
0x54: {  	[sflag:s20] =	ssyncset.done $0x0  }
0x55: {  	s29 =	sadd.s32 $0x1800, s26;
	[sflag:s20] =	ssyncadd.s32 $0xFFFF4000  }
0x56: {  	[hbm4b:s29+s2] =	stream.linear.scatter [tilespmem:s17], [sflag:$0x5], $0xC000, $0x38;
	[tilespmem:$0x18600] =	vst v63  }
0x57: {  	s28 =	sadd.s32 $0x180, s28;
	s26 =	sadd.s32 $0x3000, s26  }
0x58: {  	[tilespmem:s2], [sflag:$0x1] =	stream.linear.gather [hbm4b:s28+s2], $0x300, $0x38;
	[tilespmem:$0x18600] =	vst v63  }
0x59: {  	_ =	swait.ge [sflag:s15], $0x300  }
0x5a: {  	[sflag:s15] =	ssyncset.done $0x0  }
0x5b: {  	[sflag:s15] =	ssyncadd.s32 $0xFFFFFD00  }
0x5c: {  	_ =	swait.ge [sflag:s21], $0xC000  }
0x5d: {  	[sflag:s21] =	ssyncset.done $0x0  }
0x5e: {  	[sflag:s21] =	ssyncadd.s32 $0xFFFF4000  }
0x5f: {  	[tilespmem:s17], [sflag:$0x3] =	stream.indirect.gather [hbm4b:s3+s16], $0x40, s2, s16, $0xb8;
	[tilespmem:$0x18600] =	vst v63  }
0x60: {  	_ =	swait.ge [sflag:s22], $0xC000  }
0x61: {  	[sflag:s22] =	ssyncset.done $0x0  }
0x62: {  	[sflag:s22] =	ssyncadd.s32 $0xFFFF4000  }
0x63: {  	[hbm4b:s8+s2] =	stream.linear.scatter [tilespmem:s19], [sflag:$0x6], $0xC000, $0x38;
	[tilespmem:$0x18600] =	vst v63  }
0x64: {  	_ = 	snop  }
0x65: {  	[tilespmem:s16], [sflag:$0x2] =	stream.linear.gather [hbm4b:s9+s2], $0x300, $0x38;
	[tilespmem:$0x18600] =	vst v63  }
0x66: {  	_ =	swait.ge [sflag:s18], $0x300  }
0x67: {  	[sflag:s18] =	ssyncset.done $0x0  }
0x68: {  	[sflag:s18] =	ssyncadd.s32 $0xFFFFFD00  }
0x69: {  	_ =	swait.ge [sflag:s23], $0xC000  }
0x6a: {  	[sflag:s23] =	ssyncset.done $0x0  }
0x6b: {  	[sflag:s23] =	ssyncadd.s32 $0xFFFF4000  }
0x6c: {  	[tilespmem:s19], [sflag:$0x4] =	stream.indirect.gather [hbm4b:s3+s16], $0x40, s16, s16, $0xb8;
	[tilespmem:$0x18600] =	vst v63  }
0x6d: {  	_ =	swait.ge [sflag:s20], $0xC000  }
0x6e: {  	[sflag:s20] =	ssyncset.done $0x0  }
0x6f: {  	[sflag:s20] =	ssyncadd.s32 $0xFFFF4000  }
0x70: {  	[hbm4b:s10+s2] =	stream.linear.scatter [tilespmem:s17], [sflag:$0x5], $0xC000, $0x38;
	[tilespmem:$0x18600] =	vst v63  }
0x71: {  	_ =	swait.ge [sflag:s22], $0xC000  }
0x72: {  	[sflag:s22] =	ssyncset.done $0x0  }
0x73: {  	s24 =	sadd.s32 $0x1, s24;
	[sflag:s22] =	ssyncadd.s32 $0xFFFF4000  }
0x74: {  	[hbm4b:s11+s2] =	stream.linear.scatter [tilespmem:s19], [sflag:$0x6], $0xC000, $0x38;
	[tilespmem:$0x18600] =	vst v63  }
0x75: {  	p0 =	sne.s32 s24, s12;
	_ =	swait.ge [sflag:s21], $0xC000  }
.Ltmp1:
0x76: {  	[sflag:s21] =	ssyncset.done $0x0;
	(pc) =	sbr.rel @p0 .LBB2_1-.Ltmp1, $4  }
0x77: {  	[sflag:s21] =	ssyncadd.s32 $0xFFFF4000  }
0x78: {  	_ =	swait.ge [sflag:s23], $0xC000  }
0x79: {  	[sflag:s23] =	ssyncset.done $0x0  }
0x7a: {  	[sflag:s23] =	ssyncadd.s32 $0xFFFF4000  }
0x7b: {  	_ =	sfence.sel $0x180000  }
0x7c: {  	[bflag:$0x0] =	sbarrier.arrive $0xFFFF  }
0x7d: {  	p0 =	sne.s32 s1, $0x0;
	_ =	strace $0x90000047  }
0x7e: {  	s0 =	sadd.s32 @!p0 $0x100000, s0;
	[bflag:$0x2] =	sbarrier.arrive $0xFFFF  }
0x7f: {  	[sflag:s0] =	ssyncadd.tile.s32 @!p0 $0x1;
	_ =	shalt  }
.Lfunc_end2:
_tile_overlayer_lowered:
.L_overlay_start_2:
0x80: {  	(tag) =	ssettag $0x2  }
0x81: {  	s0 =	rddreg [dreg:$0x0];
	s2 =	stileid.u32  }
0x82: {  	s1 =	rddreg [dreg:$0x1];
	p0 =	sne.s32 s2, $0x0  }
0x83: {  	s3 =	rddreg [dreg:$0x2];
	[bflag:$0x3] =	sbarrier.arrive $0xFFFF;
	s2 =	simm.s32 @!p0 $0x1C07  }
0x84: {  	[timem:s3], [sflag:s2] =	dma.local @!p0 [hbm:s0], s1  }
0x85: {  	s0 =	simm.s32 @!p0 $0x7  }
0x86: {  	_ =	swait.ge @!p0 [sflag:s0], s1  }
0x87: {  	s1 =	ssub.s32 @!p0 $0x0, s1;
	[sflag:s0] =	ssyncset.done @!p0 $0x0  }
0x88: {  	[sflag:s0] =	ssyncadd.s32 @!p0 s1  }
0x89: {  	[bflag:$0x3] =	sbarrier.arrive $0xFFFF  }
0x8a: {  	_ =	shalt  }

// kernel: kernel.16.cloned.1.call-start
scs
__scs_entry_jumppad:
0x0: {  	(pc) =	sbr.rel $0x88, $3  }
0x1: {  	(tag) =	ssettag $0x0;
	lr =	simm.s32 $0x1  }
0x2: {  	[smem:$0x3F81] =	sst lr;
	_ =	strace $0xD0000000  }
0x3: {  	_ = 	snop  }
0x4: {  	_ = 	snop  }
0x5: {  	_ = 	snop  }
0x6: {  	_ = 	snop  }
0x7: {  	_ = 	snop  }
__scs_overlays_trampoline_lowered:
0x8: {  	[smem:$0x3F90] =	sst s0  }
0x9: {  	[smem:$0x3F91] =	sst s1  }
0xa: {  	[smem:$0x3F92] =	sst s2  }
0xb: {  	[smem:$0x3F93] =	sst s3  }
0xc: {  	[smem:$0x3F94] =	sst s4  }
0xd: {  	[smem:$0x3F95] =	sst s5  }
0xe: {  	[smem:$0x3F96] =	sst s6  }
0xf: {  	[smem:$0x3F97] =	sst s7  }
0x10: {  	[smem:$0x3F98] =	sst s8  }
0x11: {  	[smem:$0x3F99] =	sst s9;
	s0 =	simm.s32 @!p0 $0x0  }
0x12: {  	s1 =	sld [smem:$0x3F7F];
	s0 =	simm.s32 @p0 $0x1  }
0x13: {  	[smem:$0x3F9A] =	sst s0;
	s0 =	simm.s32 @!p1 $0x0  }
0x14: {  	s2 =	sld [smem:$0x3F7E];
	s0 =	simm.s32 @p1 $0x1  }
0x15: {  	[smem:$0x3F9B] =	sst s0;
	s0 =	simm.s32 @!p2 $0x0  }
0x16: {  	s3 =	sld [smem:$0x3FDB];
	s0 =	simm.s32 @p2 $0x1  }
0x17: {  	s4 =	simm.s32 $0x1BF5;
	[smem:$0x3F9D] =	sst s0  }
0x18: {  	s0 =	sld [smem:$0x3F80];
	_ =	swait.ge [sflag:s4], $0x0  }
0x19: {  	s7 =	sld [smem:$0x3F81]  }
0x1a: {  	s8 =	sadd.s32 $0xFFFFE003, lr  }
0x1b: {  	s9 =	sadd.s32 $0xFFFFFEF7, lr;
	s5 =	simm.s32 $0xFFFFFFFF;
	p2 =	slt.u32 s8, $0xFFFFF086  }
0x1c: {  	p1 =	slt.u32 s9, $0xF7A;
	s5 =	simm.s32 @!p2 $0x0  }
0x1d: {  	s5 =	simm.s32 @p1 $0x1;
	p0 =	seq.s32 s7, s2  }
0x1e: {  	s7 =	smul.u32 @!p0 $0xF7A, s2;
	p2 =	seq.s32 @!p0 s5, $0x0  }
0x1f: {  	s9 =	smul.u32 $0xF7A, s1;
	s8 =	simm.s32 @!p0 $0x1BF5;
	p2 =	por !p2, p0  }
0x20: {  	[sflag:s8] =	ssyncset.s32 @!p0 $0xFFFFF086;
	s6 =	sadd.s32 @!p0 s3, s7;
	s7 =	simm.s32 @!p0 $0x108  }
0x21: {  	s3 =	sadd.s32 s3, s9;
	s6 =	sadd.s32 @!p0 $0x88, s6;
	s7 =	simm.s32 @p2 $0x1082  }
0x22: {  	[simem:s7], [sflag:s8] =	dma.local @!p0 [hbm:s6], $0xF7A  }
0x23: {  	s9 =	sor.u32 $0xD0000000, s2;
	s6 =	simm.s32 $0x108;
	_ =	swait.ge @!p0 [sflag:s8], $0x0  }
0x24: {  	s3 =	sadd.s32 $0x88, s3;
	s6 =	simm.s32 @!p1 $0x1082;
	[sflag:s4] =	ssyncset.s32 $0xFFFFF086  }
0x25: {  	[simem:s6], [sflag:s4] =	dma.local [hbm:s3], $0xF7A  }
0x26: {  	[smem:$0x3F81] =	sst s1;
	(tag) =	ssettag s2;
	_ =	strace s9  }
0x27: {  	s1 =	sld [smem:$0x3F91]  }
0x28: {  	s2 =	sld [smem:$0x3F92]  }
0x29: {  	s4 =	sld [smem:$0x3F94]  }
0x2a: {  	p0 =	seq.s32 s5, $0x0;
	s5 =	sld [smem:$0x3F95]  }
0x2b: {  	s6 =	sld [smem:$0x3F96]  }
0x2c: {  	s7 =	sld [smem:$0x3F97]  }
0x2d: {  	s3 =	simm.s32 $0x108;
	s8 =	sld [smem:$0x3F98]  }
0x2e: {  	s3 =	simm.s32 @!p0 $0x1082;
	s9 =	sld [smem:$0x3F99]  }
0x2f: {  	lr =	sadd.s32 s0, s3;
	s0 =	sld [smem:$0x3F90]  }
0x30: {  	s3 =	sld [smem:$0x3F93]  }
0x31: {  	[smem:$0x3F9C] =	sst s10  }
0x32: {  	s10 =	sld [smem:$0x3F9A];
	_ =	sdelay $0x3  }
0x33: {  	p0 =	seq.s32 s10, $0x1;
	s10 =	sld [smem:$0x3F9C];
	_ =	sdelay $0x3  }
0x34: {  	[smem:$0x3F9C] =	sst s10  }
0x35: {  	s10 =	sld [smem:$0x3F9B];
	_ =	sdelay $0x3  }
0x36: {  	p1 =	seq.s32 s10, $0x1;
	s10 =	sld [smem:$0x3F9C];
	_ =	sdelay $0x3  }
0x37: {  	[smem:$0x3F9C] =	sst s10  }
0x38: {  	s10 =	sld [smem:$0x3F9D]  }
0x39: {  	_ = 	snop;
	(pc) =	sbr.ind lr, $3  }
0x3a: {  	_ = 	snop  }
0x3b: {  	_ = 	snop  }
0x3c: {  	p2 =	seq.s32 s10, $0x1;
	s10 =	sld [smem:$0x3F9C]  }
0x3d: {  	_ =	shalt  }
0x3e: {  	_ =	shalt  }
0x3f: {  	_ =	shalt  }
0x40: {  	_ =	shalt  }
0x41: {  	_ =	shalt  }
0x42: {  	_ =	shalt  }
0x43: {  	_ =	shalt  }
0x44: {  	_ =	shalt  }
0x45: {  	_ =	shalt  }
0x46: {  	_ =	shalt  }
0x47: {  	_ =	shalt  }
0x48: {  	_ =	shalt  }
0x49: {  	_ =	shalt  }
0x4a: {  	_ =	shalt  }
0x4b: {  	_ =	shalt  }
0x4c: {  	_ =	shalt  }
0x4d: {  	_ =	shalt  }
0x4e: {  	_ =	shalt  }
0x4f: {  	_ =	shalt  }
0x50: {  	_ =	shalt  }
0x51: {  	_ =	shalt  }
0x52: {  	_ =	shalt  }
0x53: {  	_ =	shalt  }
0x54: {  	_ =	shalt  }
0x55: {  	_ =	shalt  }
0x56: {  	_ =	shalt  }
0x57: {  	_ =	shalt  }
0x58: {  	_ =	shalt  }
0x59: {  	_ =	shalt  }
0x5a: {  	_ =	shalt  }
0x5b: {  	_ =	shalt  }
0x5c: {  	_ =	shalt  }
0x5d: {  	_ =	shalt  }
0x5e: {  	_ =	shalt  }
0x5f: {  	_ =	shalt  }
0x60: {  	_ =	shalt  }
0x61: {  	_ =	shalt  }
0x62: {  	_ =	shalt  }
0x63: {  	_ =	shalt  }
0x64: {  	_ =	shalt  }
0x65: {  	_ =	shalt  }
0x66: {  	_ =	shalt  }
0x67: {  	_ =	shalt  }
0x68: {  	_ =	shalt  }
0x69: {  	_ =	shalt  }
0x6a: {  	_ =	shalt  }
0x6b: {  	_ =	shalt  }
0x6c: {  	_ =	shalt  }
0x6d: {  	_ =	shalt  }
0x6e: {  	_ =	shalt  }
0x6f: {  	_ =	shalt  }
0x70: {  	_ =	shalt  }
0x71: {  	_ =	shalt  }
0x72: {  	_ =	shalt  }
0x73: {  	_ =	shalt  }
0x74: {  	_ =	shalt  }
0x75: {  	_ =	shalt  }
0x76: {  	_ =	shalt  }
0x77: {  	_ =	shalt  }
0x78: {  	_ =	shalt  }
0x79: {  	_ =	shalt  }
0x7a: {  	_ =	shalt  }
0x7b: {  	_ =	shalt  }
0x7c: {  	_ =	shalt  }
0x7d: {  	_ =	shalt  }
0x7e: {  	_ =	shalt  }
0x7f: {  	_ =	shalt  }
0x80: {  	_ =	shalt  }
0x81: {  	_ =	shalt  }
0x82: {  	_ =	shalt  }
0x83: {  	_ =	shalt  }
0x84: {  	_ =	shalt  }
0x85: {  	_ =	shalt  }
0x86: {  	_ =	shalt  }
0x87: {  	_ =	shalt  }
.Lfunc_end0:
.L_simem_size_0:
called_computation.1_lowered:
.L_overlay_start_0:
0x88: {  	s2 =	sld [smem:$0x3FD9]  }
0x89: {  	s3 =	sld [smem:$0x3FFE];
	_ =	sdelay $0x1  }
0x8a: {  	s1 =	srdreg.scid  }
0x8b: {  	s0 =	sand.u32 $0x1, s1  }
0x8c: {  	s16 =	sshll.u32 s0, $0xA;
	s2 =	sadd.s32 s3, s2  }
0x8d: {  	s2 =	sadd.s32 s2, s16  }
0x8e: {  	[smem:$0x3FA8] =	sst s2  }
0x8f: {  	_ = 	snop  }
0x90: {  	(tm) =	ssettm $0x1  }
0x91: {  	s17 =	sld [smem:$0x3FFB];
	_ =	sdelay $0x3  }
0x92: {  	_ =	strace s17  }
0x93: {  	s2 =	sld [smem:$0x3FFC];
	_ =	sdelay $0x3  }
0x94: {  	_ =	strace s2  }
0x95: {  	s2 =	sld [smem:$0x3FFD];
	_ =	sdelay $0x3  }
0x96: {  	_ =	strace s2  }
0x97: {  	_ =	strace $0x8FFFFFFF  }
0x98: {  	s18 =	sld [smem:$0x3FDB];
	_ =	sdelay $0x1  }
0x99: {  	s19 =	simm.s32 $_scs_section_size  }
0x9a: {  	s4 =	simm.s32 $_size__tile_overlayer_lowered;
	s5 =	simm.s32 $_tile_overlayer_lowered  }
0x9b: {  	s22 =	simm.s32 $0x1BFF;
	s21 =	sshll.u32 s5, $0x1;
	s2 =	sadd.s32 s19, s18  }
0x9c: {  	s6 =	simm.s32 $0x0;
	s20 =	sshll.u32 s4, $0x1;
	s4 =	sadd.s32 s21, s2  }
0x9d: {  	[timem:s6], [sflag:s22] =	dma.local [hbm:s4], s20  }
0x9e: {  	_ =	swait.ge [sflag:s22], s20  }
0x9f: {  	s3 =	ssub.s32 $0x0, s20;
	[sflag:s22] =	ssyncset.done $0x0  }
0xa0: {  	[sflag:s22] =	ssyncadd.s32 s3;
	_ =	sdelay $0x1  }
0xa1: {  	s23 =	simm.s32 $0x1B8B  }
0xa2: {  	_ =	swait.ge [sflag:s23], $0x1  }
0xa3: {  	[sflag:s23] =	ssyncset.done $0x0  }
0xa4: {  	s25 =	simm.s32 $0x1B8E;
	s24 =	sld [smem:$0x3FFE];
	[sflag:s23] =	ssyncadd.s32 $0xFFFFFFFF  }
0xa5: {  	s26 =	simm.s32 $execute0_lowered;
	[smem:$0x3FD2] =	sst s25  }
0xa6: {  	s4 =	sshll.u32 s26, $0x1;
	_ =	strace $0x80000049;
	[dreg:$0x1] =	wrdreg $0xFFFFFFFF  }
0xa7: {  	s28 =	simm.s32 $_size_execute0_lowered;
	s2 =	sadd.s32 s2, s4;
	[dreg:$0x0] =	wrdreg $0x0  }
0xa8: {  	s4 =	sshll.u32 s28, $0x1;
	[dreg:$0x2] =	wrdreg s2  }
0xa9: {  	[dreg:$0x3] =	wrdreg s4  }
0xaa: {  	[dreg:$0x4] =	wrdreg $0xC0  }
0xab: {  	_ =	task [dreg:s6], $0x5FFFF  }
0xac: {  	[dreg:$0x1] =	wrdreg $0xFFFFFFFF  }
0xad: {  	[dreg:$0x0] =	wrdreg $0x60  }
0xae: {  	[dreg:$0x2] =	wrdreg s24  }
0xaf: {  	[dreg:$0x3] =	wrdreg $0x0  }
0xb0: {  	[dreg:$0x4] =	wrdreg $0x9  }
0xb1: {  	_ =	task.clear_ibuf [dreg:s6], $0x5FFFF;
	_ =	strace $0x90000049  }
0xb2: {  	s29 =	simm.s32 $0x9;
	_ =	strace $0x8000004B  }
0xb3: {  	_ =	swait.ge [sflag:s29], $0x1  }
0xb4: {  	[sflag:s29] =	ssyncadd.s32 $0xFFFFFFFF  }
0xb5: {  	_ =	strace $0x9000004B  }
0xb6: {  	_ =	sfence  }
0xb7: {  	s30 =	sld [smem:$0x0];
	_ =	sdelay $0x2  }
0xb8: {  	s31 =	sshll.u32 s1, $0xD;
	s1 =	sshrl.u32 s1, $0x2  }
0xb9: {  	s3 =	sand.u32 $0x4000, s31;
	s1 =	sadd.s32 s1, s30  }
0xba: {  	s0 =	sor.u32 s3, s0;
	s1 =	sshll.u32 s1, $0x11  }
0xbb: {  	s0 =	sor.u32 s1, s0  }
0xbc: {  	s0 =	sadd.s32 $0x8F2B, s0  }
0xbd: {  	[sflag:s0] =	ssyncadd.remote.s32 $0x1  }
0xbe: {  	_ =	sfence.sel $0xFFFF  }
0xbf: {  	[dreg:$0x0] =	wrdreg $0xFFFFFFFF;
	(pc) =	sbr.abs _section_cstart, $3  }
0xc0: {  	[dreg:$0x1] =	wrdreg $0xFFFFFFFF  }
0xc1: {  	_ =	task.clear_ibuf [dreg:s6], $0x2FFFF;
	_ =	strace $0x9FFFFFFF  }
0xc2: {  	(tm) =	ssettm $0x7FFFFFFF  }
0xc3: {  	_ =	shalt  }
tec
execute0_lowered:
.L_overlay_start_1:
0x0: {  	(tag) =	ssettag $0x1  }
0x1: {  	s4 =	rddreg [dreg:$0x0]  }
0x2: {  	s0 =	stileid.u32;
	s2 =	rddreg [dreg:$0x1]  }
0x3: {  	s1 =	rddreg [dreg:$0x2];
	s3 =	simm.s32 $0x0;
	s5 =	smul.u32 $0x76200, s0  }
0x4: {  	s8 =	srdreg.scid;
	s15 =	simm.s32 $0x1B9C0;
	s6 =	smul.u32 $0x1A40, s0  }
0x5: {  	s16 =	simm.s32 $0x0;
	s7 =	smul.u32 $0x1B900, s0;
	[smem:$0x7FF] =	sst s3  }
0x6: {  	s8 =	sand.u32 $0x1, s8;
	s9 =	smul.u32 $0x3720, s0;
	s31 =	sshll.u32 s0, $0x6  }
0x7: {  	_ =	strace $0x8000004A;
	s26 =	smul.u32 $0x37200, s8;
	s12 =	ssub.s32 $0x2, s8  }
0x8: {  	s14 =	smul.u32 $0xFFFF9E58, s8;
	s10 =	sadd.s32 s5, s4;
	s11 =	sadd.s32 s6, s4  }
0x9: {  	s28 =	sshrl.u32 s7, $0x3;
	s29 =	sshrl.u32 s12, $0x1;
	s30 =	sadd.s32 s7, s2  }
0xa: {  	s6 =	sadd.s32 s28, s4;
	s5 =	sadd.s32 s9, s26;
	s9 =	ssub.s32 s12, s29  }
0xb: {  	s8 =	sadd.s32 $0x1E200, s10;
	s10 =	sshrl.u32 s30, $0x3;
	s12 =	simm.s32 $0x1B900  }
0xc: {  	v0 =	vmov s14;
	s14 =	simm.s32 $0xC0;
	s13 =	sadd.s32 s5, s4;
	s4 =	sadd.s32 $0x780200, s6  }
0xd: {  	s5 =	sor.u32 $0x1C01, s31;
	s7 =	smax.u32 s9, $0x1;
	s9 =	sadd.s32 $0x3E00, s11  }
0xe: {  	s11 =	simm.s32 $0x1;
	s6 =	sadd.s32 $0x7B7400, s13;
	s13 =	simm.s32 $0x1BA80  }
.LBB2_1:
0xf: {  	[spmem:s10], [sflag:s5] =	dma.local [hbm:s4], $0x3720  }
0x10: {  	_ =	swait.ge [sflag:s11], $0x3720  }
0x11: {  	[sflag:s11] =	ssyncset.done $0x0  }
0x12: {  	s17 =	sadd.s32 $0x0, s9;
	s20 =	sadd.s32 $0x6C0, s8;
	[sflag:s11] =	ssyncadd.s32 $0xFFFFC8E0  }
0x13: {  	s18 =	simm.s32 $0x18;
	s21 =	simm.s32 $0x30;
	[bflag:$0x0] =	sbarrier.arrive $0xFFFF  }
0x14: {  	[tilespmem:s12], [sflag:$0x1] =	stream.linear.gather [hbm4b:s17+s3], $0xC0, $0x38;
	[tilespmem:$0x1F080] =	vst v63  }
0x15: {  	s19 =	smov.u32 s8;
	s17 =	smov.u32 s20;
	_ =	swait.ge [sflag:s11], $0xC0  }
.LBB2_2:
0x16: {  	p0 =	sne.s32 s21, $0x1A28;
	s20 =	sadd.s32 $0x6C0, s20;
	[sflag:s11] =	ssyncset.done $0x0  }
0x17: {  	s22 =	smov.u32 s21;
	s21 =	sadd.s32 $0x18, s21;
	[sflag:s11] =	ssyncadd.s32 $0xFFFFFF40  }
0x18: {  	v1 =	vld [tilespmem:$0x1B910]  }
0x19: {  	v2 =	vld [tilespmem:$0x1B940]  }
0x1a: {  	v3 =	vld [tilespmem:$0x1B980]  }
0x1b: {  	v4 =	vld [tilespmem:$0x1B970]  }
0x1c: {  	v5 =	vld [tilespmem:$0x1B930]  }
0x1d: {  	v6 =	vld [tilespmem:$0x1B950]  }
0x1e: {  	v2 =	vadd.s32 v0, v2;
	v7 =	vld [tilespmem:$0x1B960]  }
0x1f: {  	v1 =	vadd.s32 v0, v1;
	v2 =	vmin.u32 v2, $0x61A8;
	v3 =	vadd.s32 v0, v3;
	v8 =	vld [tilespmem:$0x1B990]  }
0x20: {  	v1 =	vmin.u32 v1, $0x61A8;
	[tilespmem:$0x1BA00] =	vst v2;
	v2 =	vadd.s32 v0, v4;
	v3 =	vmin.u32 v3, $0x61A8;
	v4 =	vld [tilespmem:$0x1B9A0]  }
0x21: {  	v9 =	vld [tilespmem:$0x1B920];
	v5 =	vadd.s32 v0, v5;
	v2 =	vmin.u32 v2, $0x61A8;
	[tilespmem:$0x1BA40] =	vst v3  }
0x22: {  	v3 =	vld [tilespmem:$0x1B900];
	[tilespmem:$0x1B9D0] =	vst v1;
	v1 =	vmin.u32 v5, $0x61A8;
	v5 =	vadd.s32 v0, v6  }
0x23: {  	[tilespmem:$0x1B9F0] =	vst v1;
	v1 =	vmin.u32 v5, $0x61A8;
	v5 =	vadd.s32 v0, v7;
	v6 =	vld [tilespmem:$0x1B9B0]  }
0x24: {  	[tilespmem:$0x1BA10] =	vst v1;
	v1 =	vmin.u32 v5, $0x61A8;
	v5 =	vadd.s32 v0, v8  }
0x25: {  	[tilespmem:$0x1BA20] =	vst v1;
	v1 =	vmin.u32 v5, $0x61A8;
	v4 =	vadd.s32 v0, v4  }
0x26: {  	v5 =	vadd.s32 v0, v9;
	[tilespmem:$0x1BA50] =	vst v1;
	v1 =	vmin.u32 v4, $0x61A8  }
0x27: {  	v3 =	vadd.s32 v0, v3;
	v4 =	vmin.u32 v5, $0x61A8;
	[tilespmem:$0x1BA60] =	vst v1  }
0x28: {  	v1 =	vmin.u32 v3, $0x61A8;
	[tilespmem:$0x1B9E0] =	vst v4;
	v3 =	vadd.s32 v0, v6  }
0x29: {  	[tilespmem:$0x1BA30] =	vst v2;
	v2 =	vmin.u32 v3, $0x61A8  }
0x2a: {  	[tilespmem:$0x1BA70] =	vst v2  }
0x2b: {  	[tilespmem:$0x1B9C0] =	vst v1  }
0x2c: {  	[tilespmem:s13], [sflag:$0x1] =	stream.linear.gather [hbm4b:s19+s3], $0x3600, $0x38;
	[tilespmem:$0x1F080] =	vst v63  }
0x2d: {  	s19 =	smov.u32 s17;
	s17 =	smov.u32 s20;
	_ =	swait.ge [sflag:s11], $0x3600  }
0x2e: {  	[sflag:s11] =	ssyncset.done $0x0  }
0x2f: {  	[sflag:s11] =	ssyncadd.s32 $0xFFFFCA00  }
0x30: {  	[spmem:s2] =	stream.indirect.scatter.add.f32 [tilespmem:s13], [sflag:$0x1], $0x48, s15, s14, $0xb8;
	[tilespmem:$0x1F080] =	vst v63  }
.Ltmp0:
0x31: {  	_ =	swait.ge [sflag:s11], $0x3600;
	(pc) =	sbr.rel @p0 .LBB2_2-.Ltmp0, $4  }
0x32: {  	[sflag:s11] =	ssyncset.done $0x0  }
0x33: {  	s23 =	sadd.s32 s18, s9;
	s18 =	smov.u32 s22;
	[sflag:s11] =	ssyncadd.s32 $0xFFFFCA00  }
0x34: {  	[tilespmem:s12], [sflag:$0x1] =	stream.linear.gather [hbm4b:s23+s3], $0xC0, $0x38;
	[tilespmem:$0x1F080] =	vst v63  }
0x35: {  	_ =	swait.ge [sflag:s11], $0xC0  }
0x36: {  	[sflag:s11] =	ssyncset.done $0x0  }
0x37: {  	[sflag:s11] =	ssyncadd.s32 $0xFFFFFF40  }
0x38: {  	v1 =	vld [tilespmem:$0x1B940]  }
0x39: {  	v3 =	vld [tilespmem:$0x1B910]  }
0x3a: {  	v2 =	vld [tilespmem:$0x1B980]  }
0x3b: {  	v4 =	vld [tilespmem:$0x1B930]  }
0x3c: {  	v5 =	vld [tilespmem:$0x1B950]  }
0x3d: {  	v6 =	vld [tilespmem:$0x1B960];
	v1 =	vadd.s32 v0, v1  }
0x3e: {  	v7 =	vld [tilespmem:$0x1B990];
	v3 =	vadd.s32 v0, v3;
	v1 =	vmin.u32 v1, $0x61A8  }
0x3f: {  	v8 =	vld [tilespmem:$0x1B920];
	v2 =	vadd.s32 v0, v2;
	v3 =	vmin.u32 v3, $0x61A8;
	[tilespmem:$0x1BA00] =	vst v1  }
0x40: {  	v4 =	vadd.s32 v0, v4;
	v1 =	vmin.u32 v2, $0x61A8;
	v2 =	vld [tilespmem:$0x1B9A0];
	[tilespmem:$0x1B9D0] =	vst v3  }
0x41: {  	v47 =	vadd.s32 v0, v5;
	v3 =	vmin.u32 v4, $0x61A8;
	[tilespmem:$0x1BA40] =	vst v1;
	v1 =	vld [tilespmem:$0x1B970]  }
0x42: {  	v49 =	vld [tilespmem:$0x1B9B0];
	v48 =	vadd.s32 v0, v6;
	[tilespmem:$0x1B9F0] =	vst v3;
	v3 =	vmin.u32 v47, $0x61A8  }
0x43: {  	v50 =	vld [tilespmem:$0x1B900];
	v51 =	vadd.s32 v0, v7;
	[tilespmem:$0x1BA10] =	vst v3;
	v3 =	vmin.u32 v48, $0x61A8  }
0x44: {  	v52 =	vadd.s32 v0, v8;
	[tilespmem:$0x1BA20] =	vst v3;
	v3 =	vmin.u32 v51, $0x61A8  }
0x45: {  	[tilespmem:$0x1BA50] =	vst v3;
	v3 =	vmin.u32 v52, $0x61A8;
	v2 =	vadd.s32 v0, v2  }
0x46: {  	[tilespmem:$0x1B9E0] =	vst v3;
	v2 =	vmin.u32 v2, $0x61A8;
	v1 =	vadd.s32 v0, v1  }
0x47: {  	[tilespmem:$0x1BA60] =	vst v2;
	v1 =	vmin.u32 v1, $0x61A8;
	v2 =	vadd.s32 v0, v49  }
0x48: {  	v3 =	vadd.s32 v0, v50;
	[tilespmem:$0x1BA30] =	vst v1;
	v1 =	vmin.u32 v2, $0x61A8  }
0x49: {  	v2 =	vmin.u32 v3, $0x61A8;
	[tilespmem:$0x1BA70] =	vst v1  }
0x4a: {  	[tilespmem:$0x1B9C0] =	vst v2  }
0x4b: {  	[tilespmem:s13], [sflag:$0x1] =	stream.linear.gather [hbm4b:s19+s3], $0x3600, $0x38;
	[tilespmem:$0x1F080] =	vst v63  }
0x4c: {  	_ =	swait.ge [sflag:s11], $0x3600  }
0x4d: {  	[sflag:s11] =	ssyncset.done $0x0  }
0x4e: {  	[sflag:s11] =	ssyncadd.s32 $0xFFFFCA00  }
0x4f: {  	[spmem:s2] =	stream.indirect.scatter.add.f32 [tilespmem:s13], [sflag:$0x1], $0x48, s15, s14, $0xb8;
	[tilespmem:$0x1F080] =	vst v63  }
0x50: {  	_ =	swait.ge [sflag:s11], $0x3600  }
0x51: {  	[sflag:s11] =	ssyncset.done $0x0  }
0x52: {  	s18 =	sadd.s32 s18, s9;
	[sflag:s11] =	ssyncadd.s32 $0xFFFFCA00  }
0x53: {  	[tilespmem:s12], [sflag:$0x1] =	stream.linear.gather [hbm4b:s18+s3], $0xC0, $0x38;
	[tilespmem:$0x1F080] =	vst v63  }
0x54: {  	_ =	swait.ge [sflag:s11], $0xC0  }
0x55: {  	[sflag:s11] =	ssyncset.done $0x0  }
0x56: {  	[sflag:s11] =	ssyncadd.s32 $0xFFFFFF40  }
0x57: {  	v1 =	vld [tilespmem:$0x1B940]  }
0x58: {  	v3 =	vld [tilespmem:$0x1B910]  }
0x59: {  	v2 =	vld [tilespmem:$0x1B980]  }
0x5a: {  	v53 =	vld [tilespmem:$0x1B930]  }
0x5b: {  	v54 =	vld [tilespmem:$0x1B950]  }
0x5c: {  	v55 =	vld [tilespmem:$0x1B960];
	v1 =	vadd.s32 v0, v1  }
0x5d: {  	v56 =	vld [tilespmem:$0x1B990];
	v3 =	vadd.s32 v0, v3;
	v1 =	vmin.u32 v1, $0x61A8  }
0x5e: {  	v57 =	vld [tilespmem:$0x1B920];
	v2 =	vadd.s32 v0, v2;
	v3 =	vmin.u32 v3, $0x61A8;
	[tilespmem:$0x1BA00] =	vst v1  }
0x5f: {  	v4 =	vadd.s32 v0, v53;
	v1 =	vmin.u32 v2, $0x61A8;
	v2 =	vld [tilespmem:$0x1B9A0];
	[tilespmem:$0x1B9D0] =	vst v3  }
0x60: {  	v58 =	vadd.s32 v0, v54;
	v3 =	vmin.u32 v4, $0x61A8;
	[tilespmem:$0x1BA40] =	vst v1;
	v1 =	vld [tilespmem:$0x1B970]  }
0x61: {  	v60 =	vld [tilespmem:$0x1B9B0];
	v59 =	vadd.s32 v0, v55;
	[tilespmem:$0x1B9F0] =	vst v3;
	v3 =	vmin.u32 v58, $0x61A8  }
0x62: {  	v61 =	vld [tilespmem:$0x1B900];
	v62 =	vadd.s32 v0, v56;
	[tilespmem:$0x1BA10] =	vst v3;
	v3 =	vmin.u32 v59, $0x61A8  }
0x63: {  	v63 =	vadd.s32 v0, v57;
	[tilespmem:$0x1BA20] =	vst v3;
	v3 =	vmin.u32 v62, $0x61A8  }
0x64: {  	[tilespmem:$0x1BA50] =	vst v3;
	v3 =	vmin.u32 v63, $0x61A8;
	v2 =	vadd.s32 v0, v2  }
0x65: {  	[tilespmem:$0x1B9E0] =	vst v3;
	v2 =	vmin.u32 v2, $0x61A8;
	v1 =	vadd.s32 v0, v1  }
0x66: {  	[tilespmem:$0x1BA60] =	vst v2;
	v1 =	vmin.u32 v1, $0x61A8;
	v2 =	vadd.s32 v0, v60  }
0x67: {  	v3 =	vadd.s32 v0, v61;
	[tilespmem:$0x1BA30] =	vst v1;
	v1 =	vmin.u32 v2, $0x61A8  }
0x68: {  	v2 =	vmin.u32 v3, $0x61A8;
	[tilespmem:$0x1BA70] =	vst v1  }
0x69: {  	[tilespmem:$0x1B9C0] =	vst v2  }
0x6a: {  	[tilespmem:s13], [sflag:$0x1] =	stream.linear.gather [hbm4b:s17+s3], $0x3600, $0x38;
	[tilespmem:$0x1F080] =	vst v63  }
0x6b: {  	_ =	swait.ge [sflag:s11], $0x3600  }
0x6c: {  	[sflag:s11] =	ssyncset.done $0x0  }
0x6d: {  	[sflag:s11] =	ssyncadd.s32 $0xFFFFCA00  }
0x6e: {  	[spmem:s2] =	stream.indirect.scatter.add.f32 [tilespmem:s13], [sflag:$0x1], $0x48, s15, s14, $0xb8;
	[tilespmem:$0x1F080] =	vst v63  }
0x6f: {  	_ =	swait.ge [sflag:s11], $0x3600  }
0x70: {  	s16 =	sadd.s32 $0x1, s16;
	[sflag:s11] =	ssyncset.done $0x0  }
0x71: {  	p0 =	sne.s32 s16, s7;
	[sflag:s11] =	ssyncadd.s32 $0xFFFFCA00  }
.Ltmp1:
0x72: {  	[bflag:$0x0] =	sbarrier.arrive $0xFFFF;
	(pc) =	sbr.rel @p0 .LBB2_1-.Ltmp1, $4  }
0x73: {  	[hbm:s6], [sflag:s5] =	dma.local [spmem:s10], $0x3720  }
0x74: {  	_ =	swait.ge [sflag:s11], $0x3720  }
0x75: {  	[sflag:s11] =	ssyncset.done $0x0  }
0x76: {  	[sflag:s11] =	ssyncadd.s32 $0xFFFFC8E0  }
0x77: {  	_ =	sfence.sel $0x180000  }
0x78: {  	[bflag:$0x0] =	sbarrier.arrive $0xFFFF  }
0x79: {  	p0 =	sne.s32 s0, $0x0;
	_ =	strace $0x9000004A  }
0x7a: {  	s0 =	sadd.s32 @!p0 $0x100000, s1;
	[bflag:$0x2] =	sbarrier.arrive $0xFFFF  }
0x7b: {  	[sflag:s0] =	ssyncadd.tile.s32 @!p0 $0x1;
	_ =	shalt  }
.Lfunc_end2:
_tile_overlayer_lowered:
.L_overlay_start_2:
0x7c: {  	(tag) =	ssettag $0x2  }
0x7d: {  	s0 =	rddreg [dreg:$0x0];
	s2 =	stileid.u32  }
0x7e: {  	s1 =	rddreg [dreg:$0x1];
	p0 =	sne.s32 s2, $0x0  }
0x7f: {  	s3 =	rddreg [dreg:$0x2];
	[bflag:$0x3] =	sbarrier.arrive $0xFFFF;
	s2 =	simm.s32 @!p0 $0x1C01  }
0x80: {  	[timem:s3], [sflag:s2] =	dma.local @!p0 [hbm:s0], s1  }
0x81: {  	s0 =	simm.s32 @!p0 $0x1  }
0x82: {  	_ =	swait.ge @!p0 [sflag:s0], s1  }
0x83: {  	s1 =	ssub.s32 @!p0 $0x0, s1;
	[sflag:s0] =	ssyncset.done @!p0 $0x0  }
0x84: {  	[sflag:s0] =	ssyncadd.s32 @!p0 s1  }
0x85: {  	[bflag:$0x3] =	sbarrier.arrive $0xFFFF  }
0x86: {  	_ =	shalt  }

// kernel: kernel.19.cloned.1.call-start
scs
__scs_entry_jumppad:
0x0: {  	(pc) =	sbr.rel $0x88, $3  }
0x1: {  	(tag) =	ssettag $0x0;
	lr =	simm.s32 $0x1  }
0x2: {  	[smem:$0x3F81] =	sst lr;
	_ =	strace $0xD0000000  }
0x3: {  	_ = 	snop  }
0x4: {  	_ = 	snop  }
0x5: {  	_ = 	snop  }
0x6: {  	_ = 	snop  }
0x7: {  	_ = 	snop  }
__scs_overlays_trampoline_lowered:
0x8: {  	[smem:$0x3F90] =	sst s0  }
0x9: {  	[smem:$0x3F91] =	sst s1  }
0xa: {  	[smem:$0x3F92] =	sst s2  }
0xb: {  	[smem:$0x3F93] =	sst s3  }
0xc: {  	[smem:$0x3F94] =	sst s4  }
0xd: {  	[smem:$0x3F95] =	sst s5  }
0xe: {  	[smem:$0x3F96] =	sst s6  }
0xf: {  	[smem:$0x3F97] =	sst s7  }
0x10: {  	[smem:$0x3F98] =	sst s8  }
0x11: {  	[smem:$0x3F99] =	sst s9;
	s0 =	simm.s32 @!p0 $0x0  }
0x12: {  	s1 =	sld [smem:$0x3F7F];
	s0 =	simm.s32 @p0 $0x1  }
0x13: {  	[smem:$0x3F9A] =	sst s0;
	s0 =	simm.s32 @!p1 $0x0  }
0x14: {  	s2 =	sld [smem:$0x3F7E];
	s0 =	simm.s32 @p1 $0x1  }
0x15: {  	[smem:$0x3F9B] =	sst s0;
	s0 =	simm.s32 @!p2 $0x0  }
0x16: {  	s3 =	sld [smem:$0x3FDB];
	s0 =	simm.s32 @p2 $0x1  }
0x17: {  	s4 =	simm.s32 $0x1BF5;
	[smem:$0x3F9D] =	sst s0  }
0x18: {  	s0 =	sld [smem:$0x3F80];
	_ =	swait.ge [sflag:s4], $0x0  }
0x19: {  	s7 =	sld [smem:$0x3F81]  }
0x1a: {  	s8 =	sadd.s32 $0xFFFFE003, lr  }
0x1b: {  	s9 =	sadd.s32 $0xFFFFFEF7, lr;
	s5 =	simm.s32 $0xFFFFFFFF;
	p2 =	slt.u32 s8, $0xFFFFF086  }
0x1c: {  	p1 =	slt.u32 s9, $0xF7A;
	s5 =	simm.s32 @!p2 $0x0  }
0x1d: {  	s5 =	simm.s32 @p1 $0x1;
	p0 =	seq.s32 s7, s2  }
0x1e: {  	s7 =	smul.u32 @!p0 $0xF7A, s2;
	p2 =	seq.s32 @!p0 s5, $0x0  }
0x1f: {  	s9 =	smul.u32 $0xF7A, s1;
	s8 =	simm.s32 @!p0 $0x1BF5;
	p2 =	por !p2, p0  }
0x20: {  	[sflag:s8] =	ssyncset.s32 @!p0 $0xFFFFF086;
	s6 =	sadd.s32 @!p0 s3, s7;
	s7 =	simm.s32 @!p0 $0x108  }
0x21: {  	s3 =	sadd.s32 s3, s9;
	s6 =	sadd.s32 @!p0 $0x88, s6;
	s7 =	simm.s32 @p2 $0x1082  }
0x22: {  	[simem:s7], [sflag:s8] =	dma.local @!p0 [hbm:s6], $0xF7A  }
0x23: {  	s9 =	sor.u32 $0xD0000000, s2;
	s6 =	simm.s32 $0x108;
	_ =	swait.ge @!p0 [sflag:s8], $0x0  }
0x24: {  	s3 =	sadd.s32 $0x88, s3;
	s6 =	simm.s32 @!p1 $0x1082;
	[sflag:s4] =	ssyncset.s32 $0xFFFFF086  }
0x25: {  	[simem:s6], [sflag:s4] =	dma.local [hbm:s3], $0xF7A  }
0x26: {  	[smem:$0x3F81] =	sst s1;
	(tag) =	ssettag s2;
	_ =	strace s9  }
0x27: {  	s1 =	sld [smem:$0x3F91]  }
0x28: {  	s2 =	sld [smem:$0x3F92]  }
0x29: {  	s4 =	sld [smem:$0x3F94]  }
0x2a: {  	p0 =	seq.s32 s5, $0x0;
	s5 =	sld [smem:$0x3F95]  }
0x2b: {  	s6 =	sld [smem:$0x3F96]  }
0x2c: {  	s7 =	sld [smem:$0x3F97]  }
0x2d: {  	s3 =	simm.s32 $0x108;
	s8 =	sld [smem:$0x3F98]  }
0x2e: {  	s3 =	simm.s32 @!p0 $0x1082;
	s9 =	sld [smem:$0x3F99]  }
0x2f: {  	lr =	sadd.s32 s0, s3;
	s0 =	sld [smem:$0x3F90]  }
0x30: {  	s3 =	sld [smem:$0x3F93]  }
0x31: {  	[smem:$0x3F9C] =	sst s10  }
0x32: {  	s10 =	sld [smem:$0x3F9A];
	_ =	sdelay $0x3  }
0x33: {  	p0 =	seq.s32 s10, $0x1;
	s10 =	sld [smem:$0x3F9C];
	_ =	sdelay $0x3  }
0x34: {  	[smem:$0x3F9C] =	sst s10  }
0x35: {  	s10 =	sld [smem:$0x3F9B];
	_ =	sdelay $0x3  }
0x36: {  	p1 =	seq.s32 s10, $0x1;
	s10 =	sld [smem:$0x3F9C];
	_ =	sdelay $0x3  }
0x37: {  	[smem:$0x3F9C] =	sst s10  }
0x38: {  	s10 =	sld [smem:$0x3F9D]  }
0x39: {  	_ = 	snop;
	(pc) =	sbr.ind lr, $3  }
0x3a: {  	_ = 	snop  }
0x3b: {  	_ = 	snop  }
0x3c: {  	p2 =	seq.s32 s10, $0x1;
	s10 =	sld [smem:$0x3F9C]  }
0x3d: {  	_ =	shalt  }
0x3e: {  	_ =	shalt  }
0x3f: {  	_ =	shalt  }
0x40: {  	_ =	shalt  }
0x41: {  	_ =	shalt  }
0x42: {  	_ =	shalt  }
0x43: {  	_ =	shalt  }
0x44: {  	_ =	shalt  }
0x45: {  	_ =	shalt  }
0x46: {  	_ =	shalt  }
0x47: {  	_ =	shalt  }
0x48: {  	_ =	shalt  }
0x49: {  	_ =	shalt  }
0x4a: {  	_ =	shalt  }
0x4b: {  	_ =	shalt  }
0x4c: {  	_ =	shalt  }
0x4d: {  	_ =	shalt  }
0x4e: {  	_ =	shalt  }
0x4f: {  	_ =	shalt  }
0x50: {  	_ =	shalt  }
0x51: {  	_ =	shalt  }
0x52: {  	_ =	shalt  }
0x53: {  	_ =	shalt  }
0x54: {  	_ =	shalt  }
0x55: {  	_ =	shalt  }
0x56: {  	_ =	shalt  }
0x57: {  	_ =	shalt  }
0x58: {  	_ =	shalt  }
0x59: {  	_ =	shalt  }
0x5a: {  	_ =	shalt  }
0x5b: {  	_ =	shalt  }
0x5c: {  	_ =	shalt  }
0x5d: {  	_ =	shalt  }
0x5e: {  	_ =	shalt  }
0x5f: {  	_ =	shalt  }
0x60: {  	_ =	shalt  }
0x61: {  	_ =	shalt  }
0x62: {  	_ =	shalt  }
0x63: {  	_ =	shalt  }
0x64: {  	_ =	shalt  }
0x65: {  	_ =	shalt  }
0x66: {  	_ =	shalt  }
0x67: {  	_ =	shalt  }
0x68: {  	_ =	shalt  }
0x69: {  	_ =	shalt  }
0x6a: {  	_ =	shalt  }
0x6b: {  	_ =	shalt  }
0x6c: {  	_ =	shalt  }
0x6d: {  	_ =	shalt  }
0x6e: {  	_ =	shalt  }
0x6f: {  	_ =	shalt  }
0x70: {  	_ =	shalt  }
0x71: {  	_ =	shalt  }
0x72: {  	_ =	shalt  }
0x73: {  	_ =	shalt  }
0x74: {  	_ =	shalt  }
0x75: {  	_ =	shalt  }
0x76: {  	_ =	shalt  }
0x77: {  	_ =	shalt  }
0x78: {  	_ =	shalt  }
0x79: {  	_ =	shalt  }
0x7a: {  	_ =	shalt  }
0x7b: {  	_ =	shalt  }
0x7c: {  	_ =	shalt  }
0x7d: {  	_ =	shalt  }
0x7e: {  	_ =	shalt  }
0x7f: {  	_ =	shalt  }
0x80: {  	_ =	shalt  }
0x81: {  	_ =	shalt  }
0x82: {  	_ =	shalt  }
0x83: {  	_ =	shalt  }
0x84: {  	_ =	shalt  }
0x85: {  	_ =	shalt  }
0x86: {  	_ =	shalt  }
0x87: {  	_ =	shalt  }
.Lfunc_end0:
.L_simem_size_0:
called_computation.2_lowered:
.L_overlay_start_0:
0x88: {  	s2 =	sld [smem:$0x3FD9]  }
0x89: {  	s3 =	sld [smem:$0x3FFE];
	_ =	sdelay $0x1  }
0x8a: {  	s1 =	srdreg.scid  }
0x8b: {  	s0 =	sand.u32 $0x1, s1  }
0x8c: {  	s16 =	sshll.u32 s0, $0xA;
	s2 =	sadd.s32 s3, s2  }
0x8d: {  	s2 =	sadd.s32 s2, s16  }
0x8e: {  	[smem:$0x3FA8] =	sst s2  }
0x8f: {  	_ = 	snop  }
0x90: {  	(tm) =	ssettm $0x1  }
0x91: {  	s17 =	sld [smem:$0x3FFB];
	_ =	sdelay $0x3  }
0x92: {  	_ =	strace s17  }
0x93: {  	s2 =	sld [smem:$0x3FFC];
	_ =	sdelay $0x3  }
0x94: {  	_ =	strace s2  }
0x95: {  	s2 =	sld [smem:$0x3FFD];
	_ =	sdelay $0x3  }
0x96: {  	_ =	strace s2  }
0x97: {  	_ =	strace $0x8FFFFFFF  }
0x98: {  	s18 =	sld [smem:$0x3FDB];
	_ =	sdelay $0x1  }
0x99: {  	s19 =	simm.s32 $_scs_section_size  }
0x9a: {  	s4 =	simm.s32 $_size__tile_overlayer_lowered;
	s5 =	simm.s32 $_tile_overlayer_lowered  }
0x9b: {  	s22 =	simm.s32 $0x1BFF;
	s21 =	sshll.u32 s5, $0x1;
	s2 =	sadd.s32 s19, s18  }
0x9c: {  	s6 =	simm.s32 $0x0;
	s20 =	sshll.u32 s4, $0x1;
	s4 =	sadd.s32 s21, s2  }
0x9d: {  	[timem:s6], [sflag:s22] =	dma.local [hbm:s4], s20  }
0x9e: {  	_ =	swait.ge [sflag:s22], s20  }
0x9f: {  	s3 =	ssub.s32 $0x0, s20;
	[sflag:s22] =	ssyncset.done $0x0  }
0xa0: {  	[sflag:s22] =	ssyncadd.s32 s3;
	_ =	sdelay $0x1  }
0xa1: {  	s23 =	simm.s32 $0x1B8B  }
0xa2: {  	_ =	swait.ge [sflag:s23], $0x1  }
0xa3: {  	[sflag:s23] =	ssyncset.done $0x0  }
0xa4: {  	s25 =	simm.s32 $0x1B8E;
	s24 =	sld [smem:$0x3FFE];
	[sflag:s23] =	ssyncadd.s32 $0xFFFFFFFF  }
0xa5: {  	s26 =	simm.s32 $execute0_lowered;
	[smem:$0x3FD2] =	sst s25  }
0xa6: {  	s4 =	sshll.u32 s26, $0x1;
	_ =	strace $0x8000004C;
	[dreg:$0x1] =	wrdreg $0xFFFFFFFF  }
0xa7: {  	s28 =	simm.s32 $_size_execute0_lowered;
	s2 =	sadd.s32 s2, s4;
	[dreg:$0x0] =	wrdreg $0x0  }
0xa8: {  	s4 =	sshll.u32 s28, $0x1;
	[dreg:$0x2] =	wrdreg s2  }
0xa9: {  	[dreg:$0x3] =	wrdreg s4  }
0xaa: {  	[dreg:$0x4] =	wrdreg $0xC0  }
0xab: {  	_ =	task [dreg:s6], $0x5FFFF  }
0xac: {  	[dreg:$0x1] =	wrdreg $0xFFFFFFFF  }
0xad: {  	[dreg:$0x0] =	wrdreg $0x60  }
0xae: {  	[dreg:$0x2] =	wrdreg s24  }
0xaf: {  	[dreg:$0x3] =	wrdreg $0x9  }
0xb0: {  	_ =	task.clear_ibuf [dreg:s6], $0x4FFFF;
	_ =	strace $0x9000004C  }
0xb1: {  	s29 =	simm.s32 $0x9;
	_ =	strace $0x8000004E  }
0xb2: {  	_ =	swait.ge [sflag:s29], $0x1  }
0xb3: {  	[sflag:s29] =	ssyncadd.s32 $0xFFFFFFFF  }
0xb4: {  	_ =	strace $0x9000004E  }
0xb5: {  	_ =	sfence  }
0xb6: {  	s30 =	sld [smem:$0x0];
	_ =	sdelay $0x2  }
0xb7: {  	s31 =	sshll.u32 s1, $0xD;
	s1 =	sshrl.u32 s1, $0x2  }
0xb8: {  	s3 =	sand.u32 $0x4000, s31;
	s1 =	sadd.s32 s1, s30  }
0xb9: {  	s0 =	sor.u32 s3, s0;
	s1 =	sshll.u32 s1, $0x11  }
0xba: {  	s0 =	sor.u32 s1, s0  }
0xbb: {  	s0 =	sadd.s32 $0x8F2B, s0  }
0xbc: {  	[sflag:s0] =	ssyncadd.remote.s32 $0x1  }
0xbd: {  	_ =	sfence.sel $0xFFFF  }
0xbe: {  	[dreg:$0x0] =	wrdreg $0xFFFFFFFF;
	(pc) =	sbr.abs _section_cstart, $3  }
0xbf: {  	[dreg:$0x1] =	wrdreg $0xFFFFFFFF  }
0xc0: {  	_ =	task.clear_ibuf [dreg:s6], $0x2FFFF;
	_ =	strace $0x9FFFFFFF  }
0xc1: {  	(tm) =	ssettm $0x7FFFFFFF  }
tec
execute0_lowered:
.L_overlay_start_1:
0x0: {  	(tag) =	ssettag $0x1  }
0x1: {  	s4 =	rddreg [dreg:$0x0]  }
0x2: {  	s0 =	rddreg [dreg:$0x1];
	s2 =	simm.s32 $0x0;
	s1 =	stileid.u32  }
0x3: {  	s3 =	srdreg.scid;
	s20 =	simm.s32 $0x3;
	s16 =	smul.u32 $0x3480, s1  }
0x4: {  	s21 =	simm.s32 $0x5;
	s12 =	sand.u32 $0x1, s3;
	s17 =	smul.u32 $0xD2000, s1  }
0x5: {  	s22 =	simm.s32 $0x4;
	s5 =	sshll.u32 s1, $0x1;
	s18 =	smul.u32 $0x69000, s12  }
0x6: {  	s23 =	simm.s32 $0x6;
	s5 =	sor.u32 s12, s5;
	s19 =	smul.u32 $0x1A40, s12  }
0x7: {  	s24 =	simm.s32 $0x0;
	s3 =	sadd.s32 $0xB88200, s4;
	s8 =	smul.u32 $0xD200, s5  }
0x8: {  	[smem:$0x7FF] =	sst s2;
	s13 =	sadd.s32 $0xD23E00, s4;
	s6 =	smul.u32 $0x1A40, s5  }
0x9: {  	s14 =	sadd.s32 $0xD58600, s4;
	s26 =	ssub.s32 $0x2, s12;
	s10 =	smul.u32 $0x69000, s5  }
0xa: {  	_ =	strace $0x8000004D;
	s7 =	sshrl.u32 s26, $0x1;
	s29 =	smul.u32 $0x348000, s5  }
0xb: {  	s15 =	ssub.s32 s26, s7;
	s9 =	sshrl.u32 s8, $0x3;
	s4 =	sadd.s32 s13, s6  }
0xc: {  	s6 =	sadd.s32 s14, s10;
	s11 =	sadd.s32 $0xCF00, s8;
	s12 =	smax.u32 s15, $0x1  }
0xd: {  	s15 =	simm.s32 $0x1;
	s28 =	sadd.s32 s13, s9;
	s9 =	sshrl.u32 s29, $0x3  }
0xe: {  	s31 =	sshrl.u32 s11, $0x3;
	s11 =	sshll.u32 s11, $0x3;
	s5 =	sadd.s32 $0x60, s28  }
0xf: {  	s7 =	sadd.s32 $0xC0, s28;
	s30 =	sadd.s32 s14, s9;
	s9 =	sadd.s32 s13, s31  }
0x10: {  	s11 =	sadd.s32 s14, s11;
	s14 =	sadd.s32 s17, s14;
	s13 =	sadd.s32 s16, s13  }
0x11: {  	s16 =	simm.s32 $0x300;
	s17 =	simm.s32 $0x600;
	s8 =	sadd.s32 $0x64800, s30  }
0x12: {  	s10 =	sadd.s32 $0x66000, s30;
	s14 =	sadd.s32 s18, s14;
	s13 =	sadd.s32 s19, s13  }
0x13: {  	s18 =	simm.s32 $0x2;
	s19 =	simm.s32 $0xC600;
	s14 =	sadd.s32 $0x1800, s14  }
.LBB2_1:
0x14: {  	[tilespmem:s2], [sflag:$0x1] =	stream.linear.gather [hbm4b:s4+s2], $0x300, $0x38;
	[tilespmem:$0x18600] =	vst v63  }
0x15: {  	_ =	swait.ge [sflag:s15], $0x300  }
0x16: {  	[sflag:s15] =	ssyncset.done $0x0  }
0x17: {  	[sflag:s15] =	ssyncadd.s32 $0xFFFFFD00  }
0x18: {  	[tilespmem:s17], [sflag:$0x3] =	stream.indirect.gather [hbm4b:s3+s16], $0x40, s2, s16, $0xb8;
	[tilespmem:$0x18600] =	vst v63  }
0x19: {  	_ = 	snop  }
0x1a: {  	[tilespmem:s16], [sflag:$0x2] =	stream.linear.gather [hbm4b:s5+s2], $0x300, $0x38;
	[tilespmem:$0x18600] =	vst v63  }
0x1b: {  	_ =	swait.ge [sflag:s18], $0x300  }
0x1c: {  	[sflag:s18] =	ssyncset.done $0x0  }
0x1d: {  	[sflag:s18] =	ssyncadd.s32 $0xFFFFFD00  }
0x1e: {  	[tilespmem:s19], [sflag:$0x4] =	stream.indirect.gather [hbm4b:s3+s16], $0x40, s16, s16, $0xb8;
	[tilespmem:$0x18600] =	vst v63  }
0x1f: {  	_ =	swait.ge [sflag:s20], $0xC000  }
0x20: {  	[sflag:s20] =	ssyncset.done $0x0  }
0x21: {  	[sflag:s20] =	ssyncadd.s32 $0xFFFF4000  }
0x22: {  	[hbm4b:s6+s2] =	stream.linear.scatter [tilespmem:s17], [sflag:$0x5], $0xC000, $0x38;
	[tilespmem:$0x18600] =	vst v63  }
0x23: {  	_ = 	snop  }
0x24: {  	[tilespmem:s2], [sflag:$0x1] =	stream.linear.gather [hbm4b:s7+s2], $0x300, $0x38;
	[tilespmem:$0x18600] =	vst v63  }
0x25: {  	_ =	swait.ge [sflag:s15], $0x300  }
0x26: {  	[sflag:s15] =	ssyncset.done $0x0  }
0x27: {  	[sflag:s15] =	ssyncadd.s32 $0xFFFFFD00  }
0x28: {  	_ =	swait.ge [sflag:s21], $0xC000  }
0x29: {  	[sflag:s21] =	ssyncset.done $0x0  }
0x2a: {  	[sflag:s21] =	ssyncadd.s32 $0xFFFF4000  }
0x2b: {  	[tilespmem:s17], [sflag:$0x3] =	stream.indirect.gather [hbm4b:s3+s16], $0x40, s2, s16, $0xb8;
	[tilespmem:$0x18600] =	vst v63  }
0x2c: {  	_ =	swait.ge [sflag:s22], $0xC000  }
0x2d: {  	[sflag:s22] =	ssyncset.done $0x0  }
0x2e: {  	s26 =	sadd.s32 $0x0, s13;
	[sflag:s22] =	ssyncadd.s32 $0xFFFF4000  }
0x2f: {  	[hbm4b:s14+s2] =	stream.linear.scatter [tilespmem:s19], [sflag:$0x6], $0xC000, $0x38;
	[tilespmem:$0x18600] =	vst v63  }
0x30: {  	s25 =	sadd.s32 $0x120, s26  }
0x31: {  	[tilespmem:s16], [sflag:$0x2] =	stream.linear.gather [hbm4b:s25+s2], $0x300, $0x38;
	[tilespmem:$0x18600] =	vst v63  }
0x32: {  	_ =	swait.ge [sflag:s18], $0x300  }
0x33: {  	[sflag:s18] =	ssyncset.done $0x0  }
0x34: {  	[sflag:s18] =	ssyncadd.s32 $0xFFFFFD00  }
0x35: {  	_ =	swait.ge [sflag:s23], $0xC000  }
0x36: {  	[sflag:s23] =	ssyncset.done $0x0  }
0x37: {  	[sflag:s23] =	ssyncadd.s32 $0xFFFF4000  }
0x38: {  	[tilespmem:s19], [sflag:$0x4] =	stream.indirect.gather [hbm4b:s3+s16], $0x40, s16, s16, $0xb8;
	[tilespmem:$0x18600] =	vst v63  }
0x39: {  	_ =	swait.ge [sflag:s20], $0xC000  }
0x3a: {  	s31 =	sadd.s32 $0x1800, s14;
	s28 =	sadd.s32 $0x180, s26;
	[sflag:s20] =	ssyncset.done $0x0  }
0x3b: {  	s26 =	sadd.s32 $0x3000, s14;
	s25 =	simm.s32 $0xC0;
	[sflag:s20] =	ssyncadd.s32 $0xFFFF4000  }
0x3c: {  	[hbm4b:s31+s2] =	stream.linear.scatter [tilespmem:s17], [sflag:$0x5], $0xC000, $0x38;
	[tilespmem:$0x18600] =	vst v63  }
.LBB2_2:
0x3d: {  	[tilespmem:s2], [sflag:$0x1] =	stream.linear.gather [hbm4b:s28+s2], $0x300, $0x38;
	[tilespmem:$0x18600] =	vst v63  }
0x3e: {  	s28 =	smov.u32 s25  }
0x3f: {  	p0 =	sne.s32 s25, $0x1800;
	s25 =	sadd.s32 $0xC0, s25;
	_ =	swait.ge [sflag:s15], $0x300  }
0x40: {  	[sflag:s15] =	ssyncset.done $0x0  }
0x41: {  	[sflag:s15] =	ssyncadd.s32 $0xFFFFFD00  }
0x42: {  	_ =	swait.ge [sflag:s21], $0xC000  }
0x43: {  	[sflag:s21] =	ssyncset.done $0x0  }
0x44: {  	[sflag:s21] =	ssyncadd.s32 $0xFFFF4000  }
0x45: {  	[tilespmem:s17], [sflag:$0x3] =	stream.indirect.gather [hbm4b:s3+s16], $0x40, s2, s16, $0xb8;
	[tilespmem:$0x18600] =	vst v63  }
0x46: {  	_ =	swait.ge [sflag:s22], $0xC000  }
0x47: {  	[sflag:s22] =	ssyncset.done $0x0  }
0x48: {  	s28 =	sadd.s32 s28, s13;
	[sflag:s22] =	ssyncadd.s32 $0xFFFF4000  }
0x49: {  	[hbm4b:s26+s2] =	stream.linear.scatter [tilespmem:s19], [sflag:$0x6], $0xC000, $0x38;
	[tilespmem:$0x18600] =	vst v63  }
0x4a: {  	s29 =	sadd.s32 $0x120, s28  }
0x4b: {  	[tilespmem:s16], [sflag:$0x2] =	stream.linear.gather [hbm4b:s29+s2], $0x300, $0x38;
	[tilespmem:$0x18600] =	vst v63  }
0x4c: {  	_ =	swait.ge [sflag:s18], $0x300  }
0x4d: {  	[sflag:s18] =	ssyncset.done $0x0  }
0x4e: {  	[sflag:s18] =	ssyncadd.s32 $0xFFFFFD00  }
0x4f: {  	_ =	swait.ge [sflag:s23], $0xC000  }
0x50: {  	[sflag:s23] =	ssyncset.done $0x0  }
0x51: {  	[sflag:s23] =	ssyncadd.s32 $0xFFFF4000  }
0x52: {  	[tilespmem:s19], [sflag:$0x4] =	stream.indirect.gather [hbm4b:s3+s16], $0x40, s16, s16, $0xb8;
	[tilespmem:$0x18600] =	vst v63  }
.Ltmp0:
0x53: {  	_ =	swait.ge [sflag:s20], $0xC000;
	(pc) =	sbr.rel @p0 .LBB2_2-.Ltmp0, $4  }
0x54: {  	[sflag:s20] =	ssyncset.done $0x0  }
0x55: {  	s29 =	sadd.s32 $0x1800, s26;
	[sflag:s20] =	ssyncadd.s32 $0xFFFF4000  }
0x56: {  	[hbm4b:s29+s2] =	stream.linear.scatter [tilespmem:s17], [sflag:$0x5], $0xC000, $0x38;
	[tilespmem:$0x18600] =	vst v63  }
0x57: {  	s28 =	sadd.s32 $0x180, s28;
	s26 =	sadd.s32 $0x3000, s26  }
0x58: {  	[tilespmem:s2], [sflag:$0x1] =	stream.linear.gather [hbm4b:s28+s2], $0x300, $0x38;
	[tilespmem:$0x18600] =	vst v63  }
0x59: {  	_ =	swait.ge [sflag:s15], $0x300  }
0x5a: {  	[sflag:s15] =	ssyncset.done $0x0  }
0x5b: {  	[sflag:s15] =	ssyncadd.s32 $0xFFFFFD00  }
0x5c: {  	_ =	swait.ge [sflag:s21], $0xC000  }
0x5d: {  	[sflag:s21] =	ssyncset.done $0x0  }
0x5e: {  	[sflag:s21] =	ssyncadd.s32 $0xFFFF4000  }
0x5f: {  	[tilespmem:s17], [sflag:$0x3] =	stream.indirect.gather [hbm4b:s3+s16], $0x40, s2, s16, $0xb8;
	[tilespmem:$0x18600] =	vst v63  }
0x60: {  	_ =	swait.ge [sflag:s22], $0xC000  }
0x61: {  	[sflag:s22] =	ssyncset.done $0x0  }
0x62: {  	[sflag:s22] =	ssyncadd.s32 $0xFFFF4000  }
0x63: {  	[hbm4b:s8+s2] =	stream.linear.scatter [tilespmem:s19], [sflag:$0x6], $0xC000, $0x38;
	[tilespmem:$0x18600] =	vst v63  }
0x64: {  	_ = 	snop  }
0x65: {  	[tilespmem:s16], [sflag:$0x2] =	stream.linear.gather [hbm4b:s9+s2], $0x300, $0x38;
	[tilespmem:$0x18600] =	vst v63  }
0x66: {  	_ =	swait.ge [sflag:s18], $0x300  }
0x67: {  	[sflag:s18] =	ssyncset.done $0x0  }
0x68: {  	[sflag:s18] =	ssyncadd.s32 $0xFFFFFD00  }
0x69: {  	_ =	swait.ge [sflag:s23], $0xC000  }
0x6a: {  	[sflag:s23] =	ssyncset.done $0x0  }
0x6b: {  	[sflag:s23] =	ssyncadd.s32 $0xFFFF4000  }
0x6c: {  	[tilespmem:s19], [sflag:$0x4] =	stream.indirect.gather [hbm4b:s3+s16], $0x40, s16, s16, $0xb8;
	[tilespmem:$0x18600] =	vst v63  }
0x6d: {  	_ =	swait.ge [sflag:s20], $0xC000  }
0x6e: {  	[sflag:s20] =	ssyncset.done $0x0  }
0x6f: {  	[sflag:s20] =	ssyncadd.s32 $0xFFFF4000  }
0x70: {  	[hbm4b:s10+s2] =	stream.linear.scatter [tilespmem:s17], [sflag:$0x5], $0xC000, $0x38;
	[tilespmem:$0x18600] =	vst v63  }
0x71: {  	_ =	swait.ge [sflag:s22], $0xC000  }
0x72: {  	[sflag:s22] =	ssyncset.done $0x0  }
0x73: {  	s24 =	sadd.s32 $0x1, s24;
	[sflag:s22] =	ssyncadd.s32 $0xFFFF4000  }
0x74: {  	[hbm4b:s11+s2] =	stream.linear.scatter [tilespmem:s19], [sflag:$0x6], $0xC000, $0x38;
	[tilespmem:$0x18600] =	vst v63  }
0x75: {  	p0 =	sne.s32 s24, s12;
	_ =	swait.ge [sflag:s21], $0xC000  }
.Ltmp1:
0x76: {  	[sflag:s21] =	ssyncset.done $0x0;
	(pc) =	sbr.rel @p0 .LBB2_1-.Ltmp1, $4  }
0x77: {  	[sflag:s21] =	ssyncadd.s32 $0xFFFF4000  }
0x78: {  	_ =	swait.ge [sflag:s23], $0xC000  }
0x79: {  	[sflag:s23] =	ssyncset.done $0x0  }
0x7a: {  	[sflag:s23] =	ssyncadd.s32 $0xFFFF4000  }
0x7b: {  	_ =	sfence.sel $0x180000  }
0x7c: {  	[bflag:$0x0] =	sbarrier.arrive $0xFFFF  }
0x7d: {  	p0 =	sne.s32 s1, $0x0;
	_ =	strace $0x9000004D  }
0x7e: {  	s0 =	sadd.s32 @!p0 $0x100000, s0;
	[bflag:$0x2] =	sbarrier.arrive $0xFFFF  }
0x7f: {  	[sflag:s0] =	ssyncadd.tile.s32 @!p0 $0x1;
	_ =	shalt  }
.Lfunc_end2:
_tile_overlayer_lowered:
.L_overlay_start_2:
0x80: {  	(tag) =	ssettag $0x2  }
0x81: {  	s0 =	rddreg [dreg:$0x0];
	s2 =	stileid.u32  }
0x82: {  	s1 =	rddreg [dreg:$0x1];
	p0 =	sne.s32 s2, $0x0  }
0x83: {  	s3 =	rddreg [dreg:$0x2];
	[bflag:$0x3] =	sbarrier.arrive $0xFFFF;
	s2 =	simm.s32 @!p0 $0x1C07  }
0x84: {  	[timem:s3], [sflag:s2] =	dma.local @!p0 [hbm:s0], s1  }
0x85: {  	s0 =	simm.s32 @!p0 $0x7  }
0x86: {  	_ =	swait.ge @!p0 [sflag:s0], s1  }
0x87: {  	s1 =	ssub.s32 @!p0 $0x0, s1;
	[sflag:s0] =	ssyncset.done @!p0 $0x0  }
0x88: {  	[sflag:s0] =	ssyncadd.s32 @!p0 s1  }
0x89: {  	[bflag:$0x3] =	sbarrier.arrive $0xFFFF  }
0x8a: {  	_ =	shalt  }

// kernel: kernel.22.cloned.1.call-start
scs
__scs_entry_jumppad:
0x0: {  	(pc) =	sbr.rel $0x88, $3  }
0x1: {  	(tag) =	ssettag $0x0;
	lr =	simm.s32 $0x1  }
0x2: {  	[smem:$0x3F81] =	sst lr;
	_ =	strace $0xD0000000  }
0x3: {  	_ = 	snop  }
0x4: {  	_ = 	snop  }
0x5: {  	_ = 	snop  }
0x6: {  	_ = 	snop  }
0x7: {  	_ = 	snop  }
__scs_overlays_trampoline_lowered:
0x8: {  	[smem:$0x3F90] =	sst s0  }
0x9: {  	[smem:$0x3F91] =	sst s1  }
0xa: {  	[smem:$0x3F92] =	sst s2  }
0xb: {  	[smem:$0x3F93] =	sst s3  }
0xc: {  	[smem:$0x3F94] =	sst s4  }
0xd: {  	[smem:$0x3F95] =	sst s5  }
0xe: {  	[smem:$0x3F96] =	sst s6  }
0xf: {  	[smem:$0x3F97] =	sst s7  }
0x10: {  	[smem:$0x3F98] =	sst s8  }
0x11: {  	[smem:$0x3F99] =	sst s9;
	s0 =	simm.s32 @!p0 $0x0  }
0x12: {  	s1 =	sld [smem:$0x3F7F];
	s0 =	simm.s32 @p0 $0x1  }
0x13: {  	[smem:$0x3F9A] =	sst s0;
	s0 =	simm.s32 @!p1 $0x0  }
0x14: {  	s2 =	sld [smem:$0x3F7E];
	s0 =	simm.s32 @p1 $0x1  }
0x15: {  	[smem:$0x3F9B] =	sst s0;
	s0 =	simm.s32 @!p2 $0x0  }
0x16: {  	s3 =	sld [smem:$0x3FDB];
	s0 =	simm.s32 @p2 $0x1  }
0x17: {  	s4 =	simm.s32 $0x1BF5;
	[smem:$0x3F9D] =	sst s0  }
0x18: {  	s0 =	sld [smem:$0x3F80];
	_ =	swait.ge [sflag:s4], $0x0  }
0x19: {  	s7 =	sld [smem:$0x3F81]  }
0x1a: {  	s8 =	sadd.s32 $0xFFFFE003, lr  }
0x1b: {  	s9 =	sadd.s32 $0xFFFFFEF7, lr;
	s5 =	simm.s32 $0xFFFFFFFF;
	p2 =	slt.u32 s8, $0xFFFFF086  }
0x1c: {  	p1 =	slt.u32 s9, $0xF7A;
	s5 =	simm.s32 @!p2 $0x0  }
0x1d: {  	s5 =	simm.s32 @p1 $0x1;
	p0 =	seq.s32 s7, s2  }
0x1e: {  	s7 =	smul.u32 @!p0 $0xF7A, s2;
	p2 =	seq.s32 @!p0 s5, $0x0  }
0x1f: {  	s9 =	smul.u32 $0xF7A, s1;
	s8 =	simm.s32 @!p0 $0x1BF5;
	p2 =	por !p2, p0  }
0x20: {  	[sflag:s8] =	ssyncset.s32 @!p0 $0xFFFFF086;
	s6 =	sadd.s32 @!p0 s3, s7;
	s7 =	simm.s32 @!p0 $0x108  }
0x21: {  	s3 =	sadd.s32 s3, s9;
	s6 =	sadd.s32 @!p0 $0x88, s6;
	s7 =	simm.s32 @p2 $0x1082  }
0x22: {  	[simem:s7], [sflag:s8] =	dma.local @!p0 [hbm:s6], $0xF7A  }
0x23: {  	s9 =	sor.u32 $0xD0000000, s2;
	s6 =	simm.s32 $0x108;
	_ =	swait.ge @!p0 [sflag:s8], $0x0  }
0x24: {  	s3 =	sadd.s32 $0x88, s3;
	s6 =	simm.s32 @!p1 $0x1082;
	[sflag:s4] =	ssyncset.s32 $0xFFFFF086  }
0x25: {  	[simem:s6], [sflag:s4] =	dma.local [hbm:s3], $0xF7A  }
0x26: {  	[smem:$0x3F81] =	sst s1;
	(tag) =	ssettag s2;
	_ =	strace s9  }
0x27: {  	s1 =	sld [smem:$0x3F91]  }
0x28: {  	s2 =	sld [smem:$0x3F92]  }
0x29: {  	s4 =	sld [smem:$0x3F94]  }
0x2a: {  	p0 =	seq.s32 s5, $0x0;
	s5 =	sld [smem:$0x3F95]  }
0x2b: {  	s6 =	sld [smem:$0x3F96]  }
0x2c: {  	s7 =	sld [smem:$0x3F97]  }
0x2d: {  	s3 =	simm.s32 $0x108;
	s8 =	sld [smem:$0x3F98]  }
0x2e: {  	s3 =	simm.s32 @!p0 $0x1082;
	s9 =	sld [smem:$0x3F99]  }
0x2f: {  	lr =	sadd.s32 s0, s3;
	s0 =	sld [smem:$0x3F90]  }
0x30: {  	s3 =	sld [smem:$0x3F93]  }
0x31: {  	[smem:$0x3F9C] =	sst s10  }
0x32: {  	s10 =	sld [smem:$0x3F9A];
	_ =	sdelay $0x3  }
0x33: {  	p0 =	seq.s32 s10, $0x1;
	s10 =	sld [smem:$0x3F9C];
	_ =	sdelay $0x3  }
0x34: {  	[smem:$0x3F9C] =	sst s10  }
0x35: {  	s10 =	sld [smem:$0x3F9B];
	_ =	sdelay $0x3  }
0x36: {  	p1 =	seq.s32 s10, $0x1;
	s10 =	sld [smem:$0x3F9C];
	_ =	sdelay $0x3  }
0x37: {  	[smem:$0x3F9C] =	sst s10  }
0x38: {  	s10 =	sld [smem:$0x3F9D]  }
0x39: {  	_ = 	snop;
	(pc) =	sbr.ind lr, $3  }
0x3a: {  	_ = 	snop  }
0x3b: {  	_ = 	snop  }
0x3c: {  	p2 =	seq.s32 s10, $0x1;
	s10 =	sld [smem:$0x3F9C]  }
0x3d: {  	_ =	shalt  }
0x3e: {  	_ =	shalt  }
0x3f: {  	_ =	shalt  }
0x40: {  	_ =	shalt  }
0x41: {  	_ =	shalt  }
0x42: {  	_ =	shalt  }
0x43: {  	_ =	shalt  }
0x44: {  	_ =	shalt  }
0x45: {  	_ =	shalt  }
0x46: {  	_ =	shalt  }
0x47: {  	_ =	shalt  }
0x48: {  	_ =	shalt  }
0x49: {  	_ =	shalt  }
0x4a: {  	_ =	shalt  }
0x4b: {  	_ =	shalt  }
0x4c: {  	_ =	shalt  }
0x4d: {  	_ =	shalt  }
0x4e: {  	_ =	shalt  }
0x4f: {  	_ =	shalt  }
0x50: {  	_ =	shalt  }
0x51: {  	_ =	shalt  }
0x52: {  	_ =	shalt  }
0x53: {  	_ =	shalt  }
0x54: {  	_ =	shalt  }
0x55: {  	_ =	shalt  }
0x56: {  	_ =	shalt  }
0x57: {  	_ =	shalt  }
0x58: {  	_ =	shalt  }
0x59: {  	_ =	shalt  }
0x5a: {  	_ =	shalt  }
0x5b: {  	_ =	shalt  }
0x5c: {  	_ =	shalt  }
0x5d: {  	_ =	shalt  }
0x5e: {  	_ =	shalt  }
0x5f: {  	_ =	shalt  }
0x60: {  	_ =	shalt  }
0x61: {  	_ =	shalt  }
0x62: {  	_ =	shalt  }
0x63: {  	_ =	shalt  }
0x64: {  	_ =	shalt  }
0x65: {  	_ =	shalt  }
0x66: {  	_ =	shalt  }
0x67: {  	_ =	shalt  }
0x68: {  	_ =	shalt  }
0x69: {  	_ =	shalt  }
0x6a: {  	_ =	shalt  }
0x6b: {  	_ =	shalt  }
0x6c: {  	_ =	shalt  }
0x6d: {  	_ =	shalt  }
0x6e: {  	_ =	shalt  }
0x6f: {  	_ =	shalt  }
0x70: {  	_ =	shalt  }
0x71: {  	_ =	shalt  }
0x72: {  	_ =	shalt  }
0x73: {  	_ =	shalt  }
0x74: {  	_ =	shalt  }
0x75: {  	_ =	shalt  }
0x76: {  	_ =	shalt  }
0x77: {  	_ =	shalt  }
0x78: {  	_ =	shalt  }
0x79: {  	_ =	shalt  }
0x7a: {  	_ =	shalt  }
0x7b: {  	_ =	shalt  }
0x7c: {  	_ =	shalt  }
0x7d: {  	_ =	shalt  }
0x7e: {  	_ =	shalt  }
0x7f: {  	_ =	shalt  }
0x80: {  	_ =	shalt  }
0x81: {  	_ =	shalt  }
0x82: {  	_ =	shalt  }
0x83: {  	_ =	shalt  }
0x84: {  	_ =	shalt  }
0x85: {  	_ =	shalt  }
0x86: {  	_ =	shalt  }
0x87: {  	_ =	shalt  }
.Lfunc_end0:
.L_simem_size_0:
called_computation.3_lowered:
.L_overlay_start_0:
0x88: {  	s2 =	sld [smem:$0x3FD9]  }
0x89: {  	s3 =	sld [smem:$0x3FFE];
	_ =	sdelay $0x1  }
0x8a: {  	s1 =	srdreg.scid  }
0x8b: {  	s0 =	sand.u32 $0x1, s1  }
0x8c: {  	s16 =	sshll.u32 s0, $0xA;
	s2 =	sadd.s32 s3, s2  }
0x8d: {  	s2 =	sadd.s32 s2, s16  }
0x8e: {  	[smem:$0x3FA8] =	sst s2  }
0x8f: {  	_ = 	snop  }
0x90: {  	(tm) =	ssettm $0x1  }
0x91: {  	s17 =	sld [smem:$0x3FFB];
	_ =	sdelay $0x3  }
0x92: {  	_ =	strace s17  }
0x93: {  	s2 =	sld [smem:$0x3FFC];
	_ =	sdelay $0x3  }
0x94: {  	_ =	strace s2  }
0x95: {  	s2 =	sld [smem:$0x3FFD];
	_ =	sdelay $0x3  }
0x96: {  	_ =	strace s2  }
0x97: {  	_ =	strace $0x8FFFFFFF  }
0x98: {  	s18 =	sld [smem:$0x3FDB];
	_ =	sdelay $0x1  }
0x99: {  	s19 =	simm.s32 $_scs_section_size  }
0x9a: {  	s4 =	simm.s32 $_size__tile_overlayer_lowered;
	s5 =	simm.s32 $_tile_overlayer_lowered  }
0x9b: {  	s22 =	simm.s32 $0x1BFF;
	s21 =	sshll.u32 s5, $0x1;
	s2 =	sadd.s32 s19, s18  }
0x9c: {  	s6 =	simm.s32 $0x0;
	s20 =	sshll.u32 s4, $0x1;
	s4 =	sadd.s32 s21, s2  }
0x9d: {  	[timem:s6], [sflag:s22] =	dma.local [hbm:s4], s20  }
0x9e: {  	_ =	swait.ge [sflag:s22], s20  }
0x9f: {  	s3 =	ssub.s32 $0x0, s20;
	[sflag:s22] =	ssyncset.done $0x0  }
0xa0: {  	[sflag:s22] =	ssyncadd.s32 s3;
	_ =	sdelay $0x1  }
0xa1: {  	s23 =	simm.s32 $0x1B8B  }
0xa2: {  	_ =	swait.ge [sflag:s23], $0x1  }
0xa3: {  	[sflag:s23] =	ssyncset.done $0x0  }
0xa4: {  	s25 =	simm.s32 $0x1B8E;
	s24 =	sld [smem:$0x3FFE];
	[sflag:s23] =	ssyncadd.s32 $0xFFFFFFFF  }
0xa5: {  	s26 =	simm.s32 $execute0_lowered;
	[smem:$0x3FD2] =	sst s25  }
0xa6: {  	s4 =	sshll.u32 s26, $0x1;
	_ =	strace $0x8000004F;
	[dreg:$0x1] =	wrdreg $0xFFFFFFFF  }
0xa7: {  	s28 =	simm.s32 $_size_execute0_lowered;
	s2 =	sadd.s32 s2, s4;
	[dreg:$0x0] =	wrdreg $0x0  }
0xa8: {  	s4 =	sshll.u32 s28, $0x1;
	[dreg:$0x2] =	wrdreg s2  }
0xa9: {  	[dreg:$0x3] =	wrdreg s4  }
0xaa: {  	[dreg:$0x4] =	wrdreg $0xC0  }
0xab: {  	_ =	task [dreg:s6], $0x5FFFF  }
0xac: {  	[dreg:$0x1] =	wrdreg $0xFFFFFFFF  }
0xad: {  	[dreg:$0x0] =	wrdreg $0x60  }
0xae: {  	[dreg:$0x2] =	wrdreg s24  }
0xaf: {  	[dreg:$0x3] =	wrdreg $0x0  }
0xb0: {  	[dreg:$0x4] =	wrdreg $0x9  }
0xb1: {  	_ =	task.clear_ibuf [dreg:s6], $0x5FFFF;
	_ =	strace $0x9000004F  }
0xb2: {  	s29 =	simm.s32 $0x9;
	_ =	strace $0x80000051  }
0xb3: {  	_ =	swait.ge [sflag:s29], $0x1  }
0xb4: {  	[sflag:s29] =	ssyncadd.s32 $0xFFFFFFFF  }
0xb5: {  	_ =	strace $0x90000051  }
0xb6: {  	_ =	sfence  }
0xb7: {  	s30 =	sld [smem:$0x0];
	_ =	sdelay $0x2  }
0xb8: {  	s31 =	sshll.u32 s1, $0xD;
	s1 =	sshrl.u32 s1, $0x2  }
0xb9: {  	s3 =	sand.u32 $0x4000, s31;
	s1 =	sadd.s32 s1, s30  }
0xba: {  	s0 =	sor.u32 s3, s0;
	s1 =	sshll.u32 s1, $0x11  }
0xbb: {  	s0 =	sor.u32 s1, s0  }
0xbc: {  	s0 =	sadd.s32 $0x8F2B, s0  }
0xbd: {  	[sflag:s0] =	ssyncadd.remote.s32 $0x1  }
0xbe: {  	_ =	sfence.sel $0xFFFF  }
0xbf: {  	[dreg:$0x0] =	wrdreg $0xFFFFFFFF;
	(pc) =	sbr.abs _section_cstart, $3  }
0xc0: {  	[dreg:$0x1] =	wrdreg $0xFFFFFFFF  }
0xc1: {  	_ =	task.clear_ibuf [dreg:s6], $0x2FFFF;
	_ =	strace $0x9FFFFFFF  }
0xc2: {  	(tm) =	ssettm $0x7FFFFFFF  }
0xc3: {  	_ =	shalt  }
tec
execute0_lowered:
.L_overlay_start_1:
0x0: {  	(tag) =	ssettag $0x1  }
0x1: {  	s4 =	rddreg [dreg:$0x0]  }
0x2: {  	s0 =	stileid.u32;
	s2 =	rddreg [dreg:$0x1]  }
0x3: {  	s1 =	rddreg [dreg:$0x2];
	s3 =	simm.s32 $0x0;
	s5 =	smul.u32 $0x76200, s0  }
0x4: {  	s8 =	srdreg.scid;
	s15 =	simm.s32 $0x1B9C0;
	s6 =	smul.u32 $0x1A40, s0  }
0x5: {  	s16 =	simm.s32 $0x0;
	s7 =	smul.u32 $0x1B900, s0;
	[smem:$0x7FF] =	sst s3  }
0x6: {  	s8 =	sand.u32 $0x1, s8;
	s9 =	smul.u32 $0x3720, s0;
	s31 =	sshll.u32 s0, $0x6  }
0x7: {  	_ =	strace $0x80000050;
	s26 =	smul.u32 $0x37200, s8;
	s12 =	ssub.s32 $0x2, s8  }
0x8: {  	s14 =	smul.u32 $0xFFFF9E58, s8;
	s10 =	sadd.s32 s5, s4;
	s11 =	sadd.s32 s6, s4  }
0x9: {  	s28 =	sshrl.u32 s7, $0x3;
	s29 =	sshrl.u32 s12, $0x1;
	s30 =	sadd.s32 s7, s2  }
0xa: {  	s6 =	sadd.s32 s28, s4;
	s5 =	sadd.s32 s9, s26;
	s9 =	ssub.s32 s12, s29  }
0xb: {  	s8 =	sadd.s32 $0x1E200, s10;
	s10 =	sshrl.u32 s30, $0x3;
	s12 =	simm.s32 $0x1B900  }
0xc: {  	v0 =	vmov s14;
	s14 =	simm.s32 $0xC0;
	s13 =	sadd.s32 s5, s4;
	s4 =	sadd.s32 $0x780200, s6  }
0xd: {  	s5 =	sor.u32 $0x1C01, s31;
	s7 =	smax.u32 s9, $0x1;
	s9 =	sadd.s32 $0x3E00, s11  }
0xe: {  	s11 =	simm.s32 $0x1;
	s6 =	sadd.s32 $0x7B7400, s13;
	s13 =	simm.s32 $0x1BA80  }
.LBB2_1:
0xf: {  	[spmem:s10], [sflag:s5] =	dma.local [hbm:s4], $0x3720  }
0x10: {  	_ =	swait.ge [sflag:s11], $0x3720  }
0x11: {  	[sflag:s11] =	ssyncset.done $0x0  }
0x12: {  	s17 =	sadd.s32 $0x0, s9;
	s20 =	sadd.s32 $0x6C0, s8;
	[sflag:s11] =	ssyncadd.s32 $0xFFFFC8E0  }
0x13: {  	s18 =	simm.s32 $0x18;
	s21 =	simm.s32 $0x30;
	[bflag:$0x0] =	sbarrier.arrive $0xFFFF  }
0x14: {  	[tilespmem:s12], [sflag:$0x1] =	stream.linear.gather [hbm4b:s17+s3], $0xC0, $0x38;
	[tilespmem:$0x1F080] =	vst v63  }
0x15: {  	s19 =	smov.u32 s8;
	s17 =	smov.u32 s20;
	_ =	swait.ge [sflag:s11], $0xC0  }
.LBB2_2:
0x16: {  	p0 =	sne.s32 s21, $0x1A28;
	s20 =	sadd.s32 $0x6C0, s20;
	[sflag:s11] =	ssyncset.done $0x0  }
0x17: {  	s22 =	smov.u32 s21;
	s21 =	sadd.s32 $0x18, s21;
	[sflag:s11] =	ssyncadd.s32 $0xFFFFFF40  }
0x18: {  	v1 =	vld [tilespmem:$0x1B910]  }
0x19: {  	v2 =	vld [tilespmem:$0x1B940]  }
0x1a: {  	v3 =	vld [tilespmem:$0x1B980]  }
0x1b: {  	v4 =	vld [tilespmem:$0x1B970]  }
0x1c: {  	v5 =	vld [tilespmem:$0x1B930]  }
0x1d: {  	v6 =	vld [tilespmem:$0x1B950]  }
0x1e: {  	v2 =	vadd.s32 v0, v2;
	v7 =	vld [tilespmem:$0x1B960]  }
0x1f: {  	v1 =	vadd.s32 v0, v1;
	v2 =	vmin.u32 v2, $0x61A8;
	v3 =	vadd.s32 v0, v3;
	v8 =	vld [tilespmem:$0x1B990]  }
0x20: {  	v1 =	vmin.u32 v1, $0x61A8;
	[tilespmem:$0x1BA00] =	vst v2;
	v2 =	vadd.s32 v0, v4;
	v3 =	vmin.u32 v3, $0x61A8;
	v4 =	vld [tilespmem:$0x1B9A0]  }
0x21: {  	v9 =	vld [tilespmem:$0x1B920];
	v5 =	vadd.s32 v0, v5;
	v2 =	vmin.u32 v2, $0x61A8;
	[tilespmem:$0x1BA40] =	vst v3  }
0x22: {  	v3 =	vld [tilespmem:$0x1B900];
	[tilespmem:$0x1B9D0] =	vst v1;
	v1 =	vmin.u32 v5, $0x61A8;
	v5 =	vadd.s32 v0, v6  }
0x23: {  	[tilespmem:$0x1B9F0] =	vst v1;
	v1 =	vmin.u32 v5, $0x61A8;
	v5 =	vadd.s32 v0, v7;
	v6 =	vld [tilespmem:$0x1B9B0]  }
0x24: {  	[tilespmem:$0x1BA10] =	vst v1;
	v1 =	vmin.u32 v5, $0x61A8;
	v5 =	vadd.s32 v0, v8  }
0x25: {  	[tilespmem:$0x1BA20] =	vst v1;
	v1 =	vmin.u32 v5, $0x61A8;
	v4 =	vadd.s32 v0, v4  }
0x26: {  	v5 =	vadd.s32 v0, v9;
	[tilespmem:$0x1BA50] =	vst v1;
	v1 =	vmin.u32 v4, $0x61A8  }
0x27: {  	v3 =	vadd.s32 v0, v3;
	v4 =	vmin.u32 v5, $0x61A8;
	[tilespmem:$0x1BA60] =	vst v1  }
0x28: {  	v1 =	vmin.u32 v3, $0x61A8;
	[tilespmem:$0x1B9E0] =	vst v4;
	v3 =	vadd.s32 v0, v6  }
0x29: {  	[tilespmem:$0x1BA30] =	vst v2;
	v2 =	vmin.u32 v3, $0x61A8  }
0x2a: {  	[tilespmem:$0x1BA70] =	vst v2  }
0x2b: {  	[tilespmem:$0x1B9C0] =	vst v1  }
0x2c: {  	[tilespmem:s13], [sflag:$0x1] =	stream.linear.gather [hbm4b:s19+s3], $0x3600, $0x38;
	[tilespmem:$0x1F080] =	vst v63  }
0x2d: {  	s19 =	smov.u32 s17;
	s17 =	smov.u32 s20;
	_ =	swait.ge [sflag:s11], $0x3600  }
0x2e: {  	[sflag:s11] =	ssyncset.done $0x0  }
0x2f: {  	[sflag:s11] =	ssyncadd.s32 $0xFFFFCA00  }
0x30: {  	[spmem:s2] =	stream.indirect.scatter.add.f32 [tilespmem:s13], [sflag:$0x1], $0x48, s15, s14, $0xb8;
	[tilespmem:$0x1F080] =	vst v63  }
.Ltmp0:
0x31: {  	_ =	swait.ge [sflag:s11], $0x3600;
	(pc) =	sbr.rel @p0 .LBB2_2-.Ltmp0, $4  }
0x32: {  	[sflag:s11] =	ssyncset.done $0x0  }
0x33: {  	s23 =	sadd.s32 s18, s9;
	s18 =	smov.u32 s22;
	[sflag:s11] =	ssyncadd.s32 $0xFFFFCA00  }
0x34: {  	[tilespmem:s12], [sflag:$0x1] =	stream.linear.gather [hbm4b:s23+s3], $0xC0, $0x38;
	[tilespmem:$0x1F080] =	vst v63  }
0x35: {  	_ =	swait.ge [sflag:s11], $0xC0  }
0x36: {  	[sflag:s11] =	ssyncset.done $0x0  }
0x37: {  	[sflag:s11] =	ssyncadd.s32 $0xFFFFFF40  }
0x38: {  	v1 =	vld [tilespmem:$0x1B940]  }
0x39: {  	v3 =	vld [tilespmem:$0x1B910]  }
0x3a: {  	v2 =	vld [tilespmem:$0x1B980]  }
0x3b: {  	v4 =	vld [tilespmem:$0x1B930]  }
0x3c: {  	v5 =	vld [tilespmem:$0x1B950]  }
0x3d: {  	v6 =	vld [tilespmem:$0x1B960];
	v1 =	vadd.s32 v0, v1  }
0x3e: {  	v7 =	vld [tilespmem:$0x1B990];
	v3 =	vadd.s32 v0, v3;
	v1 =	vmin.u32 v1, $0x61A8  }
0x3f: {  	v8 =	vld [tilespmem:$0x1B920];
	v2 =	vadd.s32 v0, v2;
	v3 =	vmin.u32 v3, $0x61A8;
	[tilespmem:$0x1BA00] =	vst v1  }
0x40: {  	v4 =	vadd.s32 v0, v4;
	v1 =	vmin.u32 v2, $0x61A8;
	v2 =	vld [tilespmem:$0x1B9A0];
	[tilespmem:$0x1B9D0] =	vst v3  }
0x41: {  	v47 =	vadd.s32 v0, v5;
	v3 =	vmin.u32 v4, $0x61A8;
	[tilespmem:$0x1BA40] =	vst v1;
	v1 =	vld [tilespmem:$0x1B970]  }
0x42: {  	v49 =	vld [tilespmem:$0x1B9B0];
	v48 =	vadd.s32 v0, v6;
	[tilespmem:$0x1B9F0] =	vst v3;
	v3 =	vmin.u32 v47, $0x61A8  }
0x43: {  	v50 =	vld [tilespmem:$0x1B900];
	v51 =	vadd.s32 v0, v7;
	[tilespmem:$0x1BA10] =	vst v3;
	v3 =	vmin.u32 v48, $0x61A8  }
0x44: {  	v52 =	vadd.s32 v0, v8;
	[tilespmem:$0x1BA20] =	vst v3;
	v3 =	vmin.u32 v51, $0x61A8  }
0x45: {  	[tilespmem:$0x1BA50] =	vst v3;
	v3 =	vmin.u32 v52, $0x61A8;
	v2 =	vadd.s32 v0, v2  }
0x46: {  	[tilespmem:$0x1B9E0] =	vst v3;
	v2 =	vmin.u32 v2, $0x61A8;
	v1 =	vadd.s32 v0, v1  }
0x47: {  	[tilespmem:$0x1BA60] =	vst v2;
	v1 =	vmin.u32 v1, $0x61A8;
	v2 =	vadd.s32 v0, v49  }
0x48: {  	v3 =	vadd.s32 v0, v50;
	[tilespmem:$0x1BA30] =	vst v1;
	v1 =	vmin.u32 v2, $0x61A8  }
0x49: {  	v2 =	vmin.u32 v3, $0x61A8;
	[tilespmem:$0x1BA70] =	vst v1  }
0x4a: {  	[tilespmem:$0x1B9C0] =	vst v2  }
0x4b: {  	[tilespmem:s13], [sflag:$0x1] =	stream.linear.gather [hbm4b:s19+s3], $0x3600, $0x38;
	[tilespmem:$0x1F080] =	vst v63  }
0x4c: {  	_ =	swait.ge [sflag:s11], $0x3600  }
0x4d: {  	[sflag:s11] =	ssyncset.done $0x0  }
0x4e: {  	[sflag:s11] =	ssyncadd.s32 $0xFFFFCA00  }
0x4f: {  	[spmem:s2] =	stream.indirect.scatter.add.f32 [tilespmem:s13], [sflag:$0x1], $0x48, s15, s14, $0xb8;
	[tilespmem:$0x1F080] =	vst v63  }
0x50: {  	_ =	swait.ge [sflag:s11], $0x3600  }
0x51: {  	[sflag:s11] =	ssyncset.done $0x0  }
0x52: {  	s18 =	sadd.s32 s18, s9;
	[sflag:s11] =	ssyncadd.s32 $0xFFFFCA00  }
0x53: {  	[tilespmem:s12], [sflag:$0x1] =	stream.linear.gather [hbm4b:s18+s3], $0xC0, $0x38;
	[tilespmem:$0x1F080] =	vst v63  }
0x54: {  	_ =	swait.ge [sflag:s11], $0xC0  }
0x55: {  	[sflag:s11] =	ssyncset.done $0x0  }
0x56: {  	[sflag:s11] =	ssyncadd.s32 $0xFFFFFF40  }
0x57: {  	v1 =	vld [tilespmem:$0x1B940]  }
0x58: {  	v3 =	vld [tilespmem:$0x1B910]  }
0x59: {  	v2 =	vld [tilespmem:$0x1B980]  }
0x5a: {  	v53 =	vld [tilespmem:$0x1B930]  }
0x5b: {  	v54 =	vld [tilespmem:$0x1B950]  }
0x5c: {  	v55 =	vld [tilespmem:$0x1B960];
	v1 =	vadd.s32 v0, v1  }
0x5d: {  	v56 =	vld [tilespmem:$0x1B990];
	v3 =	vadd.s32 v0, v3;
	v1 =	vmin.u32 v1, $0x61A8  }
0x5e: {  	v57 =	vld [tilespmem:$0x1B920];
	v2 =	vadd.s32 v0, v2;
	v3 =	vmin.u32 v3, $0x61A8;
	[tilespmem:$0x1BA00] =	vst v1  }
0x5f: {  	v4 =	vadd.s32 v0, v53;
	v1 =	vmin.u32 v2, $0x61A8;
	v2 =	vld [tilespmem:$0x1B9A0];
	[tilespmem:$0x1B9D0] =	vst v3  }
0x60: {  	v58 =	vadd.s32 v0, v54;
	v3 =	vmin.u32 v4, $0x61A8;
	[tilespmem:$0x1BA40] =	vst v1;
	v1 =	vld [tilespmem:$0x1B970]  }
0x61: {  	v60 =	vld [tilespmem:$0x1B9B0];
	v59 =	vadd.s32 v0, v55;
	[tilespmem:$0x1B9F0] =	vst v3;
	v3 =	vmin.u32 v58, $0x61A8  }
0x62: {  	v61 =	vld [tilespmem:$0x1B900];
	v62 =	vadd.s32 v0, v56;
	[tilespmem:$0x1BA10] =	vst v3;
	v3 =	vmin.u32 v59, $0x61A8  }
0x63: {  	v63 =	vadd.s32 v0, v57;
	[tilespmem:$0x1BA20] =	vst v3;
	v3 =	vmin.u32 v62, $0x61A8  }
0x64: {  	[tilespmem:$0x1BA50] =	vst v3;
	v3 =	vmin.u32 v63, $0x61A8;
	v2 =	vadd.s32 v0, v2  }
0x65: {  	[tilespmem:$0x1B9E0] =	vst v3;
	v2 =	vmin.u32 v2, $0x61A8;
	v1 =	vadd.s32 v0, v1  }
0x66: {  	[tilespmem:$0x1BA60] =	vst v2;
	v1 =	vmin.u32 v1, $0x61A8;
	v2 =	vadd.s32 v0, v60  }
0x67: {  	v3 =	vadd.s32 v0, v61;
	[tilespmem:$0x1BA30] =	vst v1;
	v1 =	vmin.u32 v2, $0x61A8  }
0x68: {  	v2 =	vmin.u32 v3, $0x61A8;
	[tilespmem:$0x1BA70] =	vst v1  }
0x69: {  	[tilespmem:$0x1B9C0] =	vst v2  }
0x6a: {  	[tilespmem:s13], [sflag:$0x1] =	stream.linear.gather [hbm4b:s17+s3], $0x3600, $0x38;
	[tilespmem:$0x1F080] =	vst v63  }
0x6b: {  	_ =	swait.ge [sflag:s11], $0x3600  }
0x6c: {  	[sflag:s11] =	ssyncset.done $0x0  }
0x6d: {  	[sflag:s11] =	ssyncadd.s32 $0xFFFFCA00  }
0x6e: {  	[spmem:s2] =	stream.indirect.scatter.add.f32 [tilespmem:s13], [sflag:$0x1], $0x48, s15, s14, $0xb8;
	[tilespmem:$0x1F080] =	vst v63  }
0x6f: {  	_ =	swait.ge [sflag:s11], $0x3600  }
0x70: {  	s16 =	sadd.s32 $0x1, s16;
	[sflag:s11] =	ssyncset.done $0x0  }
0x71: {  	p0 =	sne.s32 s16, s7;
	[sflag:s11] =	ssyncadd.s32 $0xFFFFCA00  }
.Ltmp1:
0x72: {  	[bflag:$0x0] =	sbarrier.arrive $0xFFFF;
	(pc) =	sbr.rel @p0 .LBB2_1-.Ltmp1, $4  }
0x73: {  	[hbm:s6], [sflag:s5] =	dma.local [spmem:s10], $0x3720  }
0x74: {  	_ =	swait.ge [sflag:s11], $0x3720  }
0x75: {  	[sflag:s11] =	ssyncset.done $0x0  }
0x76: {  	[sflag:s11] =	ssyncadd.s32 $0xFFFFC8E0  }
0x77: {  	_ =	sfence.sel $0x180000  }
0x78: {  	[bflag:$0x0] =	sbarrier.arrive $0xFFFF  }
0x79: {  	p0 =	sne.s32 s0, $0x0;
	_ =	strace $0x90000050  }
0x7a: {  	s0 =	sadd.s32 @!p0 $0x100000, s1;
	[bflag:$0x2] =	sbarrier.arrive $0xFFFF  }
0x7b: {  	[sflag:s0] =	ssyncadd.tile.s32 @!p0 $0x1;
	_ =	shalt  }
.Lfunc_end2:
_tile_overlayer_lowered:
.L_overlay_start_2:
0x7c: {  	(tag) =	ssettag $0x2  }
0x7d: {  	s0 =	rddreg [dreg:$0x0];
	s2 =	stileid.u32  }
0x7e: {  	s1 =	rddreg [dreg:$0x1];
	p0 =	sne.s32 s2, $0x0  }
0x7f: {  	s3 =	rddreg [dreg:$0x2];
	[bflag:$0x3] =	sbarrier.arrive $0xFFFF;
	s2 =	simm.s32 @!p0 $0x1C01  }
0x80: {  	[timem:s3], [sflag:s2] =	dma.local @!p0 [hbm:s0], s1  }
0x81: {  	s0 =	simm.s32 @!p0 $0x1  }
0x82: {  	_ =	swait.ge @!p0 [sflag:s0], s1  }
0x83: {  	s1 =	ssub.s32 @!p0 $0x0, s1;
	[sflag:s0] =	ssyncset.done @!p0 $0x0  }
0x84: {  	[sflag:s0] =	ssyncadd.s32 @!p0 s1  }
0x85: {  	[bflag:$0x3] =	sbarrier.arrive $0xFFFF  }
0x86: {  	_ =	shalt  }

</sc_bundles>
